<compile_context>
chip_gen: v7x
topology: tpu7x:2x2x1
jax: 0.10.2.dev20260603
libtpu: 0.0.44.dev20260713+nightly
codegen_flags: <defaults>
</compile_context>

<pallas_src>
import functools

import jax
import jax.numpy as jnp
from jax import lax
from jax.experimental import pallas as pl
from jax.experimental.pallas import tpu as pltpu
from jax.experimental.pallas import tpu_sc as plsc

_F32 = jnp.float32


def _segment_sum_sc(table, edges_lin, zeros_blk):
    n, h = table.shape
    e = edges_lin.shape[0] // 2
    ncores, nsub = 2, 16
    nw = ncores * nsub
    epw = e // nw
    chunk = 2000
    nch = epw // chunk
    assert epw * nw == e and nch * chunk == epw and chunk % 8 == 0
    zrows = zeros_blk.shape[0]
    nzch = n // zrows
    assert nzch * zrows == n and zrows % 8 == 0
    zsteps = -(-nzch // nsub)

    mesh = plsc.VectorSubcoreMesh(core_axis_name="c", subcore_axis_name="s")

    @functools.partial(
        pl.kernel,
        out_type=jax.ShapeDtypeStruct((ncores, n, h), _F32),
        mesh=mesh,
        scratch_types=[
            pltpu.VMEM((nch, chunk), jnp.int32),
            pltpu.VMEM((nch, chunk), jnp.int32),
            pltpu.VMEM((2, chunk, h), _F32),
            pltpu.VMEM_SHARED((n, h), _F32),
            pltpu.SemaphoreType.DMA,
            pltpu.SemaphoreType.DMA,
            pltpu.SemaphoreType.DMA,
            pltpu.SemaphoreType.DMA,
            pltpu.SemaphoreType.DMA,
        ],
        compiler_params=pltpu.CompilerParams(use_tc_tiling_on_sc=False),
    )
    def seg_sum(table_hbm, edges_hbm, zeros_hbm, out_hbm,
                src_a, dst_a, rows_v, acc, gsem0, gsem1, ssem0, ssem1, isem):
        c = lax.axis_index("c")
        s = lax.axis_index("s")
        wid = s * ncores + c
        gsem = (gsem0, gsem1)
        ssem = (ssem0, ssem1)

        base_w = wid * epw
        idx_copies = []
        for t in range(nch):
            idx_copies.append(pltpu.async_copy(
                edges_hbm.at[pl.ds(base_w + t * chunk, chunk)],
                src_a.at[t], isem))
            idx_copies.append(pltpu.async_copy(
                edges_hbm.at[pl.ds(e + base_w + t * chunk, chunk)],
                dst_a.at[t], isem))

        for j0 in range(zsteps):
            j = s + nsub * j0
            @pl.when(j < nzch)
            def _():
                sl = pl.ds(j * zrows, zrows)
                pltpu.sync_copy(zeros_hbm, acc.at[sl])
        for cp in idx_copies:
            cp.wait()
        plsc.subcore_barrier()

        gathers = [pltpu.async_copy(table_hbm.at[src_a.at[0]], rows_v.at[0],
                                    gsem[0]), None]
        scatters = [None, None]
        for t in range(nch):
            b = t % 2
            gathers[b].wait()
            scatters[b] = pltpu.async_copy(
                rows_v.at[b], acc.at[dst_a.at[t]], ssem[b], add=True)
            if t + 1 < nch:
                nb = (t + 1) % 2
                if scatters[nb] is not None:
                    scatters[nb].wait()
                gathers[nb] = pltpu.async_copy(
                    table_hbm.at[src_a.at[t + 1]], rows_v.at[nb], gsem[nb])
        for b in range(2):
            if scatters[b] is not None:
                scatters[b].wait()

        plsc.subcore_barrier()
        for j0 in range(zsteps):
            j = s + nsub * j0
            @pl.when(j < nzch)
            def _():
                sl = pl.ds(j * zrows, zrows)
                pltpu.sync_copy(acc.at[sl], out_hbm.at[c, sl])

    return seg_sum(table, edges_lin, zeros_blk)


def _proj_packed(x3, edge_index, w1):
    n8 = x3.shape[0]
    rb = n8
    d = x3.shape[2]
    h = w1.shape[1]
    e = edge_index.shape[1]

    def body(x_ref, e_ref, w_ref, o_ref, el_ref):
        xs = x_ref[...]
        w = w_ref[...]
        ys = [jnp.dot(xs[:, a, :], w, preferred_element_type=_F32)
              for a in range(8)]
        o_ref[...] = jnp.concatenate(ys, axis=1)
        el_ref[...] = jnp.concatenate([e_ref[0], e_ref[1]])

    return pl.pallas_call(
        body,
        grid=(n8 // rb,),
        in_specs=[pl.BlockSpec((rb, 8, d), lambda i: (i, 0, 0)),
                  pl.BlockSpec((2, e), lambda i: (0, 0)),
                  pl.BlockSpec((d, h), lambda i: (0, 0))],
        out_specs=[pl.BlockSpec((rb, 8 * h), lambda i: (i, 0)),
                   pl.BlockSpec((2 * e,), lambda i: (0,))],
        out_shape=[jax.ShapeDtypeStruct((n8, 8 * h), _F32),
                   jax.ShapeDtypeStruct((2 * e,), jnp.int32)],
    )(x3, edge_index, w1)


def _mlp_mid_packed(y, parts, b1t, w2bd, b2t):
    n8, hp = y.shape
    rb = n8

    def body(y_ref, p_ref, b1_ref, w2_ref, b2_ref, o_ref):
        t = jnp.maximum(y_ref[...] + p_ref[0] + p_ref[1] + b1_ref[...], 0.0)
        u = jnp.dot(t, w2_ref[...], preferred_element_type=_F32) + b2_ref[...]
        o_ref[...] = jnp.maximum(u, 0.0)

    return pl.pallas_call(
        body,
        grid=(n8 // rb,),
        in_specs=[pl.BlockSpec((rb, hp), lambda i: (i, 0)),
                  pl.BlockSpec((2, rb, hp), lambda i: (0, i, 0)),
                  pl.BlockSpec((1, hp), lambda i: (0, 0)),
                  pl.BlockSpec((hp, hp), lambda i: (0, 0)),
                  pl.BlockSpec((1, hp), lambda i: (0, 0))],
        out_specs=pl.BlockSpec((rb, hp), lambda i: (i, 0)),
        out_shape=jax.ShapeDtypeStruct((n8, hp), _F32),
    )(y, parts, b1t.reshape(1, hp), w2bd, b2t.reshape(1, hp))


def _mlp_out_packed(hh, parts, w3bd, b3t, w4cat, b4cat):
    n8, hp = hh.shape
    rb = n8
    o = w4cat.shape[1] // 8

    def body(h_ref, p_ref, w3_ref, b3_ref, w4_ref, b4_ref, o_ref):
        g = h_ref[...] + p_ref[0] + p_ref[1]
        t = jnp.maximum(jnp.dot(g, w3_ref[...], preferred_element_type=_F32)
                        + b3_ref[...], 0.0)
        z = jnp.dot(t, w4_ref[...], preferred_element_type=_F32) + b4_ref[...]
        for a in range(8):
            za = z[:, a * o:(a + 1) * o]
            m = jnp.max(za, axis=1, keepdims=True)
            lse = jnp.log(jnp.sum(jnp.exp(za - m), axis=1, keepdims=True)) + m
            o_ref[:, a, :] = za - lse

    return pl.pallas_call(
        body,
        grid=(n8 // rb,),
        in_specs=[pl.BlockSpec((rb, hp), lambda i: (i, 0)),
                  pl.BlockSpec((2, rb, hp), lambda i: (0, i, 0)),
                  pl.BlockSpec((hp, hp), lambda i: (0, 0)),
                  pl.BlockSpec((1, hp), lambda i: (0, 0)),
                  pl.BlockSpec((hp, 8 * o), lambda i: (0, 0)),
                  pl.BlockSpec((1, 8 * o), lambda i: (0, 0))],
        out_specs=pl.BlockSpec((rb, 8, o), lambda i: (i, 0, 0)),
        out_shape=jax.ShapeDtypeStruct((n8, 8, o), _F32),
    )(hh, parts, w3bd, b3t.reshape(1, hp), w4cat, b4cat.reshape(1, 8 * o))


def kernel(x, edge_index, W1, b1, W2, b2, W3, b3, W4, b4):
    n, d = x.shape
    h = W1.shape[1]
    n8 = n // 8
    zeros_blk = jnp.zeros((1000, h), _F32)

    eye8 = jnp.eye(8, dtype=_F32)
    w2bd = jnp.kron(eye8, W2)
    w3bd = jnp.kron(eye8, W3)
    w4cat = jnp.kron(eye8, W4)
    b1t = jnp.tile(b1, 8)
    b2t = jnp.tile(b2, 8)
    b3t = jnp.tile(b3, 8)
    b4cat = jnp.tile(b4, 8)

    x3 = x.reshape(n8, 8, d)
    y, edges_lin = _proj_packed(x3, edge_index, W1)
    parts1 = _segment_sum_sc(y.reshape(n, h), edges_lin, zeros_blk)
    hh = _mlp_mid_packed(y, parts1.reshape(2, n8, 8 * h), b1t, w2bd, b2t)
    parts2 = _segment_sum_sc(hh.reshape(n, h), edges_lin, zeros_blk)
    out = _mlp_out_packed(hh, parts2.reshape(2, n8, 8 * h), w3bd, b3t,
                          w4cat, b4cat)
    return out.reshape(n, W4.shape[1])

# --- scband reference (transcript-rebuilt; emitter-appended) ---
"""Pipeline reference for scband-gin-29618094473882 (READ-ONLY COPY).

The authoritative reference and input builder live on the scoring server;
editing this copy changes nothing except your own understanding.
"""

import jax, jax.numpy as jnp
import numpy as np

N = 10000
E = 320000
D = 128
H = 16
O = 128


def setup_inputs(seed: int = 0) -> dict:
    key = jax.random.key(seed)
    ks = jax.random.split(key, 12)
    x = jax.random.normal(ks[0], (N, D), dtype=jnp.float32)
    edge_index = jax.random.randint(ks[1], (2, E), 0, N, dtype=jnp.int32)
    s1 = 1.0 / np.sqrt(D)
    s2 = 1.0 / np.sqrt(H)
    W1 = jax.random.uniform(ks[2], (D, H), dtype=jnp.float32, minval=-s1, maxval=s1)
    b1 = jax.random.uniform(ks[3], (H,), dtype=jnp.float32, minval=-s1, maxval=s1)
    W2 = jax.random.uniform(ks[4], (H, H), dtype=jnp.float32, minval=-s2, maxval=s2)
    b2 = jax.random.uniform(ks[5], (H,), dtype=jnp.float32, minval=-s2, maxval=s2)
    W3 = jax.random.uniform(ks[6], (H, H), dtype=jnp.float32, minval=-s2, maxval=s2)
    b3 = jax.random.uniform(ks[7], (H,), dtype=jnp.float32, minval=-s2, maxval=s2)
    W4 = jax.random.uniform(ks[8], (H, O), dtype=jnp.float32, minval=-s2, maxval=s2)
    b4 = jax.random.uniform(ks[9], (O,), dtype=jnp.float32, minval=-s2, maxval=s2)
    return {"x": x, "edge_index": edge_index, "W1": W1, "b1": b1, "W2": W2, "b2": b2,
            "W3": W3, "b3": b3, "W4": W4, "b4": b4}


def _gin_conv(x, src, dst, W_a, b_a, W_b, b_b):
    # GINConv with eps=0 (PyG default, train_eps=False):
    # out = MLP((1+eps)*x + sum_{j in N(i)} x_j)
    agg = jax.ops.segment_sum(x[src], dst, num_segments=x.shape[0])
    h = x + agg
    h = jnp.maximum(h @ W_a + b_a, 0.0)
    h = h @ W_b + b_b
    return h


def reference(x, edge_index, W1, b1, W2, b2, W3, b3, W4, b4):
    src = edge_index[0]
    dst = edge_index[1]
    h = _gin_conv(x, src, dst, W1, b1, W2, b2)
    h = jnp.maximum(h, 0.0)
    # F.dropout(p=0.5) treated as identity (deterministic eval reference)
    g = _gin_conv(h, src, dst, W3, b3, W4, b4)
    return jax.nn.log_softmax(g, axis=1)

if __name__ == "__main__":
    import jax
    _d = setup_inputs()
    print(jax.jit(kernel)(*tuple(_d.values())))

</pallas_src>

<mosaic_0001>
#map = affine_map<(d0, d1) -> (0, 0)>
#map1 = affine_map<(d0, d1) -> (0)>
#map2 = affine_map<(d0, d1) -> (0, 0, 0)>
module attributes {stable_mosaic.version = 14 : i64} {
  func.func @seg_sum(%arg0: i32, %arg1: i32, %arg2: memref<10000x16xf32, #tpu.memory_space<hbm>>, %arg3: memref<640000xi32, #tpu.memory_space<hbm>>, %arg4: memref<1000x16xf32, #tpu.memory_space<hbm>>, %arg5: memref<2x10000x16xf32, #tpu.memory_space<hbm>>, %arg6: memref<5x2000xi32, #tpu.memory_space<vmem>>, %arg7: memref<5x2000xi32, #tpu.memory_space<vmem>>, %arg8: memref<2x2000x16xf32, #tpu.memory_space<vmem>>, %arg9: memref<10000x16xf32, #tpu.memory_space<vmem_shared>>, %arg10: memref<!tpu.dma_semaphore, #tpu.memory_space<semaphore_mem>>, %arg11: memref<!tpu.dma_semaphore, #tpu.memory_space<semaphore_mem>>, %arg12: memref<!tpu.dma_semaphore, #tpu.memory_space<semaphore_mem>>, %arg13: memref<!tpu.dma_semaphore, #tpu.memory_space<semaphore_mem>>, %arg14: memref<!tpu.dma_semaphore, #tpu.memory_space<semaphore_mem>>) attributes {dimension_semantics = [#tpu.dimension_semantics<core_parallel>, #tpu.dimension_semantics<subcore_parallel>], iteration_bounds = array<i64: 2, 16>, scalar_prefetch = 0 : i64, scratch_operands = 9 : i64, tpu.core_type = #tpu.core_type<sc_vector_subcore>, window_params = [{transform_indices = #map}, {transform_indices = #map1}, {transform_indices = #map}, {transform_indices = #map2}]} {
    %mul3A = arith.constant 2 : i32
    %mul3A_0 = arith.muli %arg1, %mul3A : i32
    %add3A = arith.addi %mul3A_0, %arg0 : i32
    %mul3A_1 = arith.constant 10000 : i32
    %mul3A_2 = arith.muli %add3A, %mul3A_1 : i32
    %add3A_3 = arith.constant 0 : i32
    %add3A_4 = arith.addi %mul3A_2, %add3A_3 : i32
    %dma_start3A = arith.constant 0 : i32
    %dma_start3A_5 = arith.constant 0 : i32
    %dma_start3A_6 = tpu.memref_slice %arg6[%dma_start3A, %dma_start3A_5] : memref<5x2000xi32, #tpu.memory_space<vmem>> -> memref<1x2000xi32, #tpu.memory_space<vmem>>
    %dma_start3A_7 = tpu.memref_squeeze %dma_start3A_6 : memref<1x2000xi32, #tpu.memory_space<vmem>> -> memref<2000xi32, #tpu.memory_space<vmem>>
    %dma_start3A_8 = tpu.memref_slice %arg3[%add3A_4] : memref<640000xi32, #tpu.memory_space<hbm>> -> memref<2000xi32, #tpu.memory_space<hbm>>
    %dma_start3A_9 = arith.constant 0 : i32
    %dma_start3A_10 = tpu.memref_slice %arg6[%dma_start3A, %dma_start3A_9] : memref<5x2000xi32, #tpu.memory_space<vmem>> -> memref<1x2000xi32, #tpu.memory_space<vmem>>
    %dma_start3A_11 = tpu.memref_squeeze %dma_start3A_10 : memref<1x2000xi32, #tpu.memory_space<vmem>> -> memref<2000xi32, #tpu.memory_space<vmem>>
    %dma_start3A_12 = tpu.memref_slice %arg3[%add3A_4] : memref<640000xi32, #tpu.memory_space<hbm>> -> memref<2000xi32, #tpu.memory_space<hbm>>
    tpu.enqueue_dma source(%dma_start3A_12 : memref<2000xi32, #tpu.memory_space<hbm>>) target(%dma_start3A_11 : memref<2000xi32, #tpu.memory_space<vmem>>) target_semaphore(%arg14 : memref<!tpu.dma_semaphore, #tpu.memory_space<semaphore_mem>>)
    %add3A_13 = arith.constant 320000 : i32
    %add3A_14 = arith.addi %add3A_13, %mul3A_2 : i32
    %add3A_15 = arith.constant 0 : i32
    %add3A_16 = arith.addi %add3A_14, %add3A_15 : i32
    %dma_start3A_17 = arith.constant 0 : i32
    %dma_start3A_18 = arith.constant 0 : i32
    %dma_start3A_19 = tpu.memref_slice %arg7[%dma_start3A_17, %dma_start3A_18] : memref<5x2000xi32, #tpu.memory_space<vmem>> -> memref<1x2000xi32, #tpu.memory_space<vmem>>
    %dma_start3A_20 = tpu.memref_squeeze %dma_start3A_19 : memref<1x2000xi32, #tpu.memory_space<vmem>> -> memref<2000xi32, #tpu.memory_space<vmem>>
    %dma_start3A_21 = tpu.memref_slice %arg3[%add3A_16] : memref<640000xi32, #tpu.memory_space<hbm>> -> memref<2000xi32, #tpu.memory_space<hbm>>
    %dma_start3A_22 = arith.constant 0 : i32
    %dma_start3A_23 = tpu.memref_slice %arg7[%dma_start3A_17, %dma_start3A_22] : memref<5x2000xi32, #tpu.memory_space<vmem>> -> memref<1x2000xi32, #tpu.memory_space<vmem>>
    %dma_start3A_24 = tpu.memref_squeeze %dma_start3A_23 : memref<1x2000xi32, #tpu.memory_space<vmem>> -> memref<2000xi32, #tpu.memory_space<vmem>>
    %dma_start3A_25 = tpu.memref_slice %arg3[%add3A_16] : memref<640000xi32, #tpu.memory_space<hbm>> -> memref<2000xi32, #tpu.memory_space<hbm>>
    tpu.enqueue_dma source(%dma_start3A_25 : memref<2000xi32, #tpu.memory_space<hbm>>) target(%dma_start3A_24 : memref<2000xi32, #tpu.memory_space<vmem>>) target_semaphore(%arg14 : memref<!tpu.dma_semaphore, #tpu.memory_space<semaphore_mem>>)
    %add3A_26 = arith.constant 2000 : i32
    %add3A_27 = arith.addi %mul3A_2, %add3A_26 : i32
    %dma_start3A_28 = arith.constant 1 : i32
    %dma_start3A_29 = arith.constant 0 : i32
    %dma_start3A_30 = tpu.memref_slice %arg6[%dma_start3A_28, %dma_start3A_29] : memref<5x2000xi32, #tpu.memory_space<vmem>> -> memref<1x2000xi32, #tpu.memory_space<vmem>>
    %dma_start3A_31 = tpu.memref_squeeze %dma_start3A_30 : memref<1x2000xi32, #tpu.memory_space<vmem>> -> memref<2000xi32, #tpu.memory_space<vmem>>
    %dma_start3A_32 = tpu.memref_slice %arg3[%add3A_27] : memref<640000xi32, #tpu.memory_space<hbm>> -> memref<2000xi32, #tpu.memory_space<hbm>>
    %dma_start3A_33 = arith.constant 0 : i32
    %dma_start3A_34 = tpu.memref_slice %arg6[%dma_start3A_28, %dma_start3A_33] : memref<5x2000xi32, #tpu.memory_space<vmem>> -> memref<1x2000xi32, #tpu.memory_space<vmem>>
    %dma_start3A_35 = tpu.memref_squeeze %dma_start3A_34 : memref<1x2000xi32, #tpu.memory_space<vmem>> -> memref<2000xi32, #tpu.memory_space<vmem>>
    %dma_start3A_36 = tpu.memref_slice %arg3[%add3A_27] : memref<640000xi32, #tpu.memory_space<hbm>> -> memref<2000xi32, #tpu.memory_space<hbm>>
    tpu.enqueue_dma source(%dma_start3A_36 : memref<2000xi32, #tpu.memory_space<hbm>>) target(%dma_start3A_35 : memref<2000xi32, #tpu.memory_space<vmem>>) target_semaphore(%arg14 : memref<!tpu.dma_semaphore, #tpu.memory_space<semaphore_mem>>)
    %add3A_37 = arith.constant 320000 : i32
    %add3A_38 = arith.addi %add3A_37, %mul3A_2 : i32
    %add3A_39 = arith.constant 2000 : i32
    %add3A_40 = arith.addi %add3A_38, %add3A_39 : i32
    %dma_start3A_41 = arith.constant 1 : i32
    %dma_start3A_42 = arith.constant 0 : i32
    %dma_start3A_43 = tpu.memref_slice %arg7[%dma_start3A_41, %dma_start3A_42] : memref<5x2000xi32, #tpu.memory_space<vmem>> -> memref<1x2000xi32, #tpu.memory_space<vmem>>
    %dma_start3A_44 = tpu.memref_squeeze %dma_start3A_43 : memref<1x2000xi32, #tpu.memory_space<vmem>> -> memref<2000xi32, #tpu.memory_space<vmem>>
    %dma_start3A_45 = tpu.memref_slice %arg3[%add3A_40] : memref<640000xi32, #tpu.memory_space<hbm>> -> memref<2000xi32, #tpu.memory_space<hbm>>
    %dma_start3A_46 = arith.constant 0 : i32
    %dma_start3A_47 = tpu.memref_slice %arg7[%dma_start3A_41, %dma_start3A_46] : memref<5x2000xi32, #tpu.memory_space<vmem>> -> memref<1x2000xi32, #tpu.memory_space<vmem>>
    %dma_start3A_48 = tpu.memref_squeeze %dma_start3A_47 : memref<1x2000xi32, #tpu.memory_space<vmem>> -> memref<2000xi32, #tpu.memory_space<vmem>>
    %dma_start3A_49 = tpu.memref_slice %arg3[%add3A_40] : memref<640000xi32, #tpu.memory_space<hbm>> -> memref<2000xi32, #tpu.memory_space<hbm>>
    tpu.enqueue_dma source(%dma_start3A_49 : memref<2000xi32, #tpu.memory_space<hbm>>) target(%dma_start3A_48 : memref<2000xi32, #tpu.memory_space<vmem>>) target_semaphore(%arg14 : memref<!tpu.dma_semaphore, #tpu.memory_space<semaphore_mem>>)
    %add3A_50 = arith.constant 4000 : i32
    %add3A_51 = arith.addi %mul3A_2, %add3A_50 : i32
    %dma_start3A_52 = arith.constant 2 : i32
    %dma_start3A_53 = arith.constant 0 : i32
    %dma_start3A_54 = tpu.memref_slice %arg6[%dma_start3A_52, %dma_start3A_53] : memref<5x2000xi32, #tpu.memory_space<vmem>> -> memref<1x2000xi32, #tpu.memory_space<vmem>>
    %dma_start3A_55 = tpu.memref_squeeze %dma_start3A_54 : memref<1x2000xi32, #tpu.memory_space<vmem>> -> memref<2000xi32, #tpu.memory_space<vmem>>
    %dma_start3A_56 = tpu.memref_slice %arg3[%add3A_51] : memref<640000xi32, #tpu.memory_space<hbm>> -> memref<2000xi32, #tpu.memory_space<hbm>>
    %dma_start3A_57 = arith.constant 0 : i32
    %dma_start3A_58 = tpu.memref_slice %arg6[%dma_start3A_52, %dma_start3A_57] : memref<5x2000xi32, #tpu.memory_space<vmem>> -> memref<1x2000xi32, #tpu.memory_space<vmem>>
    %dma_start3A_59 = tpu.memref_squeeze %dma_start3A_58 : memref<1x2000xi32, #tpu.memory_space<vmem>> -> memref<2000xi32, #tpu.memory_space<vmem>>
    %dma_start3A_60 = tpu.memref_slice %arg3[%add3A_51] : memref<640000xi32, #tpu.memory_space<hbm>> -> memref<2000xi32, #tpu.memory_space<hbm>>
    tpu.enqueue_dma source(%dma_start3A_60 : memref<2000xi32, #tpu.memory_space<hbm>>) target(%dma_start3A_59 : memref<2000xi32, #tpu.memory_space<vmem>>) target_semaphore(%arg14 : memref<!tpu.dma_semaphore, #tpu.memory_space<semaphore_mem>>)
    %add3A_61 = arith.constant 320000 : i32
    %add3A_62 = arith.addi %add3A_61, %mul3A_2 : i32
    %add3A_63 = arith.constant 4000 : i32
    %add3A_64 = arith.addi %add3A_62, %add3A_63 : i32
    %dma_start3A_65 = arith.constant 2 : i32
    %dma_start3A_66 = arith.constant 0 : i32
    %dma_start3A_67 = tpu.memref_slice %arg7[%dma_start3A_65, %dma_start3A_66] : memref<5x2000xi32, #tpu.memory_space<vmem>> -> memref<1x2000xi32, #tpu.memory_space<vmem>>
    %dma_start3A_68 = tpu.memref_squeeze %dma_start3A_67 : memref<1x2000xi32, #tpu.memory_space<vmem>> -> memref<2000xi32, #tpu.memory_space<vmem>>
    %dma_start3A_69 = tpu.memref_slice %arg3[%add3A_64] : memref<640000xi32, #tpu.memory_space<hbm>> -> memref<2000xi32, #tpu.memory_space<hbm>>
    %dma_start3A_70 = arith.constant 0 : i32
    %dma_start3A_71 = tpu.memref_slice %arg7[%dma_start3A_65, %dma_start3A_70] : memref<5x2000xi32, #tpu.memory_space<vmem>> -> memref<1x2000xi32, #tpu.memory_space<vmem>>
    %dma_start3A_72 = tpu.memref_squeeze %dma_start3A_71 : memref<1x2000xi32, #tpu.memory_space<vmem>> -> memref<2000xi32, #tpu.memory_space<vmem>>
    %dma_start3A_73 = tpu.memref_slice %arg3[%add3A_64] : memref<640000xi32, #tpu.memory_space<hbm>> -> memref<2000xi32, #tpu.memory_space<hbm>>
    tpu.enqueue_dma source(%dma_start3A_73 : memref<2000xi32, #tpu.memory_space<hbm>>) target(%dma_start3A_72 : memref<2000xi32, #tpu.memory_space<vmem>>) target_semaphore(%arg14 : memref<!tpu.dma_semaphore, #tpu.memory_space<semaphore_mem>>)
    %add3A_74 = arith.constant 6000 : i32
    %add3A_75 = arith.addi %mul3A_2, %add3A_74 : i32
    %dma_start3A_76 = arith.constant 3 : i32
    %dma_start3A_77 = arith.constant 0 : i32
    %dma_start3A_78 = tpu.memref_slice %arg6[%dma_start3A_76, %dma_start3A_77] : memref<5x2000xi32, #tpu.memory_space<vmem>> -> memref<1x2000xi32, #tpu.memory_space<vmem>>
    %dma_start3A_79 = tpu.memref_squeeze %dma_start3A_78 : memref<1x2000xi32, #tpu.memory_space<vmem>> -> memref<2000xi32, #tpu.memory_space<vmem>>
    %dma_start3A_80 = tpu.memref_slice %arg3[%add3A_75] : memref<640000xi32, #tpu.memory_space<hbm>> -> memref<2000xi32, #tpu.memory_space<hbm>>
    %dma_start3A_81 = arith.constant 0 : i32
    %dma_start3A_82 = tpu.memref_slice %arg6[%dma_start3A_76, %dma_start3A_81] : memref<5x2000xi32, #tpu.memory_space<vmem>> -> memref<1x2000xi32, #tpu.memory_space<vmem>>
    %dma_start3A_83 = tpu.memref_squeeze %dma_start3A_82 : memref<1x2000xi32, #tpu.memory_space<vmem>> -> memref<2000xi32, #tpu.memory_space<vmem>>
    %dma_start3A_84 = tpu.memref_slice %arg3[%add3A_75] : memref<640000xi32, #tpu.memory_space<hbm>> -> memref<2000xi32, #tpu.memory_space<hbm>>
    tpu.enqueue_dma source(%dma_start3A_84 : memref<2000xi32, #tpu.memory_space<hbm>>) target(%dma_start3A_83 : memref<2000xi32, #tpu.memory_space<vmem>>) target_semaphore(%arg14 : memref<!tpu.dma_semaphore, #tpu.memory_space<semaphore_mem>>)
    %add3A_85 = arith.constant 320000 : i32
    %add3A_86 = arith.addi %add3A_85, %mul3A_2 : i32
    %add3A_87 = arith.constant 6000 : i32
    %add3A_88 = arith.addi %add3A_86, %add3A_87 : i32
    %dma_start3A_89 = arith.constant 3 : i32
    %dma_start3A_90 = arith.constant 0 : i32
    %dma_start3A_91 = tpu.memref_slice %arg7[%dma_start3A_89, %dma_start3A_90] : memref<5x2000xi32, #tpu.memory_space<vmem>> -> memref<1x2000xi32, #tpu.memory_space<vmem>>
    %dma_start3A_92 = tpu.memref_squeeze %dma_start3A_91 : memref<1x2000xi32, #tpu.memory_space<vmem>> -> memref<2000xi32, #tpu.memory_space<vmem>>
    %dma_start3A_93 = tpu.memref_slice %arg3[%add3A_88] : memref<640000xi32, #tpu.memory_space<hbm>> -> memref<2000xi32, #tpu.memory_space<hbm>>
    %dma_start3A_94 = arith.constant 0 : i32
    %dma_start3A_95 = tpu.memref_slice %arg7[%dma_start3A_89, %dma_start3A_94] : memref<5x2000xi32, #tpu.memory_space<vmem>> -> memref<1x2000xi32, #tpu.memory_space<vmem>>
    %dma_start3A_96 = tpu.memref_squeeze %dma_start3A_95 : memref<1x2000xi32, #tpu.memory_space<vmem>> -> memref<2000xi32, #tpu.memory_space<vmem>>
    %dma_start3A_97 = tpu.memref_slice %arg3[%add3A_88] : memref<640000xi32, #tpu.memory_space<hbm>> -> memref<2000xi32, #tpu.memory_space<hbm>>
    tpu.enqueue_dma source(%dma_start3A_97 : memref<2000xi32, #tpu.memory_space<hbm>>) target(%dma_start3A_96 : memref<2000xi32, #tpu.memory_space<vmem>>) target_semaphore(%arg14 : memref<!tpu.dma_semaphore, #tpu.memory_space<semaphore_mem>>)
    %add3A_98 = arith.constant 8000 : i32
    %add3A_99 = arith.addi %mul3A_2, %add3A_98 : i32
    %dma_start3A_100 = arith.constant 4 : i32
    %dma_start3A_101 = arith.constant 0 : i32
    %dma_start3A_102 = tpu.memref_slice %arg6[%dma_start3A_100, %dma_start3A_101] : memref<5x2000xi32, #tpu.memory_space<vmem>> -> memref<1x2000xi32, #tpu.memory_space<vmem>>
    %dma_start3A_103 = tpu.memref_squeeze %dma_start3A_102 : memref<1x2000xi32, #tpu.memory_space<vmem>> -> memref<2000xi32, #tpu.memory_space<vmem>>
    %dma_start3A_104 = tpu.memref_slice %arg3[%add3A_99] : memref<640000xi32, #tpu.memory_space<hbm>> -> memref<2000xi32, #tpu.memory_space<hbm>>
    %dma_start3A_105 = arith.constant 0 : i32
    %dma_start3A_106 = tpu.memref_slice %arg6[%dma_start3A_100, %dma_start3A_105] : memref<5x2000xi32, #tpu.memory_space<vmem>> -> memref<1x2000xi32, #tpu.memory_space<vmem>>
    %dma_start3A_107 = tpu.memref_squeeze %dma_start3A_106 : memref<1x2000xi32, #tpu.memory_space<vmem>> -> memref<2000xi32, #tpu.memory_space<vmem>>
    %dma_start3A_108 = tpu.memref_slice %arg3[%add3A_99] : memref<640000xi32, #tpu.memory_space<hbm>> -> memref<2000xi32, #tpu.memory_space<hbm>>
    tpu.enqueue_dma source(%dma_start3A_108 : memref<2000xi32, #tpu.memory_space<hbm>>) target(%dma_start3A_107 : memref<2000xi32, #tpu.memory_space<vmem>>) target_semaphore(%arg14 : memref<!tpu.dma_semaphore, #tpu.memory_space<semaphore_mem>>)
    %add3A_109 = arith.constant 320000 : i32
    %add3A_110 = arith.addi %add3A_109, %mul3A_2 : i32
    %add3A_111 = arith.constant 8000 : i32
    %add3A_112 = arith.addi %add3A_110, %add3A_111 : i32
    %dma_start3A_113 = arith.constant 4 : i32
    %dma_start3A_114 = arith.constant 0 : i32
    %dma_start3A_115 = tpu.memref_slice %arg7[%dma_start3A_113, %dma_start3A_114] : memref<5x2000xi32, #tpu.memory_space<vmem>> -> memref<1x2000xi32, #tpu.memory_space<vmem>>
    %dma_start3A_116 = tpu.memref_squeeze %dma_start3A_115 : memref<1x2000xi32, #tpu.memory_space<vmem>> -> memref<2000xi32, #tpu.memory_space<vmem>>
    %dma_start3A_117 = tpu.memref_slice %arg3[%add3A_112] : memref<640000xi32, #tpu.memory_space<hbm>> -> memref<2000xi32, #tpu.memory_space<hbm>>
    %dma_start3A_118 = arith.constant 0 : i32
    %dma_start3A_119 = tpu.memref_slice %arg7[%dma_start3A_113, %dma_start3A_118] : memref<5x2000xi32, #tpu.memory_space<vmem>> -> memref<1x2000xi32, #tpu.memory_space<vmem>>
    %dma_start3A_120 = tpu.memref_squeeze %dma_start3A_119 : memref<1x2000xi32, #tpu.memory_space<vmem>> -> memref<2000xi32, #tpu.memory_space<vmem>>
    %dma_start3A_121 = tpu.memref_slice %arg3[%add3A_112] : memref<640000xi32, #tpu.memory_space<hbm>> -> memref<2000xi32, #tpu.memory_space<hbm>>
    tpu.enqueue_dma source(%dma_start3A_121 : memref<2000xi32, #tpu.memory_space<hbm>>) target(%dma_start3A_120 : memref<2000xi32, #tpu.memory_space<vmem>>) target_semaphore(%arg14 : memref<!tpu.dma_semaphore, #tpu.memory_space<semaphore_mem>>)
    %add3A_122 = arith.constant 0 : i32
    %add3A_123 = arith.addi %arg1, %add3A_122 : i32
    %lt3A = arith.constant 10 : i32
    %lt3A_124 = arith.cmpi slt, %add3A_123, %lt3A : i32
    %convert_element_type3A = arith.extui %lt3A_124 : i1 to i32
    %cond3A = arith.constant 0 : i32
    %cond3A_125 = arith.cmpi ne, %convert_element_type3A, %cond3A : i32
    scf.if %cond3A_125 {
      %mul3A_463 = arith.constant 1000 : i32
      %mul3A_464 = arith.muli %add3A_123, %mul3A_463 : i32
      "tpu.region"() ({
        %run_scoped3A = tpu.sem_alloc : memref<!tpu.dma_semaphore, #tpu.memory_space<semaphore_mem>>
        %dma_start3A_465 = arith.constant 0 : i32
        %dma_start3A_466 = tpu.memref_slice %arg9[%mul3A_464, %dma_start3A_465] : memref<10000x16xf32, #tpu.memory_space<vmem_shared>> -> memref<1000x16xf32, #tpu.memory_space<vmem_shared>>
        tpu.enqueue_dma source(%arg4 : memref<1000x16xf32, #tpu.memory_space<hbm>>) target(%dma_start3A_466 : memref<1000x16xf32, #tpu.memory_space<vmem_shared>>) target_semaphore(%run_scoped3A : memref<!tpu.dma_semaphore, #tpu.memory_space<semaphore_mem>>)
        %dma_wait3A_467 = arith.constant 0 : i32
        %dma_wait3A_468 = tpu.memref_slice %arg9[%mul3A_464, %dma_wait3A_467] : memref<10000x16xf32, #tpu.memory_space<vmem_shared>> -> memref<1000x16xf32, #tpu.memory_space<vmem_shared>>
        tpu.wait_dma2 semaphore(%run_scoped3A : memref<!tpu.dma_semaphore, #tpu.memory_space<semaphore_mem>>) src(%arg4 : memref<1000x16xf32, #tpu.memory_space<hbm>>) dst(%dma_wait3A_468 : memref<1000x16xf32, #tpu.memory_space<vmem_shared>>)
        tpu.yield
      }) : () -> ()
    } else {
    }
    %dma_wait3A = arith.constant 0 : i32
    %dma_wait3A_126 = arith.constant 0 : i32
    %dma_wait3A_127 = tpu.memref_slice %arg6[%dma_wait3A, %dma_wait3A_126] : memref<5x2000xi32, #tpu.memory_space<vmem>> -> memref<1x2000xi32, #tpu.memory_space<vmem>>
    %dma_wait3A_128 = tpu.memref_squeeze %dma_wait3A_127 : memref<1x2000xi32, #tpu.memory_space<vmem>> -> memref<2000xi32, #tpu.memory_space<vmem>>
    %dma_wait3A_129 = tpu.memref_slice %arg3[%add3A_4] : memref<640000xi32, #tpu.memory_space<hbm>> -> memref<2000xi32, #tpu.memory_space<hbm>>
    %dma_wait3A_130 = arith.constant 0 : i32
    %dma_wait3A_131 = tpu.memref_slice %arg6[%dma_wait3A, %dma_wait3A_130] : memref<5x2000xi32, #tpu.memory_space<vmem>> -> memref<1x2000xi32, #tpu.memory_space<vmem>>
    %dma_wait3A_132 = tpu.memref_squeeze %dma_wait3A_131 : memref<1x2000xi32, #tpu.memory_space<vmem>> -> memref<2000xi32, #tpu.memory_space<vmem>>
    %dma_wait3A_133 = tpu.memref_slice %arg3[%add3A_4] : memref<640000xi32, #tpu.memory_space<hbm>> -> memref<2000xi32, #tpu.memory_space<hbm>>
    tpu.wait_dma2 semaphore(%arg14 : memref<!tpu.dma_semaphore, #tpu.memory_space<semaphore_mem>>) src(%dma_wait3A_133 : memref<2000xi32, #tpu.memory_space<hbm>>) dst(%dma_wait3A_132 : memref<2000xi32, #tpu.memory_space<vmem>>)
    %dma_wait3A_134 = arith.constant 0 : i32
    %dma_wait3A_135 = arith.constant 0 : i32
    %dma_wait3A_136 = tpu.memref_slice %arg7[%dma_wait3A_134, %dma_wait3A_135] : memref<5x2000xi32, #tpu.memory_space<vmem>> -> memref<1x2000xi32, #tpu.memory_space<vmem>>
    %dma_wait3A_137 = tpu.memref_squeeze %dma_wait3A_136 : memref<1x2000xi32, #tpu.memory_space<vmem>> -> memref<2000xi32, #tpu.memory_space<vmem>>
    %dma_wait3A_138 = tpu.memref_slice %arg3[%add3A_16] : memref<640000xi32, #tpu.memory_space<hbm>> -> memref<2000xi32, #tpu.memory_space<hbm>>
    %dma_wait3A_139 = arith.constant 0 : i32
    %dma_wait3A_140 = tpu.memref_slice %arg7[%dma_wait3A_134, %dma_wait3A_139] : memref<5x2000xi32, #tpu.memory_space<vmem>> -> memref<1x2000xi32, #tpu.memory_space<vmem>>
    %dma_wait3A_141 = tpu.memref_squeeze %dma_wait3A_140 : memref<1x2000xi32, #tpu.memory_space<vmem>> -> memref<2000xi32, #tpu.memory_space<vmem>>
    %dma_wait3A_142 = tpu.memref_slice %arg3[%add3A_16] : memref<640000xi32, #tpu.memory_space<hbm>> -> memref<2000xi32, #tpu.memory_space<hbm>>
    tpu.wait_dma2 semaphore(%arg14 : memref<!tpu.dma_semaphore, #tpu.memory_space<semaphore_mem>>) src(%dma_wait3A_142 : memref<2000xi32, #tpu.memory_space<hbm>>) dst(%dma_wait3A_141 : memref<2000xi32, #tpu.memory_space<vmem>>)
    %dma_wait3A_143 = arith.constant 1 : i32
    %dma_wait3A_144 = arith.constant 0 : i32
    %dma_wait3A_145 = tpu.memref_slice %arg6[%dma_wait3A_143, %dma_wait3A_144] : memref<5x2000xi32, #tpu.memory_space<vmem>> -> memref<1x2000xi32, #tpu.memory_space<vmem>>
    %dma_wait3A_146 = tpu.memref_squeeze %dma_wait3A_145 : memref<1x2000xi32, #tpu.memory_space<vmem>> -> memref<2000xi32, #tpu.memory_space<vmem>>
    %dma_wait3A_147 = tpu.memref_slice %arg3[%add3A_27] : memref<640000xi32, #tpu.memory_space<hbm>> -> memref<2000xi32, #tpu.memory_space<hbm>>
    %dma_wait3A_148 = arith.constant 0 : i32
    %dma_wait3A_149 = tpu.memref_slice %arg6[%dma_wait3A_143, %dma_wait3A_148] : memref<5x2000xi32, #tpu.memory_space<vmem>> -> memref<1x2000xi32, #tpu.memory_space<vmem>>
    %dma_wait3A_150 = tpu.memref_squeeze %dma_wait3A_149 : memref<1x2000xi32, #tpu.memory_space<vmem>> -> memref<2000xi32, #tpu.memory_space<vmem>>
    %dma_wait3A_151 = tpu.memref_slice %arg3[%add3A_27] : memref<640000xi32, #tpu.memory_space<hbm>> -> memref<2000xi32, #tpu.memory_space<hbm>>
    tpu.wait_dma2 semaphore(%arg14 : memref<!tpu.dma_semaphore, #tpu.memory_space<semaphore_mem>>) src(%dma_wait3A_151 : memref<2000xi32, #tpu.memory_space<hbm>>) dst(%dma_wait3A_150 : memref<2000xi32, #tpu.memory_space<vmem>>)
    %dma_wait3A_152 = arith.constant 1 : i32
    %dma_wait3A_153 = arith.constant 0 : i32
    %dma_wait3A_154 = tpu.memref_slice %arg7[%dma_wait3A_152, %dma_wait3A_153] : memref<5x2000xi32, #tpu.memory_space<vmem>> -> memref<1x2000xi32, #tpu.memory_space<vmem>>
    %dma_wait3A_155 = tpu.memref_squeeze %dma_wait3A_154 : memref<1x2000xi32, #tpu.memory_space<vmem>> -> memref<2000xi32, #tpu.memory_space<vmem>>
    %dma_wait3A_156 = tpu.memref_slice %arg3[%add3A_40] : memref<640000xi32, #tpu.memory_space<hbm>> -> memref<2000xi32, #tpu.memory_space<hbm>>
    %dma_wait3A_157 = arith.constant 0 : i32
    %dma_wait3A_158 = tpu.memref_slice %arg7[%dma_wait3A_152, %dma_wait3A_157] : memref<5x2000xi32, #tpu.memory_space<vmem>> -> memref<1x2000xi32, #tpu.memory_space<vmem>>
    %dma_wait3A_159 = tpu.memref_squeeze %dma_wait3A_158 : memref<1x2000xi32, #tpu.memory_space<vmem>> -> memref<2000xi32, #tpu.memory_space<vmem>>
    %dma_wait3A_160 = tpu.memref_slice %arg3[%add3A_40] : memref<640000xi32, #tpu.memory_space<hbm>> -> memref<2000xi32, #tpu.memory_space<hbm>>
    tpu.wait_dma2 semaphore(%arg14 : memref<!tpu.dma_semaphore, #tpu.memory_space<semaphore_mem>>) src(%dma_wait3A_160 : memref<2000xi32, #tpu.memory_space<hbm>>) dst(%dma_wait3A_159 : memref<2000xi32, #tpu.memory_space<vmem>>)
    %dma_wait3A_161 = arith.constant 2 : i32
    %dma_wait3A_162 = arith.constant 0 : i32
    %dma_wait3A_163 = tpu.memref_slice %arg6[%dma_wait3A_161, %dma_wait3A_162] : memref<5x2000xi32, #tpu.memory_space<vmem>> -> memref<1x2000xi32, #tpu.memory_space<vmem>>
    %dma_wait3A_164 = tpu.memref_squeeze %dma_wait3A_163 : memref<1x2000xi32, #tpu.memory_space<vmem>> -> memref<2000xi32, #tpu.memory_space<vmem>>
    %dma_wait3A_165 = tpu.memref_slice %arg3[%add3A_51] : memref<640000xi32, #tpu.memory_space<hbm>> -> memref<2000xi32, #tpu.memory_space<hbm>>
    %dma_wait3A_166 = arith.constant 0 : i32
    %dma_wait3A_167 = tpu.memref_slice %arg6[%dma_wait3A_161, %dma_wait3A_166] : memref<5x2000xi32, #tpu.memory_space<vmem>> -> memref<1x2000xi32, #tpu.memory_space<vmem>>
    %dma_wait3A_168 = tpu.memref_squeeze %dma_wait3A_167 : memref<1x2000xi32, #tpu.memory_space<vmem>> -> memref<2000xi32, #tpu.memory_space<vmem>>
    %dma_wait3A_169 = tpu.memref_slice %arg3[%add3A_51] : memref<640000xi32, #tpu.memory_space<hbm>> -> memref<2000xi32, #tpu.memory_space<hbm>>
    tpu.wait_dma2 semaphore(%arg14 : memref<!tpu.dma_semaphore, #tpu.memory_space<semaphore_mem>>) src(%dma_wait3A_169 : memref<2000xi32, #tpu.memory_space<hbm>>) dst(%dma_wait3A_168 : memref<2000xi32, #tpu.memory_space<vmem>>)
    %dma_wait3A_170 = arith.constant 2 : i32
    %dma_wait3A_171 = arith.constant 0 : i32
    %dma_wait3A_172 = tpu.memref_slice %arg7[%dma_wait3A_170, %dma_wait3A_171] : memref<5x2000xi32, #tpu.memory_space<vmem>> -> memref<1x2000xi32, #tpu.memory_space<vmem>>
    %dma_wait3A_173 = tpu.memref_squeeze %dma_wait3A_172 : memref<1x2000xi32, #tpu.memory_space<vmem>> -> memref<2000xi32, #tpu.memory_space<vmem>>
    %dma_wait3A_174 = tpu.memref_slice %arg3[%add3A_64] : memref<640000xi32, #tpu.memory_space<hbm>> -> memref<2000xi32, #tpu.memory_space<hbm>>
    %dma_wait3A_175 = arith.constant 0 : i32
    %dma_wait3A_176 = tpu.memref_slice %arg7[%dma_wait3A_170, %dma_wait3A_175] : memref<5x2000xi32, #tpu.memory_space<vmem>> -> memref<1x2000xi32, #tpu.memory_space<vmem>>
    %dma_wait3A_177 = tpu.memref_squeeze %dma_wait3A_176 : memref<1x2000xi32, #tpu.memory_space<vmem>> -> memref<2000xi32, #tpu.memory_space<vmem>>
    %dma_wait3A_178 = tpu.memref_slice %arg3[%add3A_64] : memref<640000xi32, #tpu.memory_space<hbm>> -> memref<2000xi32, #tpu.memory_space<hbm>>
    tpu.wait_dma2 semaphore(%arg14 : memref<!tpu.dma_semaphore, #tpu.memory_space<semaphore_mem>>) src(%dma_wait3A_178 : memref<2000xi32, #tpu.memory_space<hbm>>) dst(%dma_wait3A_177 : memref<2000xi32, #tpu.memory_space<vmem>>)
    %dma_wait3A_179 = arith.constant 3 : i32
    %dma_wait3A_180 = arith.constant 0 : i32
    %dma_wait3A_181 = tpu.memref_slice %arg6[%dma_wait3A_179, %dma_wait3A_180] : memref<5x2000xi32, #tpu.memory_space<vmem>> -> memref<1x2000xi32, #tpu.memory_space<vmem>>
    %dma_wait3A_182 = tpu.memref_squeeze %dma_wait3A_181 : memref<1x2000xi32, #tpu.memory_space<vmem>> -> memref<2000xi32, #tpu.memory_space<vmem>>
    %dma_wait3A_183 = tpu.memref_slice %arg3[%add3A_75] : memref<640000xi32, #tpu.memory_space<hbm>> -> memref<2000xi32, #tpu.memory_space<hbm>>
    %dma_wait3A_184 = arith.constant 0 : i32
    %dma_wait3A_185 = tpu.memref_slice %arg6[%dma_wait3A_179, %dma_wait3A_184] : memref<5x2000xi32, #tpu.memory_space<vmem>> -> memref<1x2000xi32, #tpu.memory_space<vmem>>
    %dma_wait3A_186 = tpu.memref_squeeze %dma_wait3A_185 : memref<1x2000xi32, #tpu.memory_space<vmem>> -> memref<2000xi32, #tpu.memory_space<vmem>>
    %dma_wait3A_187 = tpu.memref_slice %arg3[%add3A_75] : memref<640000xi32, #tpu.memory_space<hbm>> -> memref<2000xi32, #tpu.memory_space<hbm>>
    tpu.wait_dma2 semaphore(%arg14 : memref<!tpu.dma_semaphore, #tpu.memory_space<semaphore_mem>>) src(%dma_wait3A_187 : memref<2000xi32, #tpu.memory_space<hbm>>) dst(%dma_wait3A_186 : memref<2000xi32, #tpu.memory_space<vmem>>)
    %dma_wait3A_188 = arith.constant 3 : i32
    %dma_wait3A_189 = arith.constant 0 : i32
    %dma_wait3A_190 = tpu.memref_slice %arg7[%dma_wait3A_188, %dma_wait3A_189] : memref<5x2000xi32, #tpu.memory_space<vmem>> -> memref<1x2000xi32, #tpu.memory_space<vmem>>
    %dma_wait3A_191 = tpu.memref_squeeze %dma_wait3A_190 : memref<1x2000xi32, #tpu.memory_space<vmem>> -> memref<2000xi32, #tpu.memory_space<vmem>>
    %dma_wait3A_192 = tpu.memref_slice %arg3[%add3A_88] : memref<640000xi32, #tpu.memory_space<hbm>> -> memref<2000xi32, #tpu.memory_space<hbm>>
    %dma_wait3A_193 = arith.constant 0 : i32
    %dma_wait3A_194 = tpu.memref_slice %arg7[%dma_wait3A_188, %dma_wait3A_193] : memref<5x2000xi32, #tpu.memory_space<vmem>> -> memref<1x2000xi32, #tpu.memory_space<vmem>>
    %dma_wait3A_195 = tpu.memref_squeeze %dma_wait3A_194 : memref<1x2000xi32, #tpu.memory_space<vmem>> -> memref<2000xi32, #tpu.memory_space<vmem>>
    %dma_wait3A_196 = tpu.memref_slice %arg3[%add3A_88] : memref<640000xi32, #tpu.memory_space<hbm>> -> memref<2000xi32, #tpu.memory_space<hbm>>
    tpu.wait_dma2 semaphore(%arg14 : memref<!tpu.dma_semaphore, #tpu.memory_space<semaphore_mem>>) src(%dma_wait3A_196 : memref<2000xi32, #tpu.memory_space<hbm>>) dst(%dma_wait3A_195 : memref<2000xi32, #tpu.memory_space<vmem>>)
    %dma_wait3A_197 = arith.constant 4 : i32
    %dma_wait3A_198 = arith.constant 0 : i32
    %dma_wait3A_199 = tpu.memref_slice %arg6[%dma_wait3A_197, %dma_wait3A_198] : memref<5x2000xi32, #tpu.memory_space<vmem>> -> memref<1x2000xi32, #tpu.memory_space<vmem>>
    %dma_wait3A_200 = tpu.memref_squeeze %dma_wait3A_199 : memref<1x2000xi32, #tpu.memory_space<vmem>> -> memref<2000xi32, #tpu.memory_space<vmem>>
    %dma_wait3A_201 = tpu.memref_slice %arg3[%add3A_99] : memref<640000xi32, #tpu.memory_space<hbm>> -> memref<2000xi32, #tpu.memory_space<hbm>>
    %dma_wait3A_202 = arith.constant 0 : i32
    %dma_wait3A_203 = tpu.memref_slice %arg6[%dma_wait3A_197, %dma_wait3A_202] : memref<5x2000xi32, #tpu.memory_space<vmem>> -> memref<1x2000xi32, #tpu.memory_space<vmem>>
    %dma_wait3A_204 = tpu.memref_squeeze %dma_wait3A_203 : memref<1x2000xi32, #tpu.memory_space<vmem>> -> memref<2000xi32, #tpu.memory_space<vmem>>
    %dma_wait3A_205 = tpu.memref_slice %arg3[%add3A_99] : memref<640000xi32, #tpu.memory_space<hbm>> -> memref<2000xi32, #tpu.memory_space<hbm>>
    tpu.wait_dma2 semaphore(%arg14 : memref<!tpu.dma_semaphore, #tpu.memory_space<semaphore_mem>>) src(%dma_wait3A_205 : memref<2000xi32, #tpu.memory_space<hbm>>) dst(%dma_wait3A_204 : memref<2000xi32, #tpu.memory_space<vmem>>)
    %dma_wait3A_206 = arith.constant 4 : i32
    %dma_wait3A_207 = arith.constant 0 : i32
    %dma_wait3A_208 = tpu.memref_slice %arg7[%dma_wait3A_206, %dma_wait3A_207] : memref<5x2000xi32, #tpu.memory_space<vmem>> -> memref<1x2000xi32, #tpu.memory_space<vmem>>
    %dma_wait3A_209 = tpu.memref_squeeze %dma_wait3A_208 : memref<1x2000xi32, #tpu.memory_space<vmem>> -> memref<2000xi32, #tpu.memory_space<vmem>>
    %dma_wait3A_210 = tpu.memref_slice %arg3[%add3A_112] : memref<640000xi32, #tpu.memory_space<hbm>> -> memref<2000xi32, #tpu.memory_space<hbm>>
    %dma_wait3A_211 = arith.constant 0 : i32
    %dma_wait3A_212 = tpu.memref_slice %arg7[%dma_wait3A_206, %dma_wait3A_211] : memref<5x2000xi32, #tpu.memory_space<vmem>> -> memref<1x2000xi32, #tpu.memory_space<vmem>>
    %dma_wait3A_213 = tpu.memref_squeeze %dma_wait3A_212 : memref<1x2000xi32, #tpu.memory_space<vmem>> -> memref<2000xi32, #tpu.memory_space<vmem>>
    %dma_wait3A_214 = tpu.memref_slice %arg3[%add3A_112] : memref<640000xi32, #tpu.memory_space<hbm>> -> memref<2000xi32, #tpu.memory_space<hbm>>
    tpu.wait_dma2 semaphore(%arg14 : memref<!tpu.dma_semaphore, #tpu.memory_space<semaphore_mem>>) src(%dma_wait3A_214 : memref<2000xi32, #tpu.memory_space<hbm>>) dst(%dma_wait3A_213 : memref<2000xi32, #tpu.memory_space<vmem>>)
    %barrier3A = arith.constant 0 : index
    tpu.barrier barrier_id(%barrier3A)
    %dma_start3A_215 = arith.constant 0 : i32
    %dma_start3A_216 = arith.constant 0 : i32
    %dma_start3A_217 = arith.constant 0 : i32
    %dma_start3A_218 = arith.constant 0 : i32
    %dma_start3A_219 = tpu.memref_slice %arg8[%dma_start3A_216, %dma_start3A_217, %dma_start3A_218] : memref<2x2000x16xf32, #tpu.memory_space<vmem>> -> memref<1x2000x16xf32, #tpu.memory_space<vmem>>
    %dma_start3A_220 = tpu.memref_squeeze %dma_start3A_219 : memref<1x2000x16xf32, #tpu.memory_space<vmem>> -> memref<2000x16xf32, #tpu.memory_space<vmem>>
    %dma_start3A_221 = arith.constant 0 : i32
    %dma_start3A_222 = tpu.memref_slice %arg6[%dma_start3A_215, %dma_start3A_221] : memref<5x2000xi32, #tpu.memory_space<vmem>> -> memref<1x2000xi32, #tpu.memory_space<vmem>>
    %dma_start3A_223 = tpu.memref_squeeze %dma_start3A_222 : memref<1x2000xi32, #tpu.memory_space<vmem>> -> memref<2000xi32, #tpu.memory_space<vmem>>
    %dma_start3A_224 = arith.constant 0 : i32
    %dma_start3A_225 = arith.constant 0 : i32
    %dma_start3A_226 = tpu.memref_slice %arg2[%dma_start3A_224, %dma_start3A_225] : memref<10000x16xf32, #tpu.memory_space<hbm>> -> memref<10000x16xf32, #tpu.memory_space<hbm>>
    tpu.enqueue_indirect_dma source(%dma_start3A_226 : memref<10000x16xf32, #tpu.memory_space<hbm>>) target(%dma_start3A_220 : memref<2000x16xf32, #tpu.memory_space<vmem>>) offsets(%dma_start3A_223 : memref<2000xi32, #tpu.memory_space<vmem>>) semaphore(%arg10 : memref<!tpu.dma_semaphore, #tpu.memory_space<semaphore_mem>>)
    %dma_wait3A_227 = arith.constant 0 : i32
    %dma_wait3A_228 = arith.constant 0 : i32
    %dma_wait3A_229 = arith.constant 0 : i32
    %dma_wait3A_230 = arith.constant 0 : i32
    %dma_wait3A_231 = tpu.memref_slice %arg8[%dma_wait3A_228, %dma_wait3A_229, %dma_wait3A_230] : memref<2x2000x16xf32, #tpu.memory_space<vmem>> -> memref<1x2000x16xf32, #tpu.memory_space<vmem>>
    %dma_wait3A_232 = tpu.memref_squeeze %dma_wait3A_231 : memref<1x2000x16xf32, #tpu.memory_space<vmem>> -> memref<2000x16xf32, #tpu.memory_space<vmem>>
    %dma_wait3A_233 = arith.constant 0 : i32
    %dma_wait3A_234 = tpu.memref_slice %arg6[%dma_wait3A_227, %dma_wait3A_233] : memref<5x2000xi32, #tpu.memory_space<vmem>> -> memref<1x2000xi32, #tpu.memory_space<vmem>>
    %dma_wait3A_235 = tpu.memref_squeeze %dma_wait3A_234 : memref<1x2000xi32, #tpu.memory_space<vmem>> -> memref<2000xi32, #tpu.memory_space<vmem>>
    %dma_wait3A_236 = arith.constant 0 : i32
    %dma_wait3A_237 = arith.constant 0 : i32
    %dma_wait3A_238 = tpu.memref_slice %arg2[%dma_wait3A_236, %dma_wait3A_237] : memref<10000x16xf32, #tpu.memory_space<hbm>> -> memref<10000x16xf32, #tpu.memory_space<hbm>>
    tpu.wait_indirect_dma semaphore(%arg10 : memref<!tpu.dma_semaphore, #tpu.memory_space<semaphore_mem>>) src(%dma_wait3A_238 : memref<10000x16xf32, #tpu.memory_space<hbm>>) dst(%dma_wait3A_232 : memref<2000x16xf32, #tpu.memory_space<vmem>>)
    %dma_start3A_239 = arith.constant 0 : i32
    %dma_start3A_240 = arith.constant 0 : i32
    %dma_start3A_241 = arith.constant 0 : i32
    %dma_start3A_242 = arith.constant 0 : i32
    %dma_start3A_243 = tpu.memref_slice %arg8[%dma_start3A_239, %dma_start3A_241, %dma_start3A_242] : memref<2x2000x16xf32, #tpu.memory_space<vmem>> -> memref<1x2000x16xf32, #tpu.memory_space<vmem>>
    %dma_start3A_244 = tpu.memref_squeeze %dma_start3A_243 : memref<1x2000x16xf32, #tpu.memory_space<vmem>> -> memref<2000x16xf32, #tpu.memory_space<vmem>>
    %dma_start3A_245 = arith.constant 0 : i32
    %dma_start3A_246 = tpu.memref_slice %arg7[%dma_start3A_240, %dma_start3A_245] : memref<5x2000xi32, #tpu.memory_space<vmem>> -> memref<1x2000xi32, #tpu.memory_space<vmem>>
    %dma_start3A_247 = tpu.memref_squeeze %dma_start3A_246 : memref<1x2000xi32, #tpu.memory_space<vmem>> -> memref<2000xi32, #tpu.memory_space<vmem>>
    %dma_start3A_248 = arith.constant 0 : i32
    %dma_start3A_249 = arith.constant 0 : i32
    %dma_start3A_250 = tpu.memref_slice %arg9[%dma_start3A_248, %dma_start3A_249] : memref<10000x16xf32, #tpu.memory_space<vmem_shared>> -> memref<10000x16xf32, #tpu.memory_space<vmem_shared>>
    tpu.enqueue_indirect_dma source(%dma_start3A_244 : memref<2000x16xf32, #tpu.memory_space<vmem>>) target(%dma_start3A_250 : memref<10000x16xf32, #tpu.memory_space<vmem_shared>>) offsets(%dma_start3A_247 : memref<2000xi32, #tpu.memory_space<vmem>>) semaphore(%arg12 : memref<!tpu.dma_semaphore, #tpu.memory_space<semaphore_mem>>) {add = true}
    %dma_start3A_251 = arith.constant 1 : i32
    %dma_start3A_252 = arith.constant 1 : i32
    %dma_start3A_253 = arith.constant 0 : i32
    %dma_start3A_254 = arith.constant 0 : i32
    %dma_start3A_255 = tpu.memref_slice %arg8[%dma_start3A_252, %dma_start3A_253, %dma_start3A_254] : memref<2x2000x16xf32, #tpu.memory_space<vmem>> -> memref<1x2000x16xf32, #tpu.memory_space<vmem>>
    %dma_start3A_256 = tpu.memref_squeeze %dma_start3A_255 : memref<1x2000x16xf32, #tpu.memory_space<vmem>> -> memref<2000x16xf32, #tpu.memory_space<vmem>>
    %dma_start3A_257 = arith.constant 0 : i32
    %dma_start3A_258 = tpu.memref_slice %arg6[%dma_start3A_251, %dma_start3A_257] : memref<5x2000xi32, #tpu.memory_space<vmem>> -> memref<1x2000xi32, #tpu.memory_space<vmem>>
    %dma_start3A_259 = tpu.memref_squeeze %dma_start3A_258 : memref<1x2000xi32, #tpu.memory_space<vmem>> -> memref<2000xi32, #tpu.memory_space<vmem>>
    %dma_start3A_260 = arith.constant 0 : i32
    %dma_start3A_261 = arith.constant 0 : i32
    %dma_start3A_262 = tpu.memref_slice %arg2[%dma_start3A_260, %dma_start3A_261] : memref<10000x16xf32, #tpu.memory_space<hbm>> -> memref<10000x16xf32, #tpu.memory_space<hbm>>
    tpu.enqueue_indirect_dma source(%dma_start3A_262 : memref<10000x16xf32, #tpu.memory_space<hbm>>) target(%dma_start3A_256 : memref<2000x16xf32, #tpu.memory_space<vmem>>) offsets(%dma_start3A_259 : memref<2000xi32, #tpu.memory_space<vmem>>) semaphore(%arg11 : memref<!tpu.dma_semaphore, #tpu.memory_space<semaphore_mem>>)
    %dma_wait3A_263 = arith.constant 1 : i32
    %dma_wait3A_264 = arith.constant 1 : i32
    %dma_wait3A_265 = arith.constant 0 : i32
    %dma_wait3A_266 = arith.constant 0 : i32
    %dma_wait3A_267 = tpu.memref_slice %arg8[%dma_wait3A_264, %dma_wait3A_265, %dma_wait3A_266] : memref<2x2000x16xf32, #tpu.memory_space<vmem>> -> memref<1x2000x16xf32, #tpu.memory_space<vmem>>
    %dma_wait3A_268 = tpu.memref_squeeze %dma_wait3A_267 : memref<1x2000x16xf32, #tpu.memory_space<vmem>> -> memref<2000x16xf32, #tpu.memory_space<vmem>>
    %dma_wait3A_269 = arith.constant 0 : i32
    %dma_wait3A_270 = tpu.memref_slice %arg6[%dma_wait3A_263, %dma_wait3A_269] : memref<5x2000xi32, #tpu.memory_space<vmem>> -> memref<1x2000xi32, #tpu.memory_space<vmem>>
    %dma_wait3A_271 = tpu.memref_squeeze %dma_wait3A_270 : memref<1x2000xi32, #tpu.memory_space<vmem>> -> memref<2000xi32, #tpu.memory_space<vmem>>
    %dma_wait3A_272 = arith.constant 0 : i32
    %dma_wait3A_273 = arith.constant 0 : i32
    %dma_wait3A_274 = tpu.memref_slice %arg2[%dma_wait3A_272, %dma_wait3A_273] : memref<10000x16xf32, #tpu.memory_space<hbm>> -> memref<10000x16xf32, #tpu.memory_space<hbm>>
    tpu.wait_indirect_dma semaphore(%arg11 : memref<!tpu.dma_semaphore, #tpu.memory_space<semaphore_mem>>) src(%dma_wait3A_274 : memref<10000x16xf32, #tpu.memory_space<hbm>>) dst(%dma_wait3A_268 : memref<2000x16xf32, #tpu.memory_space<vmem>>)
    %dma_start3A_275 = arith.constant 1 : i32
    %dma_start3A_276 = arith.constant 1 : i32
    %dma_start3A_277 = arith.constant 0 : i32
    %dma_start3A_278 = arith.constant 0 : i32
    %dma_start3A_279 = tpu.memref_slice %arg8[%dma_start3A_275, %dma_start3A_277, %dma_start3A_278] : memref<2x2000x16xf32, #tpu.memory_space<vmem>> -> memref<1x2000x16xf32, #tpu.memory_space<vmem>>
    %dma_start3A_280 = tpu.memref_squeeze %dma_start3A_279 : memref<1x2000x16xf32, #tpu.memory_space<vmem>> -> memref<2000x16xf32, #tpu.memory_space<vmem>>
    %dma_start3A_281 = arith.constant 0 : i32
    %dma_start3A_282 = tpu.memref_slice %arg7[%dma_start3A_276, %dma_start3A_281] : memref<5x2000xi32, #tpu.memory_space<vmem>> -> memref<1x2000xi32, #tpu.memory_space<vmem>>
    %dma_start3A_283 = tpu.memref_squeeze %dma_start3A_282 : memref<1x2000xi32, #tpu.memory_space<vmem>> -> memref<2000xi32, #tpu.memory_space<vmem>>
    %dma_start3A_284 = arith.constant 0 : i32
    %dma_start3A_285 = arith.constant 0 : i32
    %dma_start3A_286 = tpu.memref_slice %arg9[%dma_start3A_284, %dma_start3A_285] : memref<10000x16xf32, #tpu.memory_space<vmem_shared>> -> memref<10000x16xf32, #tpu.memory_space<vmem_shared>>
    tpu.enqueue_indirect_dma source(%dma_start3A_280 : memref<2000x16xf32, #tpu.memory_space<vmem>>) target(%dma_start3A_286 : memref<10000x16xf32, #tpu.memory_space<vmem_shared>>) offsets(%dma_start3A_283 : memref<2000xi32, #tpu.memory_space<vmem>>) semaphore(%arg13 : memref<!tpu.dma_semaphore, #tpu.memory_space<semaphore_mem>>) {add = true}
    %dma_wait3A_287 = arith.constant 0 : i32
    %dma_wait3A_288 = arith.constant 0 : i32
    %dma_wait3A_289 = arith.constant 0 : i32
    %dma_wait3A_290 = arith.constant 0 : i32
    %dma_wait3A_291 = tpu.memref_slice %arg8[%dma_wait3A_287, %dma_wait3A_289, %dma_wait3A_290] : memref<2x2000x16xf32, #tpu.memory_space<vmem>> -> memref<1x2000x16xf32, #tpu.memory_space<vmem>>
    %dma_wait3A_292 = tpu.memref_squeeze %dma_wait3A_291 : memref<1x2000x16xf32, #tpu.memory_space<vmem>> -> memref<2000x16xf32, #tpu.memory_space<vmem>>
    %dma_wait3A_293 = arith.constant 0 : i32
    %dma_wait3A_294 = tpu.memref_slice %arg7[%dma_wait3A_288, %dma_wait3A_293] : memref<5x2000xi32, #tpu.memory_space<vmem>> -> memref<1x2000xi32, #tpu.memory_space<vmem>>
    %dma_wait3A_295 = tpu.memref_squeeze %dma_wait3A_294 : memref<1x2000xi32, #tpu.memory_space<vmem>> -> memref<2000xi32, #tpu.memory_space<vmem>>
    %dma_wait3A_296 = arith.constant 0 : i32
    %dma_wait3A_297 = arith.constant 0 : i32
    %dma_wait3A_298 = tpu.memref_slice %arg9[%dma_wait3A_296, %dma_wait3A_297] : memref<10000x16xf32, #tpu.memory_space<vmem_shared>> -> memref<10000x16xf32, #tpu.memory_space<vmem_shared>>
    tpu.wait_indirect_dma semaphore(%arg12 : memref<!tpu.dma_semaphore, #tpu.memory_space<semaphore_mem>>) src(%dma_wait3A_292 : memref<2000x16xf32, #tpu.memory_space<vmem>>) dst(%dma_wait3A_298 : memref<10000x16xf32, #tpu.memory_space<vmem_shared>>)
    %dma_start3A_299 = arith.constant 2 : i32
    %dma_start3A_300 = arith.constant 0 : i32
    %dma_start3A_301 = arith.constant 0 : i32
    %dma_start3A_302 = arith.constant 0 : i32
    %dma_start3A_303 = tpu.memref_slice %arg8[%dma_start3A_300, %dma_start3A_301, %dma_start3A_302] : memref<2x2000x16xf32, #tpu.memory_space<vmem>> -> memref<1x2000x16xf32, #tpu.memory_space<vmem>>
    %dma_start3A_304 = tpu.memref_squeeze %dma_start3A_303 : memref<1x2000x16xf32, #tpu.memory_space<vmem>> -> memref<2000x16xf32, #tpu.memory_space<vmem>>
    %dma_start3A_305 = arith.constant 0 : i32
    %dma_start3A_306 = tpu.memref_slice %arg6[%dma_start3A_299, %dma_start3A_305] : memref<5x2000xi32, #tpu.memory_space<vmem>> -> memref<1x2000xi32, #tpu.memory_space<vmem>>
    %dma_start3A_307 = tpu.memref_squeeze %dma_start3A_306 : memref<1x2000xi32, #tpu.memory_space<vmem>> -> memref<2000xi32, #tpu.memory_space<vmem>>
    %dma_start3A_308 = arith.constant 0 : i32
    %dma_start3A_309 = arith.constant 0 : i32
    %dma_start3A_310 = tpu.memref_slice %arg2[%dma_start3A_308, %dma_start3A_309] : memref<10000x16xf32, #tpu.memory_space<hbm>> -> memref<10000x16xf32, #tpu.memory_space<hbm>>
    tpu.enqueue_indirect_dma source(%dma_start3A_310 : memref<10000x16xf32, #tpu.memory_space<hbm>>) target(%dma_start3A_304 : memref<2000x16xf32, #tpu.memory_space<vmem>>) offsets(%dma_start3A_307 : memref<2000xi32, #tpu.memory_space<vmem>>) semaphore(%arg10 : memref<!tpu.dma_semaphore, #tpu.memory_space<semaphore_mem>>)
    %dma_wait3A_311 = arith.constant 2 : i32
    %dma_wait3A_312 = arith.constant 0 : i32
    %dma_wait3A_313 = arith.constant 0 : i32
    %dma_wait3A_314 = arith.constant 0 : i32
    %dma_wait3A_315 = tpu.memref_slice %arg8[%dma_wait3A_312, %dma_wait3A_313, %dma_wait3A_314] : memref<2x2000x16xf32, #tpu.memory_space<vmem>> -> memref<1x2000x16xf32, #tpu.memory_space<vmem>>
    %dma_wait3A_316 = tpu.memref_squeeze %dma_wait3A_315 : memref<1x2000x16xf32, #tpu.memory_space<vmem>> -> memref<2000x16xf32, #tpu.memory_space<vmem>>
    %dma_wait3A_317 = arith.constant 0 : i32
    %dma_wait3A_318 = tpu.memref_slice %arg6[%dma_wait3A_311, %dma_wait3A_317] : memref<5x2000xi32, #tpu.memory_space<vmem>> -> memref<1x2000xi32, #tpu.memory_space<vmem>>
    %dma_wait3A_319 = tpu.memref_squeeze %dma_wait3A_318 : memref<1x2000xi32, #tpu.memory_space<vmem>> -> memref<2000xi32, #tpu.memory_space<vmem>>
    %dma_wait3A_320 = arith.constant 0 : i32
    %dma_wait3A_321 = arith.constant 0 : i32
    %dma_wait3A_322 = tpu.memref_slice %arg2[%dma_wait3A_320, %dma_wait3A_321] : memref<10000x16xf32, #tpu.memory_space<hbm>> -> memref<10000x16xf32, #tpu.memory_space<hbm>>
    tpu.wait_indirect_dma semaphore(%arg10 : memref<!tpu.dma_semaphore, #tpu.memory_space<semaphore_mem>>) src(%dma_wait3A_322 : memref<10000x16xf32, #tpu.memory_space<hbm>>) dst(%dma_wait3A_316 : memref<2000x16xf32, #tpu.memory_space<vmem>>)
    %dma_start3A_323 = arith.constant 0 : i32
    %dma_start3A_324 = arith.constant 2 : i32
    %dma_start3A_325 = arith.constant 0 : i32
    %dma_start3A_326 = arith.constant 0 : i32
    %dma_start3A_327 = tpu.memref_slice %arg8[%dma_start3A_323, %dma_start3A_325, %dma_start3A_326] : memref<2x2000x16xf32, #tpu.memory_space<vmem>> -> memref<1x2000x16xf32, #tpu.memory_space<vmem>>
    %dma_start3A_328 = tpu.memref_squeeze %dma_start3A_327 : memref<1x2000x16xf32, #tpu.memory_space<vmem>> -> memref<2000x16xf32, #tpu.memory_space<vmem>>
    %dma_start3A_329 = arith.constant 0 : i32
    %dma_start3A_330 = tpu.memref_slice %arg7[%dma_start3A_324, %dma_start3A_329] : memref<5x2000xi32, #tpu.memory_space<vmem>> -> memref<1x2000xi32, #tpu.memory_space<vmem>>
    %dma_start3A_331 = tpu.memref_squeeze %dma_start3A_330 : memref<1x2000xi32, #tpu.memory_space<vmem>> -> memref<2000xi32, #tpu.memory_space<vmem>>
    %dma_start3A_332 = arith.constant 0 : i32
    %dma_start3A_333 = arith.constant 0 : i32
    %dma_start3A_334 = tpu.memref_slice %arg9[%dma_start3A_332, %dma_start3A_333] : memref<10000x16xf32, #tpu.memory_space<vmem_shared>> -> memref<10000x16xf32, #tpu.memory_space<vmem_shared>>
    tpu.enqueue_indirect_dma source(%dma_start3A_328 : memref<2000x16xf32, #tpu.memory_space<vmem>>) target(%dma_start3A_334 : memref<10000x16xf32, #tpu.memory_space<vmem_shared>>) offsets(%dma_start3A_331 : memref<2000xi32, #tpu.memory_space<vmem>>) semaphore(%arg12 : memref<!tpu.dma_semaphore, #tpu.memory_space<semaphore_mem>>) {add = true}
    %dma_wait3A_335 = arith.constant 1 : i32
    %dma_wait3A_336 = arith.constant 1 : i32
    %dma_wait3A_337 = arith.constant 0 : i32
    %dma_wait3A_338 = arith.constant 0 : i32
    %dma_wait3A_339 = tpu.memref_slice %arg8[%dma_wait3A_335, %dma_wait3A_337, %dma_wait3A_338] : memref<2x2000x16xf32, #tpu.memory_space<vmem>> -> memref<1x2000x16xf32, #tpu.memory_space<vmem>>
    %dma_wait3A_340 = tpu.memref_squeeze %dma_wait3A_339 : memref<1x2000x16xf32, #tpu.memory_space<vmem>> -> memref<2000x16xf32, #tpu.memory_space<vmem>>
    %dma_wait3A_341 = arith.constant 0 : i32
    %dma_wait3A_342 = tpu.memref_slice %arg7[%dma_wait3A_336, %dma_wait3A_341] : memref<5x2000xi32, #tpu.memory_space<vmem>> -> memref<1x2000xi32, #tpu.memory_space<vmem>>
    %dma_wait3A_343 = tpu.memref_squeeze %dma_wait3A_342 : memref<1x2000xi32, #tpu.memory_space<vmem>> -> memref<2000xi32, #tpu.memory_space<vmem>>
    %dma_wait3A_344 = arith.constant 0 : i32
    %dma_wait3A_345 = arith.constant 0 : i32
    %dma_wait3A_346 = tpu.memref_slice %arg9[%dma_wait3A_344, %dma_wait3A_345] : memref<10000x16xf32, #tpu.memory_space<vmem_shared>> -> memref<10000x16xf32, #tpu.memory_space<vmem_shared>>
    tpu.wait_indirect_dma semaphore(%arg13 : memref<!tpu.dma_semaphore, #tpu.memory_space<semaphore_mem>>) src(%dma_wait3A_340 : memref<2000x16xf32, #tpu.memory_space<vmem>>) dst(%dma_wait3A_346 : memref<10000x16xf32, #tpu.memory_space<vmem_shared>>)
    %dma_start3A_347 = arith.constant 3 : i32
    %dma_start3A_348 = arith.constant 1 : i32
    %dma_start3A_349 = arith.constant 0 : i32
    %dma_start3A_350 = arith.constant 0 : i32
    %dma_start3A_351 = tpu.memref_slice %arg8[%dma_start3A_348, %dma_start3A_349, %dma_start3A_350] : memref<2x2000x16xf32, #tpu.memory_space<vmem>> -> memref<1x2000x16xf32, #tpu.memory_space<vmem>>
    %dma_start3A_352 = tpu.memref_squeeze %dma_start3A_351 : memref<1x2000x16xf32, #tpu.memory_space<vmem>> -> memref<2000x16xf32, #tpu.memory_space<vmem>>
    %dma_start3A_353 = arith.constant 0 : i32
    %dma_start3A_354 = tpu.memref_slice %arg6[%dma_start3A_347, %dma_start3A_353] : memref<5x2000xi32, #tpu.memory_space<vmem>> -> memref<1x2000xi32, #tpu.memory_space<vmem>>
    %dma_start3A_355 = tpu.memref_squeeze %dma_start3A_354 : memref<1x2000xi32, #tpu.memory_space<vmem>> -> memref<2000xi32, #tpu.memory_space<vmem>>
    %dma_start3A_356 = arith.constant 0 : i32
    %dma_start3A_357 = arith.constant 0 : i32
    %dma_start3A_358 = tpu.memref_slice %arg2[%dma_start3A_356, %dma_start3A_357] : memref<10000x16xf32, #tpu.memory_space<hbm>> -> memref<10000x16xf32, #tpu.memory_space<hbm>>
    tpu.enqueue_indirect_dma source(%dma_start3A_358 : memref<10000x16xf32, #tpu.memory_space<hbm>>) target(%dma_start3A_352 : memref<2000x16xf32, #tpu.memory_space<vmem>>) offsets(%dma_start3A_355 : memref<2000xi32, #tpu.memory_space<vmem>>) semaphore(%arg11 : memref<!tpu.dma_semaphore, #tpu.memory_space<semaphore_mem>>)
    %dma_wait3A_359 = arith.constant 3 : i32
    %dma_wait3A_360 = arith.constant 1 : i32
    %dma_wait3A_361 = arith.constant 0 : i32
    %dma_wait3A_362 = arith.constant 0 : i32
    %dma_wait3A_363 = tpu.memref_slice %arg8[%dma_wait3A_360, %dma_wait3A_361, %dma_wait3A_362] : memref<2x2000x16xf32, #tpu.memory_space<vmem>> -> memref<1x2000x16xf32, #tpu.memory_space<vmem>>
    %dma_wait3A_364 = tpu.memref_squeeze %dma_wait3A_363 : memref<1x2000x16xf32, #tpu.memory_space<vmem>> -> memref<2000x16xf32, #tpu.memory_space<vmem>>
    %dma_wait3A_365 = arith.constant 0 : i32
    %dma_wait3A_366 = tpu.memref_slice %arg6[%dma_wait3A_359, %dma_wait3A_365] : memref<5x2000xi32, #tpu.memory_space<vmem>> -> memref<1x2000xi32, #tpu.memory_space<vmem>>
    %dma_wait3A_367 = tpu.memref_squeeze %dma_wait3A_366 : memref<1x2000xi32, #tpu.memory_space<vmem>> -> memref<2000xi32, #tpu.memory_space<vmem>>
    %dma_wait3A_368 = arith.constant 0 : i32
    %dma_wait3A_369 = arith.constant 0 : i32
    %dma_wait3A_370 = tpu.memref_slice %arg2[%dma_wait3A_368, %dma_wait3A_369] : memref<10000x16xf32, #tpu.memory_space<hbm>> -> memref<10000x16xf32, #tpu.memory_space<hbm>>
    tpu.wait_indirect_dma semaphore(%arg11 : memref<!tpu.dma_semaphore, #tpu.memory_space<semaphore_mem>>) src(%dma_wait3A_370 : memref<10000x16xf32, #tpu.memory_space<hbm>>) dst(%dma_wait3A_364 : memref<2000x16xf32, #tpu.memory_space<vmem>>)
    %dma_start3A_371 = arith.constant 1 : i32
    %dma_start3A_372 = arith.constant 3 : i32
    %dma_start3A_373 = arith.constant 0 : i32
    %dma_start3A_374 = arith.constant 0 : i32
    %dma_start3A_375 = tpu.memref_slice %arg8[%dma_start3A_371, %dma_start3A_373, %dma_start3A_374] : memref<2x2000x16xf32, #tpu.memory_space<vmem>> -> memref<1x2000x16xf32, #tpu.memory_space<vmem>>
    %dma_start3A_376 = tpu.memref_squeeze %dma_start3A_375 : memref<1x2000x16xf32, #tpu.memory_space<vmem>> -> memref<2000x16xf32, #tpu.memory_space<vmem>>
    %dma_start3A_377 = arith.constant 0 : i32
    %dma_start3A_378 = tpu.memref_slice %arg7[%dma_start3A_372, %dma_start3A_377] : memref<5x2000xi32, #tpu.memory_space<vmem>> -> memref<1x2000xi32, #tpu.memory_space<vmem>>
    %dma_start3A_379 = tpu.memref_squeeze %dma_start3A_378 : memref<1x2000xi32, #tpu.memory_space<vmem>> -> memref<2000xi32, #tpu.memory_space<vmem>>
    %dma_start3A_380 = arith.constant 0 : i32
    %dma_start3A_381 = arith.constant 0 : i32
    %dma_start3A_382 = tpu.memref_slice %arg9[%dma_start3A_380, %dma_start3A_381] : memref<10000x16xf32, #tpu.memory_space<vmem_shared>> -> memref<10000x16xf32, #tpu.memory_space<vmem_shared>>
    tpu.enqueue_indirect_dma source(%dma_start3A_376 : memref<2000x16xf32, #tpu.memory_space<vmem>>) target(%dma_start3A_382 : memref<10000x16xf32, #tpu.memory_space<vmem_shared>>) offsets(%dma_start3A_379 : memref<2000xi32, #tpu.memory_space<vmem>>) semaphore(%arg13 : memref<!tpu.dma_semaphore, #tpu.memory_space<semaphore_mem>>) {add = true}
    %dma_wait3A_383 = arith.constant 0 : i32
    %dma_wait3A_384 = arith.constant 2 : i32
    %dma_wait3A_385 = arith.constant 0 : i32
    %dma_wait3A_386 = arith.constant 0 : i32
    %dma_wait3A_387 = tpu.memref_slice %arg8[%dma_wait3A_383, %dma_wait3A_385, %dma_wait3A_386] : memref<2x2000x16xf32, #tpu.memory_space<vmem>> -> memref<1x2000x16xf32, #tpu.memory_space<vmem>>
    %dma_wait3A_388 = tpu.memref_squeeze %dma_wait3A_387 : memref<1x2000x16xf32, #tpu.memory_space<vmem>> -> memref<2000x16xf32, #tpu.memory_space<vmem>>
    %dma_wait3A_389 = arith.constant 0 : i32
    %dma_wait3A_390 = tpu.memref_slice %arg7[%dma_wait3A_384, %dma_wait3A_389] : memref<5x2000xi32, #tpu.memory_space<vmem>> -> memref<1x2000xi32, #tpu.memory_space<vmem>>
    %dma_wait3A_391 = tpu.memref_squeeze %dma_wait3A_390 : memref<1x2000xi32, #tpu.memory_space<vmem>> -> memref<2000xi32, #tpu.memory_space<vmem>>
    %dma_wait3A_392 = arith.constant 0 : i32
    %dma_wait3A_393 = arith.constant 0 : i32
    %dma_wait3A_394 = tpu.memref_slice %arg9[%dma_wait3A_392, %dma_wait3A_393] : memref<10000x16xf32, #tpu.memory_space<vmem_shared>> -> memref<10000x16xf32, #tpu.memory_space<vmem_shared>>
    tpu.wait_indirect_dma semaphore(%arg12 : memref<!tpu.dma_semaphore, #tpu.memory_space<semaphore_mem>>) src(%dma_wait3A_388 : memref<2000x16xf32, #tpu.memory_space<vmem>>) dst(%dma_wait3A_394 : memref<10000x16xf32, #tpu.memory_space<vmem_shared>>)
    %dma_start3A_395 = arith.constant 4 : i32
    %dma_start3A_396 = arith.constant 0 : i32
    %dma_start3A_397 = arith.constant 0 : i32
    %dma_start3A_398 = arith.constant 0 : i32
    %dma_start3A_399 = tpu.memref_slice %arg8[%dma_start3A_396, %dma_start3A_397, %dma_start3A_398] : memref<2x2000x16xf32, #tpu.memory_space<vmem>> -> memref<1x2000x16xf32, #tpu.memory_space<vmem>>
    %dma_start3A_400 = tpu.memref_squeeze %dma_start3A_399 : memref<1x2000x16xf32, #tpu.memory_space<vmem>> -> memref<2000x16xf32, #tpu.memory_space<vmem>>
    %dma_start3A_401 = arith.constant 0 : i32
    %dma_start3A_402 = tpu.memref_slice %arg6[%dma_start3A_395, %dma_start3A_401] : memref<5x2000xi32, #tpu.memory_space<vmem>> -> memref<1x2000xi32, #tpu.memory_space<vmem>>
    %dma_start3A_403 = tpu.memref_squeeze %dma_start3A_402 : memref<1x2000xi32, #tpu.memory_space<vmem>> -> memref<2000xi32, #tpu.memory_space<vmem>>
    %dma_start3A_404 = arith.constant 0 : i32
    %dma_start3A_405 = arith.constant 0 : i32
    %dma_start3A_406 = tpu.memref_slice %arg2[%dma_start3A_404, %dma_start3A_405] : memref<10000x16xf32, #tpu.memory_space<hbm>> -> memref<10000x16xf32, #tpu.memory_space<hbm>>
    tpu.enqueue_indirect_dma source(%dma_start3A_406 : memref<10000x16xf32, #tpu.memory_space<hbm>>) target(%dma_start3A_400 : memref<2000x16xf32, #tpu.memory_space<vmem>>) offsets(%dma_start3A_403 : memref<2000xi32, #tpu.memory_space<vmem>>) semaphore(%arg10 : memref<!tpu.dma_semaphore, #tpu.memory_space<semaphore_mem>>)
    %dma_wait3A_407 = arith.constant 4 : i32
    %dma_wait3A_408 = arith.constant 0 : i32
    %dma_wait3A_409 = arith.constant 0 : i32
    %dma_wait3A_410 = arith.constant 0 : i32
    %dma_wait3A_411 = tpu.memref_slice %arg8[%dma_wait3A_408, %dma_wait3A_409, %dma_wait3A_410] : memref<2x2000x16xf32, #tpu.memory_space<vmem>> -> memref<1x2000x16xf32, #tpu.memory_space<vmem>>
    %dma_wait3A_412 = tpu.memref_squeeze %dma_wait3A_411 : memref<1x2000x16xf32, #tpu.memory_space<vmem>> -> memref<2000x16xf32, #tpu.memory_space<vmem>>
    %dma_wait3A_413 = arith.constant 0 : i32
    %dma_wait3A_414 = tpu.memref_slice %arg6[%dma_wait3A_407, %dma_wait3A_413] : memref<5x2000xi32, #tpu.memory_space<vmem>> -> memref<1x2000xi32, #tpu.memory_space<vmem>>
    %dma_wait3A_415 = tpu.memref_squeeze %dma_wait3A_414 : memref<1x2000xi32, #tpu.memory_space<vmem>> -> memref<2000xi32, #tpu.memory_space<vmem>>
    %dma_wait3A_416 = arith.constant 0 : i32
    %dma_wait3A_417 = arith.constant 0 : i32
    %dma_wait3A_418 = tpu.memref_slice %arg2[%dma_wait3A_416, %dma_wait3A_417] : memref<10000x16xf32, #tpu.memory_space<hbm>> -> memref<10000x16xf32, #tpu.memory_space<hbm>>
    tpu.wait_indirect_dma semaphore(%arg10 : memref<!tpu.dma_semaphore, #tpu.memory_space<semaphore_mem>>) src(%dma_wait3A_418 : memref<10000x16xf32, #tpu.memory_space<hbm>>) dst(%dma_wait3A_412 : memref<2000x16xf32, #tpu.memory_space<vmem>>)
    %dma_start3A_419 = arith.constant 0 : i32
    %dma_start3A_420 = arith.constant 4 : i32
    %dma_start3A_421 = arith.constant 0 : i32
    %dma_start3A_422 = arith.constant 0 : i32
    %dma_start3A_423 = tpu.memref_slice %arg8[%dma_start3A_419, %dma_start3A_421, %dma_start3A_422] : memref<2x2000x16xf32, #tpu.memory_space<vmem>> -> memref<1x2000x16xf32, #tpu.memory_space<vmem>>
    %dma_start3A_424 = tpu.memref_squeeze %dma_start3A_423 : memref<1x2000x16xf32, #tpu.memory_space<vmem>> -> memref<2000x16xf32, #tpu.memory_space<vmem>>
    %dma_start3A_425 = arith.constant 0 : i32
    %dma_start3A_426 = tpu.memref_slice %arg7[%dma_start3A_420, %dma_start3A_425] : memref<5x2000xi32, #tpu.memory_space<vmem>> -> memref<1x2000xi32, #tpu.memory_space<vmem>>
    %dma_start3A_427 = tpu.memref_squeeze %dma_start3A_426 : memref<1x2000xi32, #tpu.memory_space<vmem>> -> memref<2000xi32, #tpu.memory_space<vmem>>
    %dma_start3A_428 = arith.constant 0 : i32
    %dma_start3A_429 = arith.constant 0 : i32
    %dma_start3A_430 = tpu.memref_slice %arg9[%dma_start3A_428, %dma_start3A_429] : memref<10000x16xf32, #tpu.memory_space<vmem_shared>> -> memref<10000x16xf32, #tpu.memory_space<vmem_shared>>
    tpu.enqueue_indirect_dma source(%dma_start3A_424 : memref<2000x16xf32, #tpu.memory_space<vmem>>) target(%dma_start3A_430 : memref<10000x16xf32, #tpu.memory_space<vmem_shared>>) offsets(%dma_start3A_427 : memref<2000xi32, #tpu.memory_space<vmem>>) semaphore(%arg12 : memref<!tpu.dma_semaphore, #tpu.memory_space<semaphore_mem>>) {add = true}
    %dma_wait3A_431 = arith.constant 0 : i32
    %dma_wait3A_432 = arith.constant 4 : i32
    %dma_wait3A_433 = arith.constant 0 : i32
    %dma_wait3A_434 = arith.constant 0 : i32
    %dma_wait3A_435 = tpu.memref_slice %arg8[%dma_wait3A_431, %dma_wait3A_433, %dma_wait3A_434] : memref<2x2000x16xf32, #tpu.memory_space<vmem>> -> memref<1x2000x16xf32, #tpu.memory_space<vmem>>
    %dma_wait3A_436 = tpu.memref_squeeze %dma_wait3A_435 : memref<1x2000x16xf32, #tpu.memory_space<vmem>> -> memref<2000x16xf32, #tpu.memory_space<vmem>>
    %dma_wait3A_437 = arith.constant 0 : i32
    %dma_wait3A_438 = tpu.memref_slice %arg7[%dma_wait3A_432, %dma_wait3A_437] : memref<5x2000xi32, #tpu.memory_space<vmem>> -> memref<1x2000xi32, #tpu.memory_space<vmem>>
    %dma_wait3A_439 = tpu.memref_squeeze %dma_wait3A_438 : memref<1x2000xi32, #tpu.memory_space<vmem>> -> memref<2000xi32, #tpu.memory_space<vmem>>
    %dma_wait3A_440 = arith.constant 0 : i32
    %dma_wait3A_441 = arith.constant 0 : i32
    %dma_wait3A_442 = tpu.memref_slice %arg9[%dma_wait3A_440, %dma_wait3A_441] : memref<10000x16xf32, #tpu.memory_space<vmem_shared>> -> memref<10000x16xf32, #tpu.memory_space<vmem_shared>>
    tpu.wait_indirect_dma semaphore(%arg12 : memref<!tpu.dma_semaphore, #tpu.memory_space<semaphore_mem>>) src(%dma_wait3A_436 : memref<2000x16xf32, #tpu.memory_space<vmem>>) dst(%dma_wait3A_442 : memref<10000x16xf32, #tpu.memory_space<vmem_shared>>)
    %dma_wait3A_443 = arith.constant 1 : i32
    %dma_wait3A_444 = arith.constant 3 : i32
    %dma_wait3A_445 = arith.constant 0 : i32
    %dma_wait3A_446 = arith.constant 0 : i32
    %dma_wait3A_447 = tpu.memref_slice %arg8[%dma_wait3A_443, %dma_wait3A_445, %dma_wait3A_446] : memref<2x2000x16xf32, #tpu.memory_space<vmem>> -> memref<1x2000x16xf32, #tpu.memory_space<vmem>>
    %dma_wait3A_448 = tpu.memref_squeeze %dma_wait3A_447 : memref<1x2000x16xf32, #tpu.memory_space<vmem>> -> memref<2000x16xf32, #tpu.memory_space<vmem>>
    %dma_wait3A_449 = arith.constant 0 : i32
    %dma_wait3A_450 = tpu.memref_slice %arg7[%dma_wait3A_444, %dma_wait3A_449] : memref<5x2000xi32, #tpu.memory_space<vmem>> -> memref<1x2000xi32, #tpu.memory_space<vmem>>
    %dma_wait3A_451 = tpu.memref_squeeze %dma_wait3A_450 : memref<1x2000xi32, #tpu.memory_space<vmem>> -> memref<2000xi32, #tpu.memory_space<vmem>>
    %dma_wait3A_452 = arith.constant 0 : i32
    %dma_wait3A_453 = arith.constant 0 : i32
    %dma_wait3A_454 = tpu.memref_slice %arg9[%dma_wait3A_452, %dma_wait3A_453] : memref<10000x16xf32, #tpu.memory_space<vmem_shared>> -> memref<10000x16xf32, #tpu.memory_space<vmem_shared>>
    tpu.wait_indirect_dma semaphore(%arg13 : memref<!tpu.dma_semaphore, #tpu.memory_space<semaphore_mem>>) src(%dma_wait3A_448 : memref<2000x16xf32, #tpu.memory_space<vmem>>) dst(%dma_wait3A_454 : memref<10000x16xf32, #tpu.memory_space<vmem_shared>>)
    %barrier3A_455 = arith.constant 0 : index
    tpu.barrier barrier_id(%barrier3A_455)
    %add3A_456 = arith.constant 0 : i32
    %add3A_457 = arith.addi %arg1, %add3A_456 : i32
    %lt3A_458 = arith.constant 10 : i32
    %lt3A_459 = arith.cmpi slt, %add3A_457, %lt3A_458 : i32
    %convert_element_type3A_460 = arith.extui %lt3A_459 : i1 to i32
    %cond3A_461 = arith.constant 0 : i32
    %cond3A_462 = arith.cmpi ne, %convert_element_type3A_460, %cond3A_461 : i32
    scf.if %cond3A_462 {
      %mul3A_463 = arith.constant 1000 : i32
      %mul3A_464 = arith.muli %add3A_457, %mul3A_463 : i32
      "tpu.region"() ({
        %run_scoped3A = tpu.sem_alloc : memref<!tpu.dma_semaphore, #tpu.memory_space<semaphore_mem>>
        %dma_start3A_465 = arith.constant 0 : i32
        %dma_start3A_466 = tpu.memref_slice %arg5[%arg0, %mul3A_464, %dma_start3A_465] : memref<2x10000x16xf32, #tpu.memory_space<hbm>> -> memref<1x1000x16xf32, #tpu.memory_space<hbm>>
        %dma_start3A_467 = tpu.memref_squeeze %dma_start3A_466 : memref<1x1000x16xf32, #tpu.memory_space<hbm>> -> memref<1000x16xf32, #tpu.memory_space<hbm>>
        %dma_start3A_468 = arith.constant 0 : i32
        %dma_start3A_469 = tpu.memref_slice %arg9[%mul3A_464, %dma_start3A_468] : memref<10000x16xf32, #tpu.memory_space<vmem_shared>> -> memref<1000x16xf32, #tpu.memory_space<vmem_shared>>
        tpu.enqueue_dma source(%dma_start3A_469 : memref<1000x16xf32, #tpu.memory_space<vmem_shared>>) target(%dma_start3A_467 : memref<1000x16xf32, #tpu.memory_space<hbm>>) target_semaphore(%run_scoped3A : memref<!tpu.dma_semaphore, #tpu.memory_space<semaphore_mem>>)
        %dma_wait3A_470 = arith.constant 0 : i32
        %dma_wait3A_471 = tpu.memref_slice %arg5[%arg0, %mul3A_464, %dma_wait3A_470] : memref<2x10000x16xf32, #tpu.memory_space<hbm>> -> memref<1x1000x16xf32, #tpu.memory_space<hbm>>
        %dma_wait3A_472 = tpu.memref_squeeze %dma_wait3A_471 : memref<1x1000x16xf32, #tpu.memory_space<hbm>> -> memref<1000x16xf32, #tpu.memory_space<hbm>>
        %dma_wait3A_473 = arith.constant 0 : i32
        %dma_wait3A_474 = tpu.memref_slice %arg9[%mul3A_464, %dma_wait3A_473] : memref<10000x16xf32, #tpu.memory_space<vmem_shared>> -> memref<1000x16xf32, #tpu.memory_space<vmem_shared>>
        tpu.wait_dma2 semaphore(%run_scoped3A : memref<!tpu.dma_semaphore, #tpu.memory_space<semaphore_mem>>) src(%dma_wait3A_474 : memref<1000x16xf32, #tpu.memory_space<vmem_shared>>) dst(%dma_wait3A_472 : memref<1000x16xf32, #tpu.memory_space<hbm>>)
        tpu.yield
      }) : () -> ()
    } else {
    }
    return
  }
}

#map = affine_map<(d0, d1) -> (0, 0)>
#map1 = affine_map<(d0, d1) -> (0)>
#map2 = affine_map<(d0, d1) -> (0, 0, 0)>
module attributes {stable_mosaic.version = 14 : i64} {
  func.func @seg_sum(%arg0: i32, %arg1: i32, %arg2: memref<10000x16xf32, #tpu.memory_space<hbm>>, %arg3: memref<640000xi32, #tpu.memory_space<hbm>>, %arg4: memref<1000x16xf32, #tpu.memory_space<hbm>>, %arg5: memref<2x10000x16xf32, #tpu.memory_space<hbm>>, %arg6: memref<5x2000xi32, #tpu.memory_space<vmem>>, %arg7: memref<5x2000xi32, #tpu.memory_space<vmem>>, %arg8: memref<2x2000x16xf32, #tpu.memory_space<vmem>>, %arg9: memref<10000x16xf32, #tpu.memory_space<vmem_shared>>, %arg10: memref<!tpu.dma_semaphore, #tpu.memory_space<semaphore_mem>>, %arg11: memref<!tpu.dma_semaphore, #tpu.memory_space<semaphore_mem>>, %arg12: memref<!tpu.dma_semaphore, #tpu.memory_space<semaphore_mem>>, %arg13: memref<!tpu.dma_semaphore, #tpu.memory_space<semaphore_mem>>, %arg14: memref<!tpu.dma_semaphore, #tpu.memory_space<semaphore_mem>>) attributes {dimension_semantics = [#tpu.dimension_semantics<core_parallel>, #tpu.dimension_semantics<subcore_parallel>], iteration_bounds = array<i64: 2, 16>, scalar_prefetch = 0 : i64, scratch_operands = 9 : i64, tpu.core_type = #tpu.core_type<sc_vector_subcore>, window_params = [{transform_indices = #map}, {transform_indices = #map1}, {transform_indices = #map}, {transform_indices = #map2}]} {
    %mul3A = arith.constant 2 : i32
    %mul3A_0 = arith.muli %arg1, %mul3A : i32
    %add3A = arith.addi %mul3A_0, %arg0 : i32
    %mul3A_1 = arith.constant 10000 : i32
    %mul3A_2 = arith.muli %add3A, %mul3A_1 : i32
    %add3A_3 = arith.constant 0 : i32
    %add3A_4 = arith.addi %mul3A_2, %add3A_3 : i32
    %dma_start3A = arith.constant 0 : i32
    %dma_start3A_5 = arith.constant 0 : i32
    %dma_start3A_6 = tpu.memref_slice %arg6[%dma_start3A, %dma_start3A_5] : memref<5x2000xi32, #tpu.memory_space<vmem>> -> memref<1x2000xi32, #tpu.memory_space<vmem>>
    %dma_start3A_7 = tpu.memref_squeeze %dma_start3A_6 : memref<1x2000xi32, #tpu.memory_space<vmem>> -> memref<2000xi32, #tpu.memory_space<vmem>>
    %dma_start3A_8 = tpu.memref_slice %arg3[%add3A_4] : memref<640000xi32, #tpu.memory_space<hbm>> -> memref<2000xi32, #tpu.memory_space<hbm>>
    %dma_start3A_9 = arith.constant 0 : i32
    %dma_start3A_10 = tpu.memref_slice %arg6[%dma_start3A, %dma_start3A_9] : memref<5x2000xi32, #tpu.memory_space<vmem>> -> memref<1x2000xi32, #tpu.memory_space<vmem>>
    %dma_start3A_11 = tpu.memref_squeeze %dma_start3A_10 : memref<1x2000xi32, #tpu.memory_space<vmem>> -> memref<2000xi32, #tpu.memory_space<vmem>>
    %dma_start3A_12 = tpu.memref_slice %arg3[%add3A_4] : memref<640000xi32, #tpu.memory_space<hbm>> -> memref<2000xi32, #tpu.memory_space<hbm>>
    tpu.enqueue_dma source(%dma_start3A_12 : memref<2000xi32, #tpu.memory_space<hbm>>) target(%dma_start3A_11 : memref<2000xi32, #tpu.memory_space<vmem>>) target_semaphore(%arg14 : memref<!tpu.dma_semaphore, #tpu.memory_space<semaphore_mem>>)
    %add3A_13 = arith.constant 320000 : i32
    %add3A_14 = arith.addi %add3A_13, %mul3A_2 : i32
    %add3A_15 = arith.constant 0 : i32
    %add3A_16 = arith.addi %add3A_14, %add3A_15 : i32
    %dma_start3A_17 = arith.constant 0 : i32
    %dma_start3A_18 = arith.constant 0 : i32
    %dma_start3A_19 = tpu.memref_slice %arg7[%dma_start3A_17, %dma_start3A_18] : memref<5x2000xi32, #tpu.memory_space<vmem>> -> memref<1x2000xi32, #tpu.memory_space<vmem>>
    %dma_start3A_20 = tpu.memref_squeeze %dma_start3A_19 : memref<1x2000xi32, #tpu.memory_space<vmem>> -> memref<2000xi32, #tpu.memory_space<vmem>>
    %dma_start3A_21 = tpu.memref_slice %arg3[%add3A_16] : memref<640000xi32, #tpu.memory_space<hbm>> -> memref<2000xi32, #tpu.memory_space<hbm>>
    %dma_start3A_22 = arith.constant 0 : i32
    %dma_start3A_23 = tpu.memref_slice %arg7[%dma_start3A_17, %dma_start3A_22] : memref<5x2000xi32, #tpu.memory_space<vmem>> -> memref<1x2000xi32, #tpu.memory_space<vmem>>
    %dma_start3A_24 = tpu.memref_squeeze %dma_start3A_23 : memref<1x2000xi32, #tpu.memory_space<vmem>> -> memref<2000xi32, #tpu.memory_space<vmem>>
    %dma_start3A_25 = tpu.memref_slice %arg3[%add3A_16] : memref<640000xi32, #tpu.memory_space<hbm>> -> memref<2000xi32, #tpu.memory_space<hbm>>
    tpu.enqueue_dma source(%dma_start3A_25 : memref<2000xi32, #tpu.memory_space<hbm>>) target(%dma_start3A_24 : memref<2000xi32, #tpu.memory_space<vmem>>) target_semaphore(%arg14 : memref<!tpu.dma_semaphore, #tpu.memory_space<semaphore_mem>>)
    %add3A_26 = arith.constant 2000 : i32
    %add3A_27 = arith.addi %mul3A_2, %add3A_26 : i32
    %dma_start3A_28 = arith.constant 1 : i32
    %dma_start3A_29 = arith.constant 0 : i32
    %dma_start3A_30 = tpu.memref_slice %arg6[%dma_start3A_28, %dma_start3A_29] : memref<5x2000xi32, #tpu.memory_space<vmem>> -> memref<1x2000xi32, #tpu.memory_space<vmem>>
    %dma_start3A_31 = tpu.memref_squeeze %dma_start3A_30 : memref<1x2000xi32, #tpu.memory_space<vmem>> -> memref<2000xi32, #tpu.memory_space<vmem>>
    %dma_start3A_32 = tpu.memref_slice %arg3[%add3A_27] : memref<640000xi32, #tpu.memory_space<hbm>> -> memref<2000xi32, #tpu.memory_space<hbm>>
    %dma_start3A_33 = arith.constant 0 : i32
    %dma_start3A_34 = tpu.memref_slice %arg6[%dma_start3A_28, %dma_start3A_33] : memref<5x2000xi32, #tpu.memory_space<vmem>> -> memref<1x2000xi32, #tpu.memory_space<vmem>>
    %dma_start3A_35 = tpu.memref_squeeze %dma_start3A_34 : memref<1x2000xi32, #tpu.memory_space<vmem>> -> memref<2000xi32, #tpu.memory_space<vmem>>
    %dma_start3A_36 = tpu.memref_slice %arg3[%add3A_27] : memref<640000xi32, #tpu.memory_space<hbm>> -> memref<2000xi32, #tpu.memory_space<hbm>>
    tpu.enqueue_dma source(%dma_start3A_36 : memref<2000xi32, #tpu.memory_space<hbm>>) target(%dma_start3A_35 : memref<2000xi32, #tpu.memory_space<vmem>>) target_semaphore(%arg14 : memref<!tpu.dma_semaphore, #tpu.memory_space<semaphore_mem>>)
    %add3A_37 = arith.constant 320000 : i32
    %add3A_38 = arith.addi %add3A_37, %mul3A_2 : i32
    %add3A_39 = arith.constant 2000 : i32
    %add3A_40 = arith.addi %add3A_38, %add3A_39 : i32
    %dma_start3A_41 = arith.constant 1 : i32
    %dma_start3A_42 = arith.constant 0 : i32
    %dma_start3A_43 = tpu.memref_slice %arg7[%dma_start3A_41, %dma_start3A_42] : memref<5x2000xi32, #tpu.memory_space<vmem>> -> memref<1x2000xi32, #tpu.memory_space<vmem>>
    %dma_start3A_44 = tpu.memref_squeeze %dma_start3A_43 : memref<1x2000xi32, #tpu.memory_space<vmem>> -> memref<2000xi32, #tpu.memory_space<vmem>>
    %dma_start3A_45 = tpu.memref_slice %arg3[%add3A_40] : memref<640000xi32, #tpu.memory_space<hbm>> -> memref<2000xi32, #tpu.memory_space<hbm>>
    %dma_start3A_46 = arith.constant 0 : i32
    %dma_start3A_47 = tpu.memref_slice %arg7[%dma_start3A_41, %dma_start3A_46] : memref<5x2000xi32, #tpu.memory_space<vmem>> -> memref<1x2000xi32, #tpu.memory_space<vmem>>
    %dma_start3A_48 = tpu.memref_squeeze %dma_start3A_47 : memref<1x2000xi32, #tpu.memory_space<vmem>> -> memref<2000xi32, #tpu.memory_space<vmem>>
    %dma_start3A_49 = tpu.memref_slice %arg3[%add3A_40] : memref<640000xi32, #tpu.memory_space<hbm>> -> memref<2000xi32, #tpu.memory_space<hbm>>
    tpu.enqueue_dma source(%dma_start3A_49 : memref<2000xi32, #tpu.memory_space<hbm>>) target(%dma_start3A_48 : memref<2000xi32, #tpu.memory_space<vmem>>) target_semaphore(%arg14 : memref<!tpu.dma_semaphore, #tpu.memory_space<semaphore_mem>>)
    %add3A_50 = arith.constant 4000 : i32
    %add3A_51 = arith.addi %mul3A_2, %add3A_50 : i32
    %dma_start3A_52 = arith.constant 2 : i32
    %dma_start3A_53 = arith.constant 0 : i32
    %dma_start3A_54 = tpu.memref_slice %arg6[%dma_start3A_52, %dma_start3A_53] : memref<5x2000xi32, #tpu.memory_space<vmem>> -> memref<1x2000xi32, #tpu.memory_space<vmem>>
    %dma_start3A_55 = tpu.memref_squeeze %dma_start3A_54 : memref<1x2000xi32, #tpu.memory_space<vmem>> -> memref<2000xi32, #tpu.memory_space<vmem>>
    %dma_start3A_56 = tpu.memref_slice %arg3[%add3A_51] : memref<640000xi32, #tpu.memory_space<hbm>> -> memref<2000xi32, #tpu.memory_space<hbm>>
    %dma_start3A_57 = arith.constant 0 : i32
    %dma_start3A_58 = tpu.memref_slice %arg6[%dma_start3A_52, %dma_start3A_57] : memref<5x2000xi32, #tpu.memory_space<vmem>> -> memref<1x2000xi32, #tpu.memory_space<vmem>>
    %dma_start3A_59 = tpu.memref_squeeze %dma_start3A_58 : memref<1x2000xi32, #tpu.memory_space<vmem>> -> memref<2000xi32, #tpu.memory_space<vmem>>
    %dma_start3A_60 = tpu.memref_slice %arg3[%add3A_51] : memref<640000xi32, #tpu.memory_space<hbm>> -> memref<2000xi32, #tpu.memory_space<hbm>>
    tpu.enqueue_dma source(%dma_start3A_60 : memref<2000xi32, #tpu.memory_space<hbm>>) target(%dma_start3A_59 : memref<2000xi32, #tpu.memory_space<vmem>>) target_semaphore(%arg14 : memref<!tpu.dma_semaphore, #tpu.memory_space<semaphore_mem>>)
    %add3A_61 = arith.constant 320000 : i32
    %add3A_62 = arith.addi %add3A_61, %mul3A_2 : i32
    %add3A_63 = arith.constant 4000 : i32
    %add3A_64 = arith.addi %add3A_62, %add3A_63 : i32
    %dma_start3A_65 = arith.constant 2 : i32
    %dma_start3A_66 = arith.constant 0 : i32
    %dma_start3A_67 = tpu.memref_slice %arg7[%dma_start3A_65, %dma_start3A_66] : memref<5x2000xi32, #tpu.memory_space<vmem>> -> memref<1x2000xi32, #tpu.memory_space<vmem>>
    %dma_start3A_68 = tpu.memref_squeeze %dma_start3A_67 : memref<1x2000xi32, #tpu.memory_space<vmem>> -> memref<2000xi32, #tpu.memory_space<vmem>>
    %dma_start3A_69 = tpu.memref_slice %arg3[%add3A_64] : memref<640000xi32, #tpu.memory_space<hbm>> -> memref<2000xi32, #tpu.memory_space<hbm>>
    %dma_start3A_70 = arith.constant 0 : i32
    %dma_start3A_71 = tpu.memref_slice %arg7[%dma_start3A_65, %dma_start3A_70] : memref<5x2000xi32, #tpu.memory_space<vmem>> -> memref<1x2000xi32, #tpu.memory_space<vmem>>
    %dma_start3A_72 = tpu.memref_squeeze %dma_start3A_71 : memref<1x2000xi32, #tpu.memory_space<vmem>> -> memref<2000xi32, #tpu.memory_space<vmem>>
    %dma_start3A_73 = tpu.memref_slice %arg3[%add3A_64] : memref<640000xi32, #tpu.memory_space<hbm>> -> memref<2000xi32, #tpu.memory_space<hbm>>
    tpu.enqueue_dma source(%dma_start3A_73 : memref<2000xi32, #tpu.memory_space<hbm>>) target(%dma_start3A_72 : memref<2000xi32, #tpu.memory_space<vmem>>) target_semaphore(%arg14 : memref<!tpu.dma_semaphore, #tpu.memory_space<semaphore_mem>>)
    %add3A_74 = arith.constant 6000 : i32
    %add3A_75 = arith.addi %mul3A_2, %add3A_74 : i32
    %dma_start3A_76 = arith.constant 3 : i32
    %dma_start3A_77 = arith.constant 0 : i32
    %dma_start3A_78 = tpu.memref_slice %arg6[%dma_start3A_76, %dma_start3A_77] : memref<5x2000xi32, #tpu.memory_space<vmem>> -> memref<1x2000xi32, #tpu.memory_space<vmem>>
    %dma_start3A_79 = tpu.memref_squeeze %dma_start3A_78 : memref<1x2000xi32, #tpu.memory_space<vmem>> -> memref<2000xi32, #tpu.memory_space<vmem>>
    %dma_start3A_80 = tpu.memref_slice %arg3[%add3A_75] : memref<640000xi32, #tpu.memory_space<hbm>> -> memref<2000xi32, #tpu.memory_space<hbm>>
    %dma_start3A_81 = arith.constant 0 : i32
    %dma_start3A_82 = tpu.memref_slice %arg6[%dma_start3A_76, %dma_start3A_81] : memref<5x2000xi32, #tpu.memory_space<vmem>> -> memref<1x2000xi32, #tpu.memory_space<vmem>>
    %dma_start3A_83 = tpu.memref_squeeze %dma_start3A_82 : memref<1x2000xi32, #tpu.memory_space<vmem>> -> memref<2000xi32, #tpu.memory_space<vmem>>
    %dma_start3A_84 = tpu.memref_slice %arg3[%add3A_75] : memref<640000xi32, #tpu.memory_space<hbm>> -> memref<2000xi32, #tpu.memory_space<hbm>>
    tpu.enqueue_dma source(%dma_start3A_84 : memref<2000xi32, #tpu.memory_space<hbm>>) target(%dma_start3A_83 : memref<2000xi32, #tpu.memory_space<vmem>>) target_semaphore(%arg14 : memref<!tpu.dma_semaphore, #tpu.memory_space<semaphore_mem>>)
    %add3A_85 = arith.constant 320000 : i32
    %add3A_86 = arith.addi %add3A_85, %mul3A_2 : i32
    %add3A_87 = arith.constant 6000 : i32
    %add3A_88 = arith.addi %add3A_86, %add3A_87 : i32
    %dma_start3A_89 = arith.constant 3 : i32
    %dma_start3A_90 = arith.constant 0 : i32
    %dma_start3A_91 = tpu.memref_slice %arg7[%dma_start3A_89, %dma_start3A_90] : memref<5x2000xi32, #tpu.memory_space<vmem>> -> memref<1x2000xi32, #tpu.memory_space<vmem>>
    %dma_start3A_92 = tpu.memref_squeeze %dma_start3A_91 : memref<1x2000xi32, #tpu.memory_space<vmem>> -> memref<2000xi32, #tpu.memory_space<vmem>>
    %dma_start3A_93 = tpu.memref_slice %arg3[%add3A_88] : memref<640000xi32, #tpu.memory_space<hbm>> -> memref<2000xi32, #tpu.memory_space<hbm>>
    %dma_start3A_94 = arith.constant 0 : i32
    %dma_start3A_95 = tpu.memref_slice %arg7[%dma_start3A_89, %dma_start3A_94] : memref<5x2000xi32, #tpu.memory_space<vmem>> -> memref<1x2000xi32, #tpu.memory_space<vmem>>
    %dma_start3A_96 = tpu.memref_squeeze %dma_start3A_95 : memref<1x2000xi32, #tpu.memory_space<vmem>> -> memref<2000xi32, #tpu.memory_space<vmem>>
    %dma_start3A_97 = tpu.memref_slice %arg3[%add3A_88] : memref<640000xi32, #tpu.memory_space<hbm>> -> memref<2000xi32, #tpu.memory_space<hbm>>
    tpu.enqueue_dma source(%dma_start3A_97 : memref<2000xi32, #tpu.memory_space<hbm>>) target(%dma_start3A_96 : memref<2000xi32, #tpu.memory_space<vmem>>) target_semaphore(%arg14 : memref<!tpu.dma_semaphore, #tpu.memory_space<semaphore_mem>>)
    %add3A_98 = arith.constant 8000 : i32
    %add3A_99 = arith.addi %mul3A_2, %add3A_98 : i32
    %dma_start3A_100 = arith.constant 4 : i32
    %dma_start3A_101 = arith.constant 0 : i32
    %dma_start3A_102 = tpu.memref_slice %arg6[%dma_start3A_100, %dma_start3A_101] : memref<5x2000xi32, #tpu.memory_space<vmem>> -> memref<1x2000xi32, #tpu.memory_space<vmem>>
    %dma_start3A_103 = tpu.memref_squeeze %dma_start3A_102 : memref<1x2000xi32, #tpu.memory_space<vmem>> -> memref<2000xi32, #tpu.memory_space<vmem>>
    %dma_start3A_104 = tpu.memref_slice %arg3[%add3A_99] : memref<640000xi32, #tpu.memory_space<hbm>> -> memref<2000xi32, #tpu.memory_space<hbm>>
    %dma_start3A_105 = arith.constant 0 : i32
    %dma_start3A_106 = tpu.memref_slice %arg6[%dma_start3A_100, %dma_start3A_105] : memref<5x2000xi32, #tpu.memory_space<vmem>> -> memref<1x2000xi32, #tpu.memory_space<vmem>>
    %dma_start3A_107 = tpu.memref_squeeze %dma_start3A_106 : memref<1x2000xi32, #tpu.memory_space<vmem>> -> memref<2000xi32, #tpu.memory_space<vmem>>
    %dma_start3A_108 = tpu.memref_slice %arg3[%add3A_99] : memref<640000xi32, #tpu.memory_space<hbm>> -> memref<2000xi32, #tpu.memory_space<hbm>>
    tpu.enqueue_dma source(%dma_start3A_108 : memref<2000xi32, #tpu.memory_space<hbm>>) target(%dma_start3A_107 : memref<2000xi32, #tpu.memory_space<vmem>>) target_semaphore(%arg14 : memref<!tpu.dma_semaphore, #tpu.memory_space<semaphore_mem>>)
    %add3A_109 = arith.constant 320000 : i32
    %add3A_110 = arith.addi %add3A_109, %mul3A_2 : i32
    %add3A_111 = arith.constant 8000 : i32
    %add3A_112 = arith.addi %add3A_110, %add3A_111 : i32
    %dma_start3A_113 = arith.constant 4 : i32
    %dma_start3A_114 = arith.constant 0 : i32
    %dma_start3A_115 = tpu.memref_slice %arg7[%dma_start3A_113, %dma_start3A_114] : memref<5x2000xi32, #tpu.memory_space<vmem>> -> memref<1x2000xi32, #tpu.memory_space<vmem>>
    %dma_start3A_116 = tpu.memref_squeeze %dma_start3A_115 : memref<1x2000xi32, #tpu.memory_space<vmem>> -> memref<2000xi32, #tpu.memory_space<vmem>>
    %dma_start3A_117 = tpu.memref_slice %arg3[%add3A_112] : memref<640000xi32, #tpu.memory_space<hbm>> -> memref<2000xi32, #tpu.memory_space<hbm>>
    %dma_start3A_118 = arith.constant 0 : i32
    %dma_start3A_119 = tpu.memref_slice %arg7[%dma_start3A_113, %dma_start3A_118] : memref<5x2000xi32, #tpu.memory_space<vmem>> -> memref<1x2000xi32, #tpu.memory_space<vmem>>
    %dma_start3A_120 = tpu.memref_squeeze %dma_start3A_119 : memref<1x2000xi32, #tpu.memory_space<vmem>> -> memref<2000xi32, #tpu.memory_space<vmem>>
    %dma_start3A_121 = tpu.memref_slice %arg3[%add3A_112] : memref<640000xi32, #tpu.memory_space<hbm>> -> memref<2000xi32, #tpu.memory_space<hbm>>
    tpu.enqueue_dma source(%dma_start3A_121 : memref<2000xi32, #tpu.memory_space<hbm>>) target(%dma_start3A_120 : memref<2000xi32, #tpu.memory_space<vmem>>) target_semaphore(%arg14 : memref<!tpu.dma_semaphore, #tpu.memory_space<semaphore_mem>>)
    %add3A_122 = arith.constant 0 : i32
    %add3A_123 = arith.addi %arg1, %add3A_122 : i32
    %lt3A = arith.constant 10 : i32
    %lt3A_124 = arith.cmpi slt, %add3A_123, %lt3A : i32
    %convert_element_type3A = arith.extui %lt3A_124 : i1 to i32
    %cond3A = arith.constant 0 : i32
    %cond3A_125 = arith.cmpi ne, %convert_element_type3A, %cond3A : i32
    scf.if %cond3A_125 {
      %mul3A_463 = arith.constant 1000 : i32
      %mul3A_464 = arith.muli %add3A_123, %mul3A_463 : i32
      "tpu.region"() ({
        %run_scoped3A = tpu.sem_alloc : memref<!tpu.dma_semaphore, #tpu.memory_space<semaphore_mem>>
        %dma_start3A_465 = arith.constant 0 : i32
        %dma_start3A_466 = tpu.memref_slice %arg9[%mul3A_464, %dma_start3A_465] : memref<10000x16xf32, #tpu.memory_space<vmem_shared>> -> memref<1000x16xf32, #tpu.memory_space<vmem_shared>>
        tpu.enqueue_dma source(%arg4 : memref<1000x16xf32, #tpu.memory_space<hbm>>) target(%dma_start3A_466 : memref<1000x16xf32, #tpu.memory_space<vmem_shared>>) target_semaphore(%run_scoped3A : memref<!tpu.dma_semaphore, #tpu.memory_space<semaphore_mem>>)
        %dma_wait3A_467 = arith.constant 0 : i32
        %dma_wait3A_468 = tpu.memref_slice %arg9[%mul3A_464, %dma_wait3A_467] : memref<10000x16xf32, #tpu.memory_space<vmem_shared>> -> memref<1000x16xf32, #tpu.memory_space<vmem_shared>>
        tpu.wait_dma2 semaphore(%run_scoped3A : memref<!tpu.dma_semaphore, #tpu.memory_space<semaphore_mem>>) src(%arg4 : memref<1000x16xf32, #tpu.memory_space<hbm>>) dst(%dma_wait3A_468 : memref<1000x16xf32, #tpu.memory_space<vmem_shared>>)
        tpu.yield
      }) : () -> ()
    } else {
    }
    %dma_wait3A = arith.constant 0 : i32
    %dma_wait3A_126 = arith.constant 0 : i32
    %dma_wait3A_127 = tpu.memref_slice %arg6[%dma_wait3A, %dma_wait3A_126] : memref<5x2000xi32, #tpu.memory_space<vmem>> -> memref<1x2000xi32, #tpu.memory_space<vmem>>
    %dma_wait3A_128 = tpu.memref_squeeze %dma_wait3A_127 : memref<1x2000xi32, #tpu.memory_space<vmem>> -> memref<2000xi32, #tpu.memory_space<vmem>>
    %dma_wait3A_129 = tpu.memref_slice %arg3[%add3A_4] : memref<640000xi32, #tpu.memory_space<hbm>> -> memref<2000xi32, #tpu.memory_space<hbm>>
    %dma_wait3A_130 = arith.constant 0 : i32
    %dma_wait3A_131 = tpu.memref_slice %arg6[%dma_wait3A, %dma_wait3A_130] : memref<5x2000xi32, #tpu.memory_space<vmem>> -> memref<1x2000xi32, #tpu.memory_space<vmem>>
    %dma_wait3A_132 = tpu.memref_squeeze %dma_wait3A_131 : memref<1x2000xi32, #tpu.memory_space<vmem>> -> memref<2000xi32, #tpu.memory_space<vmem>>
    %dma_wait3A_133 = tpu.memref_slice %arg3[%add3A_4] : memref<640000xi32, #tpu.memory_space<hbm>> -> memref<2000xi32, #tpu.memory_space<hbm>>
    tpu.wait_dma2 semaphore(%arg14 : memref<!tpu.dma_semaphore, #tpu.memory_space<semaphore_mem>>) src(%dma_wait3A_133 : memref<2000xi32, #tpu.memory_space<hbm>>) dst(%dma_wait3A_132 : memref<2000xi32, #tpu.memory_space<vmem>>)
    %dma_wait3A_134 = arith.constant 0 : i32
    %dma_wait3A_135 = arith.constant 0 : i32
    %dma_wait3A_136 = tpu.memref_slice %arg7[%dma_wait3A_134, %dma_wait3A_135] : memref<5x2000xi32, #tpu.memory_space<vmem>> -> memref<1x2000xi32, #tpu.memory_space<vmem>>
    %dma_wait3A_137 = tpu.memref_squeeze %dma_wait3A_136 : memref<1x2000xi32, #tpu.memory_space<vmem>> -> memref<2000xi32, #tpu.memory_space<vmem>>
    %dma_wait3A_138 = tpu.memref_slice %arg3[%add3A_16] : memref<640000xi32, #tpu.memory_space<hbm>> -> memref<2000xi32, #tpu.memory_space<hbm>>
    %dma_wait3A_139 = arith.constant 0 : i32
    %dma_wait3A_140 = tpu.memref_slice %arg7[%dma_wait3A_134, %dma_wait3A_139] : memref<5x2000xi32, #tpu.memory_space<vmem>> -> memref<1x2000xi32, #tpu.memory_space<vmem>>
    %dma_wait3A_141 = tpu.memref_squeeze %dma_wait3A_140 : memref<1x2000xi32, #tpu.memory_space<vmem>> -> memref<2000xi32, #tpu.memory_space<vmem>>
    %dma_wait3A_142 = tpu.memref_slice %arg3[%add3A_16] : memref<640000xi32, #tpu.memory_space<hbm>> -> memref<2000xi32, #tpu.memory_space<hbm>>
    tpu.wait_dma2 semaphore(%arg14 : memref<!tpu.dma_semaphore, #tpu.memory_space<semaphore_mem>>) src(%dma_wait3A_142 : memref<2000xi32, #tpu.memory_space<hbm>>) dst(%dma_wait3A_141 : memref<2000xi32, #tpu.memory_space<vmem>>)
    %dma_wait3A_143 = arith.constant 1 : i32
    %dma_wait3A_144 = arith.constant 0 : i32
    %dma_wait3A_145 = tpu.memref_slice %arg6[%dma_wait3A_143, %dma_wait3A_144] : memref<5x2000xi32, #tpu.memory_space<vmem>> -> memref<1x2000xi32, #tpu.memory_space<vmem>>
    %dma_wait3A_146 = tpu.memref_squeeze %dma_wait3A_145 : memref<1x2000xi32, #tpu.memory_space<vmem>> -> memref<2000xi32, #tpu.memory_space<vmem>>
    %dma_wait3A_147 = tpu.memref_slice %arg3[%add3A_27] : memref<640000xi32, #tpu.memory_space<hbm>> -> memref<2000xi32, #tpu.memory_space<hbm>>
    %dma_wait3A_148 = arith.constant 0 : i32
    %dma_wait3A_149 = tpu.memref_slice %arg6[%dma_wait3A_143, %dma_wait3A_148] : memref<5x2000xi32, #tpu.memory_space<vmem>> -> memref<1x2000xi32, #tpu.memory_space<vmem>>
    %dma_wait3A_150 = tpu.memref_squeeze %dma_wait3A_149 : memref<1x2000xi32, #tpu.memory_space<vmem>> -> memref<2000xi32, #tpu.memory_space<vmem>>
    %dma_wait3A_151 = tpu.memref_slice %arg3[%add3A_27] : memref<640000xi32, #tpu.memory_space<hbm>> -> memref<2000xi32, #tpu.memory_space<hbm>>
    tpu.wait_dma2 semaphore(%arg14 : memref<!tpu.dma_semaphore, #tpu.memory_space<semaphore_mem>>) src(%dma_wait3A_151 : memref<2000xi32, #tpu.memory_space<hbm>>) dst(%dma_wait3A_150 : memref<2000xi32, #tpu.memory_space<vmem>>)
    %dma_wait3A_152 = arith.constant 1 : i32
    %dma_wait3A_153 = arith.constant 0 : i32
    %dma_wait3A_154 = tpu.memref_slice %arg7[%dma_wait3A_152, %dma_wait3A_153] : memref<5x2000xi32, #tpu.memory_space<vmem>> -> memref<1x2000xi32, #tpu.memory_space<vmem>>
    %dma_wait3A_155 = tpu.memref_squeeze %dma_wait3A_154 : memref<1x2000xi32, #tpu.memory_space<vmem>> -> memref<2000xi32, #tpu.memory_space<vmem>>
    %dma_wait3A_156 = tpu.memref_slice %arg3[%add3A_40] : memref<640000xi32, #tpu.memory_space<hbm>> -> memref<2000xi32, #tpu.memory_space<hbm>>
    %dma_wait3A_157 = arith.constant 0 : i32
    %dma_wait3A_158 = tpu.memref_slice %arg7[%dma_wait3A_152, %dma_wait3A_157] : memref<5x2000xi32, #tpu.memory_space<vmem>> -> memref<1x2000xi32, #tpu.memory_space<vmem>>
    %dma_wait3A_159 = tpu.memref_squeeze %dma_wait3A_158 : memref<1x2000xi32, #tpu.memory_space<vmem>> -> memref<2000xi32, #tpu.memory_space<vmem>>
    %dma_wait3A_160 = tpu.memref_slice %arg3[%add3A_40] : memref<640000xi32, #tpu.memory_space<hbm>> -> memref<2000xi32, #tpu.memory_space<hbm>>
    tpu.wait_dma2 semaphore(%arg14 : memref<!tpu.dma_semaphore, #tpu.memory_space<semaphore_mem>>) src(%dma_wait3A_160 : memref<2000xi32, #tpu.memory_space<hbm>>) dst(%dma_wait3A_159 : memref<2000xi32, #tpu.memory_space<vmem>>)
    %dma_wait3A_161 = arith.constant 2 : i32
    %dma_wait3A_162 = arith.constant 0 : i32
    %dma_wait3A_163 = tpu.memref_slice %arg6[%dma_wait3A_161, %dma_wait3A_162] : memref<5x2000xi32, #tpu.memory_space<vmem>> -> memref<1x2000xi32, #tpu.memory_space<vmem>>
    %dma_wait3A_164 = tpu.memref_squeeze %dma_wait3A_163 : memref<1x2000xi32, #tpu.memory_space<vmem>> -> memref<2000xi32, #tpu.memory_space<vmem>>
    %dma_wait3A_165 = tpu.memref_slice %arg3[%add3A_51] : memref<640000xi32, #tpu.memory_space<hbm>> -> memref<2000xi32, #tpu.memory_space<hbm>>
    %dma_wait3A_166 = arith.constant 0 : i32
    %dma_wait3A_167 = tpu.memref_slice %arg6[%dma_wait3A_161, %dma_wait3A_166] : memref<5x2000xi32, #tpu.memory_space<vmem>> -> memref<1x2000xi32, #tpu.memory_space<vmem>>
    %dma_wait3A_168 = tpu.memref_squeeze %dma_wait3A_167 : memref<1x2000xi32, #tpu.memory_space<vmem>> -> memref<2000xi32, #tpu.memory_space<vmem>>
    %dma_wait3A_169 = tpu.memref_slice %arg3[%add3A_51] : memref<640000xi32, #tpu.memory_space<hbm>> -> memref<2000xi32, #tpu.memory_space<hbm>>
    tpu.wait_dma2 semaphore(%arg14 : memref<!tpu.dma_semaphore, #tpu.memory_space<semaphore_mem>>) src(%dma_wait3A_169 : memref<2000xi32, #tpu.memory_space<hbm>>) dst(%dma_wait3A_168 : memref<2000xi32, #tpu.memory_space<vmem>>)
    %dma_wait3A_170 = arith.constant 2 : i32
    %dma_wait3A_171 = arith.constant 0 : i32
    %dma_wait3A_172 = tpu.memref_slice %arg7[%dma_wait3A_170, %dma_wait3A_171] : memref<5x2000xi32, #tpu.memory_space<vmem>> -> memref<1x2000xi32, #tpu.memory_space<vmem>>
    %dma_wait3A_173 = tpu.memref_squeeze %dma_wait3A_172 : memref<1x2000xi32, #tpu.memory_space<vmem>> -> memref<2000xi32, #tpu.memory_space<vmem>>
    %dma_wait3A_174 = tpu.memref_slice %arg3[%add3A_64] : memref<640000xi32, #tpu.memory_space<hbm>> -> memref<2000xi32, #tpu.memory_space<hbm>>
    %dma_wait3A_175 = arith.constant 0 : i32
    %dma_wait3A_176 = tpu.memref_slice %arg7[%dma_wait3A_170, %dma_wait3A_175] : memref<5x2000xi32, #tpu.memory_space<vmem>> -> memref<1x2000xi32, #tpu.memory_space<vmem>>
    %dma_wait3A_177 = tpu.memref_squeeze %dma_wait3A_176 : memref<1x2000xi32, #tpu.memory_space<vmem>> -> memref<2000xi32, #tpu.memory_space<vmem>>
    %dma_wait3A_178 = tpu.memref_slice %arg3[%add3A_64] : memref<640000xi32, #tpu.memory_space<hbm>> -> memref<2000xi32, #tpu.memory_space<hbm>>
    tpu.wait_dma2 semaphore(%arg14 : memref<!tpu.dma_semaphore, #tpu.memory_space<semaphore_mem>>) src(%dma_wait3A_178 : memref<2000xi32, #tpu.memory_space<hbm>>) dst(%dma_wait3A_177 : memref<2000xi32, #tpu.memory_space<vmem>>)
    %dma_wait3A_179 = arith.constant 3 : i32
    %dma_wait3A_180 = arith.constant 0 : i32
    %dma_wait3A_181 = tpu.memref_slice %arg6[%dma_wait3A_179, %dma_wait3A_180] : memref<5x2000xi32, #tpu.memory_space<vmem>> -> memref<1x2000xi32, #tpu.memory_space<vmem>>
    %dma_wait3A_182 = tpu.memref_squeeze %dma_wait3A_181 : memref<1x2000xi32, #tpu.memory_space<vmem>> -> memref<2000xi32, #tpu.memory_space<vmem>>
    %dma_wait3A_183 = tpu.memref_slice %arg3[%add3A_75] : memref<640000xi32, #tpu.memory_space<hbm>> -> memref<2000xi32, #tpu.memory_space<hbm>>
    %dma_wait3A_184 = arith.constant 0 : i32
    %dma_wait3A_185 = tpu.memref_slice %arg6[%dma_wait3A_179, %dma_wait3A_184] : memref<5x2000xi32, #tpu.memory_space<vmem>> -> memref<1x2000xi32, #tpu.memory_space<vmem>>
    %dma_wait3A_186 = tpu.memref_squeeze %dma_wait3A_185 : memref<1x2000xi32, #tpu.memory_space<vmem>> -> memref<2000xi32, #tpu.memory_space<vmem>>
    %dma_wait3A_187 = tpu.memref_slice %arg3[%add3A_75] : memref<640000xi32, #tpu.memory_space<hbm>> -> memref<2000xi32, #tpu.memory_space<hbm>>
    tpu.wait_dma2 semaphore(%arg14 : memref<!tpu.dma_semaphore, #tpu.memory_space<semaphore_mem>>) src(%dma_wait3A_187 : memref<2000xi32, #tpu.memory_space<hbm>>) dst(%dma_wait3A_186 : memref<2000xi32, #tpu.memory_space<vmem>>)
    %dma_wait3A_188 = arith.constant 3 : i32
    %dma_wait3A_189 = arith.constant 0 : i32
    %dma_wait3A_190 = tpu.memref_slice %arg7[%dma_wait3A_188, %dma_wait3A_189] : memref<5x2000xi32, #tpu.memory_space<vmem>> -> memref<1x2000xi32, #tpu.memory_space<vmem>>
    %dma_wait3A_191 = tpu.memref_squeeze %dma_wait3A_190 : memref<1x2000xi32, #tpu.memory_space<vmem>> -> memref<2000xi32, #tpu.memory_space<vmem>>
    %dma_wait3A_192 = tpu.memref_slice %arg3[%add3A_88] : memref<640000xi32, #tpu.memory_space<hbm>> -> memref<2000xi32, #tpu.memory_space<hbm>>
    %dma_wait3A_193 = arith.constant 0 : i32
    %dma_wait3A_194 = tpu.memref_slice %arg7[%dma_wait3A_188, %dma_wait3A_193] : memref<5x2000xi32, #tpu.memory_space<vmem>> -> memref<1x2000xi32, #tpu.memory_space<vmem>>
    %dma_wait3A_195 = tpu.memref_squeeze %dma_wait3A_194 : memref<1x2000xi32, #tpu.memory_space<vmem>> -> memref<2000xi32, #tpu.memory_space<vmem>>
    %dma_wait3A_196 = tpu.memref_slice %arg3[%add3A_88] : memref<640000xi32, #tpu.memory_space<hbm>> -> memref<2000xi32, #tpu.memory_space<hbm>>
    tpu.wait_dma2 semaphore(%arg14 : memref<!tpu.dma_semaphore, #tpu.memory_space<semaphore_mem>>) src(%dma_wait3A_196 : memref<2000xi32, #tpu.memory_space<hbm>>) dst(%dma_wait3A_195 : memref<2000xi32, #tpu.memory_space<vmem>>)
    %dma_wait3A_197 = arith.constant 4 : i32
    %dma_wait3A_198 = arith.constant 0 : i32
    %dma_wait3A_199 = tpu.memref_slice %arg6[%dma_wait3A_197, %dma_wait3A_198] : memref<5x2000xi32, #tpu.memory_space<vmem>> -> memref<1x2000xi32, #tpu.memory_space<vmem>>
    %dma_wait3A_200 = tpu.memref_squeeze %dma_wait3A_199 : memref<1x2000xi32, #tpu.memory_space<vmem>> -> memref<2000xi32, #tpu.memory_space<vmem>>
    %dma_wait3A_201 = tpu.memref_slice %arg3[%add3A_99] : memref<640000xi32, #tpu.memory_space<hbm>> -> memref<2000xi32, #tpu.memory_space<hbm>>
    %dma_wait3A_202 = arith.constant 0 : i32
    %dma_wait3A_203 = tpu.memref_slice %arg6[%dma_wait3A_197, %dma_wait3A_202] : memref<5x2000xi32, #tpu.memory_space<vmem>> -> memref<1x2000xi32, #tpu.memory_space<vmem>>
    %dma_wait3A_204 = tpu.memref_squeeze %dma_wait3A_203 : memref<1x2000xi32, #tpu.memory_space<vmem>> -> memref<2000xi32, #tpu.memory_space<vmem>>
    %dma_wait3A_205 = tpu.memref_slice %arg3[%add3A_99] : memref<640000xi32, #tpu.memory_space<hbm>> -> memref<2000xi32, #tpu.memory_space<hbm>>
    tpu.wait_dma2 semaphore(%arg14 : memref<!tpu.dma_semaphore, #tpu.memory_space<semaphore_mem>>) src(%dma_wait3A_205 : memref<2000xi32, #tpu.memory_space<hbm>>) dst(%dma_wait3A_204 : memref<2000xi32, #tpu.memory_space<vmem>>)
    %dma_wait3A_206 = arith.constant 4 : i32
    %dma_wait3A_207 = arith.constant 0 : i32
    %dma_wait3A_208 = tpu.memref_slice %arg7[%dma_wait3A_206, %dma_wait3A_207] : memref<5x2000xi32, #tpu.memory_space<vmem>> -> memref<1x2000xi32, #tpu.memory_space<vmem>>
    %dma_wait3A_209 = tpu.memref_squeeze %dma_wait3A_208 : memref<1x2000xi32, #tpu.memory_space<vmem>> -> memref<2000xi32, #tpu.memory_space<vmem>>
    %dma_wait3A_210 = tpu.memref_slice %arg3[%add3A_112] : memref<640000xi32, #tpu.memory_space<hbm>> -> memref<2000xi32, #tpu.memory_space<hbm>>
    %dma_wait3A_211 = arith.constant 0 : i32
    %dma_wait3A_212 = tpu.memref_slice %arg7[%dma_wait3A_206, %dma_wait3A_211] : memref<5x2000xi32, #tpu.memory_space<vmem>> -> memref<1x2000xi32, #tpu.memory_space<vmem>>
    %dma_wait3A_213 = tpu.memref_squeeze %dma_wait3A_212 : memref<1x2000xi32, #tpu.memory_space<vmem>> -> memref<2000xi32, #tpu.memory_space<vmem>>
    %dma_wait3A_214 = tpu.memref_slice %arg3[%add3A_112] : memref<640000xi32, #tpu.memory_space<hbm>> -> memref<2000xi32, #tpu.memory_space<hbm>>
    tpu.wait_dma2 semaphore(%arg14 : memref<!tpu.dma_semaphore, #tpu.memory_space<semaphore_mem>>) src(%dma_wait3A_214 : memref<2000xi32, #tpu.memory_space<hbm>>) dst(%dma_wait3A_213 : memref<2000xi32, #tpu.memory_space<vmem>>)
    %barrier3A = arith.constant 0 : index
    tpu.barrier barrier_id(%barrier3A)
    %dma_start3A_215 = arith.constant 0 : i32
    %dma_start3A_216 = arith.constant 0 : i32
    %dma_start3A_217 = arith.constant 0 : i32
    %dma_start3A_218 = arith.constant 0 : i32
    %dma_start3A_219 = tpu.memref_slice %arg8[%dma_start3A_216, %dma_start3A_217, %dma_start3A_218] : memref<2x2000x16xf32, #tpu.memory_space<vmem>> -> memref<1x2000x16xf32, #tpu.memory_space<vmem>>
    %dma_start3A_220 = tpu.memref_squeeze %dma_start3A_219 : memref<1x2000x16xf32, #tpu.memory_space<vmem>> -> memref<2000x16xf32, #tpu.memory_space<vmem>>
    %dma_start3A_221 = arith.constant 0 : i32
    %dma_start3A_222 = tpu.memref_slice %arg6[%dma_start3A_215, %dma_start3A_221] : memref<5x2000xi32, #tpu.memory_space<vmem>> -> memref<1x2000xi32, #tpu.memory_space<vmem>>
    %dma_start3A_223 = tpu.memref_squeeze %dma_start3A_222 : memref<1x2000xi32, #tpu.memory_space<vmem>> -> memref<2000xi32, #tpu.memory_space<vmem>>
    %dma_start3A_224 = arith.constant 0 : i32
    %dma_start3A_225 = arith.constant 0 : i32
    %dma_start3A_226 = tpu.memref_slice %arg2[%dma_start3A_224, %dma_start3A_225] : memref<10000x16xf32, #tpu.memory_space<hbm>> -> memref<10000x16xf32, #tpu.memory_space<hbm>>
    tpu.enqueue_indirect_dma source(%dma_start3A_226 : memref<10000x16xf32, #tpu.memory_space<hbm>>) target(%dma_start3A_220 : memref<2000x16xf32, #tpu.memory_space<vmem>>) offsets(%dma_start3A_223 : memref<2000xi32, #tpu.memory_space<vmem>>) semaphore(%arg10 : memref<!tpu.dma_semaphore, #tpu.memory_space<semaphore_mem>>)
    %dma_wait3A_227 = arith.constant 0 : i32
    %dma_wait3A_228 = arith.constant 0 : i32
    %dma_wait3A_229 = arith.constant 0 : i32
    %dma_wait3A_230 = arith.constant 0 : i32
    %dma_wait3A_231 = tpu.memref_slice %arg8[%dma_wait3A_228, %dma_wait3A_229, %dma_wait3A_230] : memref<2x2000x16xf32, #tpu.memory_space<vmem>> -> memref<1x2000x16xf32, #tpu.memory_space<vmem>>
    %dma_wait3A_232 = tpu.memref_squeeze %dma_wait3A_231 : memref<1x2000x16xf32, #tpu.memory_space<vmem>> -> memref<2000x16xf32, #tpu.memory_space<vmem>>
    %dma_wait3A_233 = arith.constant 0 : i32
    %dma_wait3A_234 = tpu.memref_slice %arg6[%dma_wait3A_227, %dma_wait3A_233] : memref<5x2000xi32, #tpu.memory_space<vmem>> -> memref<1x2000xi32, #tpu.memory_space<vmem>>
    %dma_wait3A_235 = tpu.memref_squeeze %dma_wait3A_234 : memref<1x2000xi32, #tpu.memory_space<vmem>> -> memref<2000xi32, #tpu.memory_space<vmem>>
    %dma_wait3A_236 = arith.constant 0 : i32
    %dma_wait3A_237 = arith.constant 0 : i32
    %dma_wait3A_238 = tpu.memref_slice %arg2[%dma_wait3A_236, %dma_wait3A_237] : memref<10000x16xf32, #tpu.memory_space<hbm>> -> memref<10000x16xf32, #tpu.memory_space<hbm>>
    tpu.wait_indirect_dma semaphore(%arg10 : memref<!tpu.dma_semaphore, #tpu.memory_space<semaphore_mem>>) src(%dma_wait3A_238 : memref<10000x16xf32, #tpu.memory_space<hbm>>) dst(%dma_wait3A_232 : memref<2000x16xf32, #tpu.memory_space<vmem>>)
    %dma_start3A_239 = arith.constant 0 : i32
    %dma_start3A_240 = arith.constant 0 : i32
    %dma_start3A_241 = arith.constant 0 : i32
    %dma_start3A_242 = arith.constant 0 : i32
    %dma_start3A_243 = tpu.memref_slice %arg8[%dma_start3A_239, %dma_start3A_241, %dma_start3A_242] : memref<2x2000x16xf32, #tpu.memory_space<vmem>> -> memref<1x2000x16xf32, #tpu.memory_space<vmem>>
    %dma_start3A_244 = tpu.memref_squeeze %dma_start3A_243 : memref<1x2000x16xf32, #tpu.memory_space<vmem>> -> memref<2000x16xf32, #tpu.memory_space<vmem>>
    %dma_start3A_245 = arith.constant 0 : i32
    %dma_start3A_246 = tpu.memref_slice %arg7[%dma_start3A_240, %dma_start3A_245] : memref<5x2000xi32, #tpu.memory_space<vmem>> -> memref<1x2000xi32, #tpu.memory_space<vmem>>
    %dma_start3A_247 = tpu.memref_squeeze %dma_start3A_246 : memref<1x2000xi32, #tpu.memory_space<vmem>> -> memref<2000xi32, #tpu.memory_space<vmem>>
    %dma_start3A_248 = arith.constant 0 : i32
    %dma_start3A_249 = arith.constant 0 : i32
    %dma_start3A_250 = tpu.memref_slice %arg9[%dma_start3A_248, %dma_start3A_249] : memref<10000x16xf32, #tpu.memory_space<vmem_shared>> -> memref<10000x16xf32, #tpu.memory_space<vmem_shared>>
    tpu.enqueue_indirect_dma source(%dma_start3A_244 : memref<2000x16xf32, #tpu.memory_space<vmem>>) target(%dma_start3A_250 : memref<10000x16xf32, #tpu.memory_space<vmem_shared>>) offsets(%dma_start3A_247 : memref<2000xi32, #tpu.memory_space<vmem>>) semaphore(%arg12 : memref<!tpu.dma_semaphore, #tpu.memory_space<semaphore_mem>>) {add = true}
    %dma_start3A_251 = arith.constant 1 : i32
    %dma_start3A_252 = arith.constant 1 : i32
    %dma_start3A_253 = arith.constant 0 : i32
    %dma_start3A_254 = arith.constant 0 : i32
    %dma_start3A_255 = tpu.memref_slice %arg8[%dma_start3A_252, %dma_start3A_253, %dma_start3A_254] : memref<2x2000x16xf32, #tpu.memory_space<vmem>> -> memref<1x2000x16xf32, #tpu.memory_space<vmem>>
    %dma_start3A_256 = tpu.memref_squeeze %dma_start3A_255 : memref<1x2000x16xf32, #tpu.memory_space<vmem>> -> memref<2000x16xf32, #tpu.memory_space<vmem>>
    %dma_start3A_257 = arith.constant 0 : i32
    %dma_start3A_258 = tpu.memref_slice %arg6[%dma_start3A_251, %dma_start3A_257] : memref<5x2000xi32, #tpu.memory_space<vmem>> -> memref<1x2000xi32, #tpu.memory_space<vmem>>
    %dma_start3A_259 = tpu.memref_squeeze %dma_start3A_258 : memref<1x2000xi32, #tpu.memory_space<vmem>> -> memref<2000xi32, #tpu.memory_space<vmem>>
    %dma_start3A_260 = arith.constant 0 : i32
    %dma_start3A_261 = arith.constant 0 : i32
    %dma_start3A_262 = tpu.memref_slice %arg2[%dma_start3A_260, %dma_start3A_261] : memref<10000x16xf32, #tpu.memory_space<hbm>> -> memref<10000x16xf32, #tpu.memory_space<hbm>>
    tpu.enqueue_indirect_dma source(%dma_start3A_262 : memref<10000x16xf32, #tpu.memory_space<hbm>>) target(%dma_start3A_256 : memref<2000x16xf32, #tpu.memory_space<vmem>>) offsets(%dma_start3A_259 : memref<2000xi32, #tpu.memory_space<vmem>>) semaphore(%arg11 : memref<!tpu.dma_semaphore, #tpu.memory_space<semaphore_mem>>)
    %dma_wait3A_263 = arith.constant 1 : i32
    %dma_wait3A_264 = arith.constant 1 : i32
    %dma_wait3A_265 = arith.constant 0 : i32
    %dma_wait3A_266 = arith.constant 0 : i32
    %dma_wait3A_267 = tpu.memref_slice %arg8[%dma_wait3A_264, %dma_wait3A_265, %dma_wait3A_266] : memref<2x2000x16xf32, #tpu.memory_space<vmem>> -> memref<1x2000x16xf32, #tpu.memory_space<vmem>>
    %dma_wait3A_268 = tpu.memref_squeeze %dma_wait3A_267 : memref<1x2000x16xf32, #tpu.memory_space<vmem>> -> memref<2000x16xf32, #tpu.memory_space<vmem>>
    %dma_wait3A_269 = arith.constant 0 : i32
    %dma_wait3A_270 = tpu.memref_slice %arg6[%dma_wait3A_263, %dma_wait3A_269] : memref<5x2000xi32, #tpu.memory_space<vmem>> -> memref<1x2000xi32, #tpu.memory_space<vmem>>
    %dma_wait3A_271 = tpu.memref_squeeze %dma_wait3A_270 : memref<1x2000xi32, #tpu.memory_space<vmem>> -> memref<2000xi32, #tpu.memory_space<vmem>>
    %dma_wait3A_272 = arith.constant 0 : i32
    %dma_wait3A_273 = arith.constant 0 : i32
    %dma_wait3A_274 = tpu.memref_slice %arg2[%dma_wait3A_272, %dma_wait3A_273] : memref<10000x16xf32, #tpu.memory_space<hbm>> -> memref<10000x16xf32, #tpu.memory_space<hbm>>
    tpu.wait_indirect_dma semaphore(%arg11 : memref<!tpu.dma_semaphore, #tpu.memory_space<semaphore_mem>>) src(%dma_wait3A_274 : memref<10000x16xf32, #tpu.memory_space<hbm>>) dst(%dma_wait3A_268 : memref<2000x16xf32, #tpu.memory_space<vmem>>)
    %dma_start3A_275 = arith.constant 1 : i32
    %dma_start3A_276 = arith.constant 1 : i32
    %dma_start3A_277 = arith.constant 0 : i32
    %dma_start3A_278 = arith.constant 0 : i32
    %dma_start3A_279 = tpu.memref_slice %arg8[%dma_start3A_275, %dma_start3A_277, %dma_start3A_278] : memref<2x2000x16xf32, #tpu.memory_space<vmem>> -> memref<1x2000x16xf32, #tpu.memory_space<vmem>>
    %dma_start3A_280 = tpu.memref_squeeze %dma_start3A_279 : memref<1x2000x16xf32, #tpu.memory_space<vmem>> -> memref<2000x16xf32, #tpu.memory_space<vmem>>
    %dma_start3A_281 = arith.constant 0 : i32
    %dma_start3A_282 = tpu.memref_slice %arg7[%dma_start3A_276, %dma_start3A_281] : memref<5x2000xi32, #tpu.memory_space<vmem>> -> memref<1x2000xi32, #tpu.memory_space<vmem>>
    %dma_start3A_283 = tpu.memref_squeeze %dma_start3A_282 : memref<1x2000xi32, #tpu.memory_space<vmem>> -> memref<2000xi32, #tpu.memory_space<vmem>>
    %dma_start3A_284 = arith.constant 0 : i32
    %dma_start3A_285 = arith.constant 0 : i32
    %dma_start3A_286 = tpu.memref_slice %arg9[%dma_start3A_284, %dma_start3A_285] : memref<10000x16xf32, #tpu.memory_space<vmem_shared>> -> memref<10000x16xf32, #tpu.memory_space<vmem_shared>>
    tpu.enqueue_indirect_dma source(%dma_start3A_280 : memref<2000x16xf32, #tpu.memory_space<vmem>>) target(%dma_start3A_286 : memref<10000x16xf32, #tpu.memory_space<vmem_shared>>) offsets(%dma_start3A_283 : memref<2000xi32, #tpu.memory_space<vmem>>) semaphore(%arg13 : memref<!tpu.dma_semaphore, #tpu.memory_space<semaphore_mem>>) {add = true}
    %dma_wait3A_287 = arith.constant 0 : i32
    %dma_wait3A_288 = arith.constant 0 : i32
    %dma_wait3A_289 = arith.constant 0 : i32
    %dma_wait3A_290 = arith.constant 0 : i32
    %dma_wait3A_291 = tpu.memref_slice %arg8[%dma_wait3A_287, %dma_wait3A_289, %dma_wait3A_290] : memref<2x2000x16xf32, #tpu.memory_space<vmem>> -> memref<1x2000x16xf32, #tpu.memory_space<vmem>>
    %dma_wait3A_292 = tpu.memref_squeeze %dma_wait3A_291 : memref<1x2000x16xf32, #tpu.memory_space<vmem>> -> memref<2000x16xf32, #tpu.memory_space<vmem>>
    %dma_wait3A_293 = arith.constant 0 : i32
    %dma_wait3A_294 = tpu.memref_slice %arg7[%dma_wait3A_288, %dma_wait3A_293] : memref<5x2000xi32, #tpu.memory_space<vmem>> -> memref<1x2000xi32, #tpu.memory_space<vmem>>
    %dma_wait3A_295 = tpu.memref_squeeze %dma_wait3A_294 : memref<1x2000xi32, #tpu.memory_space<vmem>> -> memref<2000xi32, #tpu.memory_space<vmem>>
    %dma_wait3A_296 = arith.constant 0 : i32
    %dma_wait3A_297 = arith.constant 0 : i32
    %dma_wait3A_298 = tpu.memref_slice %arg9[%dma_wait3A_296, %dma_wait3A_297] : memref<10000x16xf32, #tpu.memory_space<vmem_shared>> -> memref<10000x16xf32, #tpu.memory_space<vmem_shared>>
    tpu.wait_indirect_dma semaphore(%arg12 : memref<!tpu.dma_semaphore, #tpu.memory_space<semaphore_mem>>) src(%dma_wait3A_292 : memref<2000x16xf32, #tpu.memory_space<vmem>>) dst(%dma_wait3A_298 : memref<10000x16xf32, #tpu.memory_space<vmem_shared>>)
    %dma_start3A_299 = arith.constant 2 : i32
    %dma_start3A_300 = arith.constant 0 : i32
    %dma_start3A_301 = arith.constant 0 : i32
    %dma_start3A_302 = arith.constant 0 : i32
    %dma_start3A_303 = tpu.memref_slice %arg8[%dma_start3A_300, %dma_start3A_301, %dma_start3A_302] : memref<2x2000x16xf32, #tpu.memory_space<vmem>> -> memref<1x2000x16xf32, #tpu.memory_space<vmem>>
    %dma_start3A_304 = tpu.memref_squeeze %dma_start3A_303 : memref<1x2000x16xf32, #tpu.memory_space<vmem>> -> memref<2000x16xf32, #tpu.memory_space<vmem>>
    %dma_start3A_305 = arith.constant 0 : i32
    %dma_start3A_306 = tpu.memref_slice %arg6[%dma_start3A_299, %dma_start3A_305] : memref<5x2000xi32, #tpu.memory_space<vmem>> -> memref<1x2000xi32, #tpu.memory_space<vmem>>
    %dma_start3A_307 = tpu.memref_squeeze %dma_start3A_306 : memref<1x2000xi32, #tpu.memory_space<vmem>> -> memref<2000xi32, #tpu.memory_space<vmem>>
    %dma_start3A_308 = arith.constant 0 : i32
    %dma_start3A_309 = arith.constant 0 : i32
    %dma_start3A_310 = tpu.memref_slice %arg2[%dma_start3A_308, %dma_start3A_309] : memref<10000x16xf32, #tpu.memory_space<hbm>> -> memref<10000x16xf32, #tpu.memory_space<hbm>>
    tpu.enqueue_indirect_dma source(%dma_start3A_310 : memref<10000x16xf32, #tpu.memory_space<hbm>>) target(%dma_start3A_304 : memref<2000x16xf32, #tpu.memory_space<vmem>>) offsets(%dma_start3A_307 : memref<2000xi32, #tpu.memory_space<vmem>>) semaphore(%arg10 : memref<!tpu.dma_semaphore, #tpu.memory_space<semaphore_mem>>)
    %dma_wait3A_311 = arith.constant 2 : i32
    %dma_wait3A_312 = arith.constant 0 : i32
    %dma_wait3A_313 = arith.constant 0 : i32
    %dma_wait3A_314 = arith.constant 0 : i32
    %dma_wait3A_315 = tpu.memref_slice %arg8[%dma_wait3A_312, %dma_wait3A_313, %dma_wait3A_314] : memref<2x2000x16xf32, #tpu.memory_space<vmem>> -> memref<1x2000x16xf32, #tpu.memory_space<vmem>>
    %dma_wait3A_316 = tpu.memref_squeeze %dma_wait3A_315 : memref<1x2000x16xf32, #tpu.memory_space<vmem>> -> memref<2000x16xf32, #tpu.memory_space<vmem>>
    %dma_wait3A_317 = arith.constant 0 : i32
    %dma_wait3A_318 = tpu.memref_slice %arg6[%dma_wait3A_311, %dma_wait3A_317] : memref<5x2000xi32, #tpu.memory_space<vmem>> -> memref<1x2000xi32, #tpu.memory_space<vmem>>
    %dma_wait3A_319 = tpu.memref_squeeze %dma_wait3A_318 : memref<1x2000xi32, #tpu.memory_space<vmem>> -> memref<2000xi32, #tpu.memory_space<vmem>>
    %dma_wait3A_320 = arith.constant 0 : i32
    %dma_wait3A_321 = arith.constant 0 : i32
    %dma_wait3A_322 = tpu.memref_slice %arg2[%dma_wait3A_320, %dma_wait3A_321] : memref<10000x16xf32, #tpu.memory_space<hbm>> -> memref<10000x16xf32, #tpu.memory_space<hbm>>
    tpu.wait_indirect_dma semaphore(%arg10 : memref<!tpu.dma_semaphore, #tpu.memory_space<semaphore_mem>>) src(%dma_wait3A_322 : memref<10000x16xf32, #tpu.memory_space<hbm>>) dst(%dma_wait3A_316 : memref<2000x16xf32, #tpu.memory_space<vmem>>)
    %dma_start3A_323 = arith.constant 0 : i32
    %dma_start3A_324 = arith.constant 2 : i32
    %dma_start3A_325 = arith.constant 0 : i32
    %dma_start3A_326 = arith.constant 0 : i32
    %dma_start3A_327 = tpu.memref_slice %arg8[%dma_start3A_323, %dma_start3A_325, %dma_start3A_326] : memref<2x2000x16xf32, #tpu.memory_space<vmem>> -> memref<1x2000x16xf32, #tpu.memory_space<vmem>>
    %dma_start3A_328 = tpu.memref_squeeze %dma_start3A_327 : memref<1x2000x16xf32, #tpu.memory_space<vmem>> -> memref<2000x16xf32, #tpu.memory_space<vmem>>
    %dma_start3A_329 = arith.constant 0 : i32
    %dma_start3A_330 = tpu.memref_slice %arg7[%dma_start3A_324, %dma_start3A_329] : memref<5x2000xi32, #tpu.memory_space<vmem>> -> memref<1x2000xi32, #tpu.memory_space<vmem>>
    %dma_start3A_331 = tpu.memref_squeeze %dma_start3A_330 : memref<1x2000xi32, #tpu.memory_space<vmem>> -> memref<2000xi32, #tpu.memory_space<vmem>>
    %dma_start3A_332 = arith.constant 0 : i32
    %dma_start3A_333 = arith.constant 0 : i32
    %dma_start3A_334 = tpu.memref_slice %arg9[%dma_start3A_332, %dma_start3A_333] : memref<10000x16xf32, #tpu.memory_space<vmem_shared>> -> memref<10000x16xf32, #tpu.memory_space<vmem_shared>>
    tpu.enqueue_indirect_dma source(%dma_start3A_328 : memref<2000x16xf32, #tpu.memory_space<vmem>>) target(%dma_start3A_334 : memref<10000x16xf32, #tpu.memory_space<vmem_shared>>) offsets(%dma_start3A_331 : memref<2000xi32, #tpu.memory_space<vmem>>) semaphore(%arg12 : memref<!tpu.dma_semaphore, #tpu.memory_space<semaphore_mem>>) {add = true}
    %dma_wait3A_335 = arith.constant 1 : i32
    %dma_wait3A_336 = arith.constant 1 : i32
    %dma_wait3A_337 = arith.constant 0 : i32
    %dma_wait3A_338 = arith.constant 0 : i32
    %dma_wait3A_339 = tpu.memref_slice %arg8[%dma_wait3A_335, %dma_wait3A_337, %dma_wait3A_338] : memref<2x2000x16xf32, #tpu.memory_space<vmem>> -> memref<1x2000x16xf32, #tpu.memory_space<vmem>>
    %dma_wait3A_340 = tpu.memref_squeeze %dma_wait3A_339 : memref<1x2000x16xf32, #tpu.memory_space<vmem>> -> memref<2000x16xf32, #tpu.memory_space<vmem>>
    %dma_wait3A_341 = arith.constant 0 : i32
    %dma_wait3A_342 = tpu.memref_slice %arg7[%dma_wait3A_336, %dma_wait3A_341] : memref<5x2000xi32, #tpu.memory_space<vmem>> -> memref<1x2000xi32, #tpu.memory_space<vmem>>
    %dma_wait3A_343 = tpu.memref_squeeze %dma_wait3A_342 : memref<1x2000xi32, #tpu.memory_space<vmem>> -> memref<2000xi32, #tpu.memory_space<vmem>>
    %dma_wait3A_344 = arith.constant 0 : i32
    %dma_wait3A_345 = arith.constant 0 : i32
    %dma_wait3A_346 = tpu.memref_slice %arg9[%dma_wait3A_344, %dma_wait3A_345] : memref<10000x16xf32, #tpu.memory_space<vmem_shared>> -> memref<10000x16xf32, #tpu.memory_space<vmem_shared>>
    tpu.wait_indirect_dma semaphore(%arg13 : memref<!tpu.dma_semaphore, #tpu.memory_space<semaphore_mem>>) src(%dma_wait3A_340 : memref<2000x16xf32, #tpu.memory_space<vmem>>) dst(%dma_wait3A_346 : memref<10000x16xf32, #tpu.memory_space<vmem_shared>>)
    %dma_start3A_347 = arith.constant 3 : i32
    %dma_start3A_348 = arith.constant 1 : i32
    %dma_start3A_349 = arith.constant 0 : i32
    %dma_start3A_350 = arith.constant 0 : i32
    %dma_start3A_351 = tpu.memref_slice %arg8[%dma_start3A_348, %dma_start3A_349, %dma_start3A_350] : memref<2x2000x16xf32, #tpu.memory_space<vmem>> -> memref<1x2000x16xf32, #tpu.memory_space<vmem>>
    %dma_start3A_352 = tpu.memref_squeeze %dma_start3A_351 : memref<1x2000x16xf32, #tpu.memory_space<vmem>> -> memref<2000x16xf32, #tpu.memory_space<vmem>>
    %dma_start3A_353 = arith.constant 0 : i32
    %dma_start3A_354 = tpu.memref_slice %arg6[%dma_start3A_347, %dma_start3A_353] : memref<5x2000xi32, #tpu.memory_space<vmem>> -> memref<1x2000xi32, #tpu.memory_space<vmem>>
    %dma_start3A_355 = tpu.memref_squeeze %dma_start3A_354 : memref<1x2000xi32, #tpu.memory_space<vmem>> -> memref<2000xi32, #tpu.memory_space<vmem>>
    %dma_start3A_356 = arith.constant 0 : i32
    %dma_start3A_357 = arith.constant 0 : i32
    %dma_start3A_358 = tpu.memref_slice %arg2[%dma_start3A_356, %dma_start3A_357] : memref<10000x16xf32, #tpu.memory_space<hbm>> -> memref<10000x16xf32, #tpu.memory_space<hbm>>
    tpu.enqueue_indirect_dma source(%dma_start3A_358 : memref<10000x16xf32, #tpu.memory_space<hbm>>) target(%dma_start3A_352 : memref<2000x16xf32, #tpu.memory_space<vmem>>) offsets(%dma_start3A_355 : memref<2000xi32, #tpu.memory_space<vmem>>) semaphore(%arg11 : memref<!tpu.dma_semaphore, #tpu.memory_space<semaphore_mem>>)
    %dma_wait3A_359 = arith.constant 3 : i32
    %dma_wait3A_360 = arith.constant 1 : i32
    %dma_wait3A_361 = arith.constant 0 : i32
    %dma_wait3A_362 = arith.constant 0 : i32
    %dma_wait3A_363 = tpu.memref_slice %arg8[%dma_wait3A_360, %dma_wait3A_361, %dma_wait3A_362] : memref<2x2000x16xf32, #tpu.memory_space<vmem>> -> memref<1x2000x16xf32, #tpu.memory_space<vmem>>
    %dma_wait3A_364 = tpu.memref_squeeze %dma_wait3A_363 : memref<1x2000x16xf32, #tpu.memory_space<vmem>> -> memref<2000x16xf32, #tpu.memory_space<vmem>>
    %dma_wait3A_365 = arith.constant 0 : i32
    %dma_wait3A_366 = tpu.memref_slice %arg6[%dma_wait3A_359, %dma_wait3A_365] : memref<5x2000xi32, #tpu.memory_space<vmem>> -> memref<1x2000xi32, #tpu.memory_space<vmem>>
    %dma_wait3A_367 = tpu.memref_squeeze %dma_wait3A_366 : memref<1x2000xi32, #tpu.memory_space<vmem>> -> memref<2000xi32, #tpu.memory_space<vmem>>
    %dma_wait3A_368 = arith.constant 0 : i32
    %dma_wait3A_369 = arith.constant 0 : i32
    %dma_wait3A_370 = tpu.memref_slice %arg2[%dma_wait3A_368, %dma_wait3A_369] : memref<10000x16xf32, #tpu.memory_space<hbm>> -> memref<10000x16xf32, #tpu.memory_space<hbm>>
    tpu.wait_indirect_dma semaphore(%arg11 : memref<!tpu.dma_semaphore, #tpu.memory_space<semaphore_mem>>) src(%dma_wait3A_370 : memref<10000x16xf32, #tpu.memory_space<hbm>>) dst(%dma_wait3A_364 : memref<2000x16xf32, #tpu.memory_space<vmem>>)
    %dma_start3A_371 = arith.constant 1 : i32
    %dma_start3A_372 = arith.constant 3 : i32
    %dma_start3A_373 = arith.constant 0 : i32
    %dma_start3A_374 = arith.constant 0 : i32
    %dma_start3A_375 = tpu.memref_slice %arg8[%dma_start3A_371, %dma_start3A_373, %dma_start3A_374] : memref<2x2000x16xf32, #tpu.memory_space<vmem>> -> memref<1x2000x16xf32, #tpu.memory_space<vmem>>
    %dma_start3A_376 = tpu.memref_squeeze %dma_start3A_375 : memref<1x2000x16xf32, #tpu.memory_space<vmem>> -> memref<2000x16xf32, #tpu.memory_space<vmem>>
    %dma_start3A_377 = arith.constant 0 : i32
    %dma_start3A_378 = tpu.memref_slice %arg7[%dma_start3A_372, %dma_start3A_377] : memref<5x2000xi32, #tpu.memory_space<vmem>> -> memref<1x2000xi32, #tpu.memory_space<vmem>>
    %dma_start3A_379 = tpu.memref_squeeze %dma_start3A_378 : memref<1x2000xi32, #tpu.memory_space<vmem>> -> memref<2000xi32, #tpu.memory_space<vmem>>
    %dma_start3A_380 = arith.constant 0 : i32
    %dma_start3A_381 = arith.constant 0 : i32
    %dma_start3A_382 = tpu.memref_slice %arg9[%dma_start3A_380, %dma_start3A_381] : memref<10000x16xf32, #tpu.memory_space<vmem_shared>> -> memref<10000x16xf32, #tpu.memory_space<vmem_shared>>
    tpu.enqueue_indirect_dma source(%dma_start3A_376 : memref<2000x16xf32, #tpu.memory_space<vmem>>) target(%dma_start3A_382 : memref<10000x16xf32, #tpu.memory_space<vmem_shared>>) offsets(%dma_start3A_379 : memref<2000xi32, #tpu.memory_space<vmem>>) semaphore(%arg13 : memref<!tpu.dma_semaphore, #tpu.memory_space<semaphore_mem>>) {add = true}
    %dma_wait3A_383 = arith.constant 0 : i32
    %dma_wait3A_384 = arith.constant 2 : i32
    %dma_wait3A_385 = arith.constant 0 : i32
    %dma_wait3A_386 = arith.constant 0 : i32
    %dma_wait3A_387 = tpu.memref_slice %arg8[%dma_wait3A_383, %dma_wait3A_385, %dma_wait3A_386] : memref<2x2000x16xf32, #tpu.memory_space<vmem>> -> memref<1x2000x16xf32, #tpu.memory_space<vmem>>
    %dma_wait3A_388 = tpu.memref_squeeze %dma_wait3A_387 : memref<1x2000x16xf32, #tpu.memory_space<vmem>> -> memref<2000x16xf32, #tpu.memory_space<vmem>>
    %dma_wait3A_389 = arith.constant 0 : i32
    %dma_wait3A_390 = tpu.memref_slice %arg7[%dma_wait3A_384, %dma_wait3A_389] : memref<5x2000xi32, #tpu.memory_space<vmem>> -> memref<1x2000xi32, #tpu.memory_space<vmem>>
    %dma_wait3A_391 = tpu.memref_squeeze %dma_wait3A_390 : memref<1x2000xi32, #tpu.memory_space<vmem>> -> memref<2000xi32, #tpu.memory_space<vmem>>
    %dma_wait3A_392 = arith.constant 0 : i32
    %dma_wait3A_393 = arith.constant 0 : i32
    %dma_wait3A_394 = tpu.memref_slice %arg9[%dma_wait3A_392, %dma_wait3A_393] : memref<10000x16xf32, #tpu.memory_space<vmem_shared>> -> memref<10000x16xf32, #tpu.memory_space<vmem_shared>>
    tpu.wait_indirect_dma semaphore(%arg12 : memref<!tpu.dma_semaphore, #tpu.memory_space<semaphore_mem>>) src(%dma_wait3A_388 : memref<2000x16xf32, #tpu.memory_space<vmem>>) dst(%dma_wait3A_394 : memref<10000x16xf32, #tpu.memory_space<vmem_shared>>)
    %dma_start3A_395 = arith.constant 4 : i32
    %dma_start3A_396 = arith.constant 0 : i32
    %dma_start3A_397 = arith.constant 0 : i32
    %dma_start3A_398 = arith.constant 0 : i32
    %dma_start3A_399 = tpu.memref_slice %arg8[%dma_start3A_396, %dma_start3A_397, %dma_start3A_398] : memref<2x2000x16xf32, #tpu.memory_space<vmem>> -> memref<1x2000x16xf32, #tpu.memory_space<vmem>>
    %dma_start3A_400 = tpu.memref_squeeze %dma_start3A_399 : memref<1x2000x16xf32, #tpu.memory_space<vmem>> -> memref<2000x16xf32, #tpu.memory_space<vmem>>
    %dma_start3A_401 = arith.constant 0 : i32
    %dma_start3A_402 = tpu.memref_slice %arg6[%dma_start3A_395, %dma_start3A_401] : memref<5x2000xi32, #tpu.memory_space<vmem>> -> memref<1x2000xi32, #tpu.memory_space<vmem>>
    %dma_start3A_403 = tpu.memref_squeeze %dma_start3A_402 : memref<1x2000xi32, #tpu.memory_space<vmem>> -> memref<2000xi32, #tpu.memory_space<vmem>>
    %dma_start3A_404 = arith.constant 0 : i32
    %dma_start3A_405 = arith.constant 0 : i32
    %dma_start3A_406 = tpu.memref_slice %arg2[%dma_start3A_404, %dma_start3A_405] : memref<10000x16xf32, #tpu.memory_space<hbm>> -> memref<10000x16xf32, #tpu.memory_space<hbm>>
    tpu.enqueue_indirect_dma source(%dma_start3A_406 : memref<10000x16xf32, #tpu.memory_space<hbm>>) target(%dma_start3A_400 : memref<2000x16xf32, #tpu.memory_space<vmem>>) offsets(%dma_start3A_403 : memref<2000xi32, #tpu.memory_space<vmem>>) semaphore(%arg10 : memref<!tpu.dma_semaphore, #tpu.memory_space<semaphore_mem>>)
    %dma_wait3A_407 = arith.constant 4 : i32
    %dma_wait3A_408 = arith.constant 0 : i32
    %dma_wait3A_409 = arith.constant 0 : i32
    %dma_wait3A_410 = arith.constant 0 : i32
    %dma_wait3A_411 = tpu.memref_slice %arg8[%dma_wait3A_408, %dma_wait3A_409, %dma_wait3A_410] : memref<2x2000x16xf32, #tpu.memory_space<vmem>> -> memref<1x2000x16xf32, #tpu.memory_space<vmem>>
    %dma_wait3A_412 = tpu.memref_squeeze %dma_wait3A_411 : memref<1x2000x16xf32, #tpu.memory_space<vmem>> -> memref<2000x16xf32, #tpu.memory_space<vmem>>
    %dma_wait3A_413 = arith.constant 0 : i32
    %dma_wait3A_414 = tpu.memref_slice %arg6[%dma_wait3A_407, %dma_wait3A_413] : memref<5x2000xi32, #tpu.memory_space<vmem>> -> memref<1x2000xi32, #tpu.memory_space<vmem>>
    %dma_wait3A_415 = tpu.memref_squeeze %dma_wait3A_414 : memref<1x2000xi32, #tpu.memory_space<vmem>> -> memref<2000xi32, #tpu.memory_space<vmem>>
    %dma_wait3A_416 = arith.constant 0 : i32
    %dma_wait3A_417 = arith.constant 0 : i32
    %dma_wait3A_418 = tpu.memref_slice %arg2[%dma_wait3A_416, %dma_wait3A_417] : memref<10000x16xf32, #tpu.memory_space<hbm>> -> memref<10000x16xf32, #tpu.memory_space<hbm>>
    tpu.wait_indirect_dma semaphore(%arg10 : memref<!tpu.dma_semaphore, #tpu.memory_space<semaphore_mem>>) src(%dma_wait3A_418 : memref<10000x16xf32, #tpu.memory_space<hbm>>) dst(%dma_wait3A_412 : memref<2000x16xf32, #tpu.memory_space<vmem>>)
    %dma_start3A_419 = arith.constant 0 : i32
    %dma_start3A_420 = arith.constant 4 : i32
    %dma_start3A_421 = arith.constant 0 : i32
    %dma_start3A_422 = arith.constant 0 : i32
    %dma_start3A_423 = tpu.memref_slice %arg8[%dma_start3A_419, %dma_start3A_421, %dma_start3A_422] : memref<2x2000x16xf32, #tpu.memory_space<vmem>> -> memref<1x2000x16xf32, #tpu.memory_space<vmem>>
    %dma_start3A_424 = tpu.memref_squeeze %dma_start3A_423 : memref<1x2000x16xf32, #tpu.memory_space<vmem>> -> memref<2000x16xf32, #tpu.memory_space<vmem>>
    %dma_start3A_425 = arith.constant 0 : i32
    %dma_start3A_426 = tpu.memref_slice %arg7[%dma_start3A_420, %dma_start3A_425] : memref<5x2000xi32, #tpu.memory_space<vmem>> -> memref<1x2000xi32, #tpu.memory_space<vmem>>
    %dma_start3A_427 = tpu.memref_squeeze %dma_start3A_426 : memref<1x2000xi32, #tpu.memory_space<vmem>> -> memref<2000xi32, #tpu.memory_space<vmem>>
    %dma_start3A_428 = arith.constant 0 : i32
    %dma_start3A_429 = arith.constant 0 : i32
    %dma_start3A_430 = tpu.memref_slice %arg9[%dma_start3A_428, %dma_start3A_429] : memref<10000x16xf32, #tpu.memory_space<vmem_shared>> -> memref<10000x16xf32, #tpu.memory_space<vmem_shared>>
    tpu.enqueue_indirect_dma source(%dma_start3A_424 : memref<2000x16xf32, #tpu.memory_space<vmem>>) target(%dma_start3A_430 : memref<10000x16xf32, #tpu.memory_space<vmem_shared>>) offsets(%dma_start3A_427 : memref<2000xi32, #tpu.memory_space<vmem>>) semaphore(%arg12 : memref<!tpu.dma_semaphore, #tpu.memory_space<semaphore_mem>>) {add = true}
    %dma_wait3A_431 = arith.constant 0 : i32
    %dma_wait3A_432 = arith.constant 4 : i32
    %dma_wait3A_433 = arith.constant 0 : i32
    %dma_wait3A_434 = arith.constant 0 : i32
    %dma_wait3A_435 = tpu.memref_slice %arg8[%dma_wait3A_431, %dma_wait3A_433, %dma_wait3A_434] : memref<2x2000x16xf32, #tpu.memory_space<vmem>> -> memref<1x2000x16xf32, #tpu.memory_space<vmem>>
    %dma_wait3A_436 = tpu.memref_squeeze %dma_wait3A_435 : memref<1x2000x16xf32, #tpu.memory_space<vmem>> -> memref<2000x16xf32, #tpu.memory_space<vmem>>
    %dma_wait3A_437 = arith.constant 0 : i32
    %dma_wait3A_438 = tpu.memref_slice %arg7[%dma_wait3A_432, %dma_wait3A_437] : memref<5x2000xi32, #tpu.memory_space<vmem>> -> memref<1x2000xi32, #tpu.memory_space<vmem>>
    %dma_wait3A_439 = tpu.memref_squeeze %dma_wait3A_438 : memref<1x2000xi32, #tpu.memory_space<vmem>> -> memref<2000xi32, #tpu.memory_space<vmem>>
    %dma_wait3A_440 = arith.constant 0 : i32
    %dma_wait3A_441 = arith.constant 0 : i32
    %dma_wait3A_442 = tpu.memref_slice %arg9[%dma_wait3A_440, %dma_wait3A_441] : memref<10000x16xf32, #tpu.memory_space<vmem_shared>> -> memref<10000x16xf32, #tpu.memory_space<vmem_shared>>
    tpu.wait_indirect_dma semaphore(%arg12 : memref<!tpu.dma_semaphore, #tpu.memory_space<semaphore_mem>>) src(%dma_wait3A_436 : memref<2000x16xf32, #tpu.memory_space<vmem>>) dst(%dma_wait3A_442 : memref<10000x16xf32, #tpu.memory_space<vmem_shared>>)
    %dma_wait3A_443 = arith.constant 1 : i32
    %dma_wait3A_444 = arith.constant 3 : i32
    %dma_wait3A_445 = arith.constant 0 : i32
    %dma_wait3A_446 = arith.constant 0 : i32
    %dma_wait3A_447 = tpu.memref_slice %arg8[%dma_wait3A_443, %dma_wait3A_445, %dma_wait3A_446] : memref<2x2000x16xf32, #tpu.memory_space<vmem>> -> memref<1x2000x16xf32, #tpu.memory_space<vmem>>
    %dma_wait3A_448 = tpu.memref_squeeze %dma_wait3A_447 : memref<1x2000x16xf32, #tpu.memory_space<vmem>> -> memref<2000x16xf32, #tpu.memory_space<vmem>>
    %dma_wait3A_449 = arith.constant 0 : i32
    %dma_wait3A_450 = tpu.memref_slice %arg7[%dma_wait3A_444, %dma_wait3A_449] : memref<5x2000xi32, #tpu.memory_space<vmem>> -> memref<1x2000xi32, #tpu.memory_space<vmem>>
    %dma_wait3A_451 = tpu.memref_squeeze %dma_wait3A_450 : memref<1x2000xi32, #tpu.memory_space<vmem>> -> memref<2000xi32, #tpu.memory_space<vmem>>
    %dma_wait3A_452 = arith.constant 0 : i32
    %dma_wait3A_453 = arith.constant 0 : i32
    %dma_wait3A_454 = tpu.memref_slice %arg9[%dma_wait3A_452, %dma_wait3A_453] : memref<10000x16xf32, #tpu.memory_space<vmem_shared>> -> memref<10000x16xf32, #tpu.memory_space<vmem_shared>>
    tpu.wait_indirect_dma semaphore(%arg13 : memref<!tpu.dma_semaphore, #tpu.memory_space<semaphore_mem>>) src(%dma_wait3A_448 : memref<2000x16xf32, #tpu.memory_space<vmem>>) dst(%dma_wait3A_454 : memref<10000x16xf32, #tpu.memory_space<vmem_shared>>)
    %barrier3A_455 = arith.constant 0 : index
    tpu.barrier barrier_id(%barrier3A_455)
    %add3A_456 = arith.constant 0 : i32
    %add3A_457 = arith.addi %arg1, %add3A_456 : i32
    %lt3A_458 = arith.constant 10 : i32
    %lt3A_459 = arith.cmpi slt, %add3A_457, %lt3A_458 : i32
    %convert_element_type3A_460 = arith.extui %lt3A_459 : i1 to i32
    %cond3A_461 = arith.constant 0 : i32
    %cond3A_462 = arith.cmpi ne, %convert_element_type3A_460, %cond3A_461 : i32
    scf.if %cond3A_462 {
      %mul3A_463 = arith.constant 1000 : i32
      %mul3A_464 = arith.muli %add3A_457, %mul3A_463 : i32
      "tpu.region"() ({
        %run_scoped3A = tpu.sem_alloc : memref<!tpu.dma_semaphore, #tpu.memory_space<semaphore_mem>>
        %dma_start3A_465 = arith.constant 0 : i32
        %dma_start3A_466 = tpu.memref_slice %arg5[%arg0, %mul3A_464, %dma_start3A_465] : memref<2x10000x16xf32, #tpu.memory_space<hbm>> -> memref<1x1000x16xf32, #tpu.memory_space<hbm>>
        %dma_start3A_467 = tpu.memref_squeeze %dma_start3A_466 : memref<1x1000x16xf32, #tpu.memory_space<hbm>> -> memref<1000x16xf32, #tpu.memory_space<hbm>>
        %dma_start3A_468 = arith.constant 0 : i32
        %dma_start3A_469 = tpu.memref_slice %arg9[%mul3A_464, %dma_start3A_468] : memref<10000x16xf32, #tpu.memory_space<vmem_shared>> -> memref<1000x16xf32, #tpu.memory_space<vmem_shared>>
        tpu.enqueue_dma source(%dma_start3A_469 : memref<1000x16xf32, #tpu.memory_space<vmem_shared>>) target(%dma_start3A_467 : memref<1000x16xf32, #tpu.memory_space<hbm>>) target_semaphore(%run_scoped3A : memref<!tpu.dma_semaphore, #tpu.memory_space<semaphore_mem>>)
        %dma_wait3A_470 = arith.constant 0 : i32
        %dma_wait3A_471 = tpu.memref_slice %arg5[%arg0, %mul3A_464, %dma_wait3A_470] : memref<2x10000x16xf32, #tpu.memory_space<hbm>> -> memref<1x1000x16xf32, #tpu.memory_space<hbm>>
        %dma_wait3A_472 = tpu.memref_squeeze %dma_wait3A_471 : memref<1x1000x16xf32, #tpu.memory_space<hbm>> -> memref<1000x16xf32, #tpu.memory_space<hbm>>
        %dma_wait3A_473 = arith.constant 0 : i32
        %dma_wait3A_474 = tpu.memref_slice %arg9[%mul3A_464, %dma_wait3A_473] : memref<10000x16xf32, #tpu.memory_space<vmem_shared>> -> memref<1000x16xf32, #tpu.memory_space<vmem_shared>>
        tpu.wait_dma2 semaphore(%run_scoped3A : memref<!tpu.dma_semaphore, #tpu.memory_space<semaphore_mem>>) src(%dma_wait3A_474 : memref<1000x16xf32, #tpu.memory_space<vmem_shared>>) dst(%dma_wait3A_472 : memref<1000x16xf32, #tpu.memory_space<hbm>>)
        tpu.yield
      }) : () -> ()
    } else {
    }
    return
  }
}

module attributes {stable_mosaic.version = 14 : i64} {
  func.func @body(%arg0: i32, %arg1: memref<1250x8x128xf32, #tpu.memory_space<vmem>>, %arg2: memref<2x320000xi32, #tpu.memory_space<vmem>>, %arg3: memref<128x16xf32, #tpu.memory_space<vmem>>, %arg4: memref<1250x128xf32, #tpu.memory_space<vmem>>, %arg5: memref<640000xi32, #tpu.memory_space<vmem>>) attributes {dimension_semantics = [#tpu.dimension_semantics<arbitrary>], iteration_bounds = array<i64: 1>, scalar_prefetch = 0 : i64, scratch_operands = 0 : i64, tpu.core_type = #tpu.core_type<tc>, window_params = [{transform_indices = @transform_0, window_bounds = array<i64: 1250, 8, 128>}, {pipeline_mode = #tpu.pipeline_mode<synchronous>, transform_indices = @transform_1, window_bounds = array<i64: 2, 320000>}, {pipeline_mode = #tpu.pipeline_mode<synchronous>, transform_indices = @transform_2, window_bounds = array<i64: 128, 16>}, {transform_indices = @transform_3, window_bounds = array<i64: 1250, 128>}, {pipeline_mode = #tpu.pipeline_mode<synchronous>, transform_indices = @transform_4, window_bounds = array<i64: 640000>}]} {
    %get3A = arith.constant 0 : index
    %get3A_0 = arith.constant 0 : index
    %get3A_1 = arith.constant 0 : index
    %get3A_2 = vector.load %arg1[%get3A, %get3A_0, %get3A_1] : memref<1250x8x128xf32, #tpu.memory_space<vmem>>, vector<1250x8x128xf32>
    %get3A_3 = arith.constant 0 : index
    %get3A_4 = arith.constant 0 : index
    %get3A_5 = vector.load %arg3[%get3A_3, %get3A_4] : memref<128x16xf32, #tpu.memory_space<vmem>>, vector<128x16xf32>
    %slice3A = vector.extract_strided_slice %get3A_2 {offsets = [0, 0, 0], sizes = [1250, 1, 128], strides = [1, 1, 1]} : vector<1250x8x128xf32> to vector<1250x1x128xf32>
    %squeeze3A = vector.shape_cast %slice3A : vector<1250x1x128xf32> to vector<1250x128xf32>
    %dot_general3A = arith.constant dense<0.000000e+00> : vector<1250x16xf32>
    %dot_general3A_6 = tpu.matmul %squeeze3A, %get3A_5, %dot_general3A {dimension_numbers = #tpu.dot_dimension_numbers<[1], [0], [0], [1], [0, 0, 1, 1], [], []>, transpose_lhs_hint = false} : vector<1250x128xf32>, vector<128x16xf32>, vector<1250x16xf32> -> vector<1250x16xf32>
    %slice3A_7 = vector.extract_strided_slice %get3A_2 {offsets = [0, 1, 0], sizes = [1250, 1, 128], strides = [1, 1, 1]} : vector<1250x8x128xf32> to vector<1250x1x128xf32>
    %squeeze3A_8 = vector.shape_cast %slice3A_7 : vector<1250x1x128xf32> to vector<1250x128xf32>
    %dot_general3A_9 = arith.constant dense<0.000000e+00> : vector<1250x16xf32>
    %dot_general3A_10 = tpu.matmul %squeeze3A_8, %get3A_5, %dot_general3A_9 {dimension_numbers = #tpu.dot_dimension_numbers<[1], [0], [0], [1], [0, 0, 1, 1], [], []>, transpose_lhs_hint = false} : vector<1250x128xf32>, vector<128x16xf32>, vector<1250x16xf32> -> vector<1250x16xf32>
    %slice3A_11 = vector.extract_strided_slice %get3A_2 {offsets = [0, 2, 0], sizes = [1250, 1, 128], strides = [1, 1, 1]} : vector<1250x8x128xf32> to vector<1250x1x128xf32>
    %squeeze3A_12 = vector.shape_cast %slice3A_11 : vector<1250x1x128xf32> to vector<1250x128xf32>
    %dot_general3A_13 = arith.constant dense<0.000000e+00> : vector<1250x16xf32>
    %dot_general3A_14 = tpu.matmul %squeeze3A_12, %get3A_5, %dot_general3A_13 {dimension_numbers = #tpu.dot_dimension_numbers<[1], [0], [0], [1], [0, 0, 1, 1], [], []>, transpose_lhs_hint = false} : vector<1250x128xf32>, vector<128x16xf32>, vector<1250x16xf32> -> vector<1250x16xf32>
    %slice3A_15 = vector.extract_strided_slice %get3A_2 {offsets = [0, 3, 0], sizes = [1250, 1, 128], strides = [1, 1, 1]} : vector<1250x8x128xf32> to vector<1250x1x128xf32>
    %squeeze3A_16 = vector.shape_cast %slice3A_15 : vector<1250x1x128xf32> to vector<1250x128xf32>
    %dot_general3A_17 = arith.constant dense<0.000000e+00> : vector<1250x16xf32>
    %dot_general3A_18 = tpu.matmul %squeeze3A_16, %get3A_5, %dot_general3A_17 {dimension_numbers = #tpu.dot_dimension_numbers<[1], [0], [0], [1], [0, 0, 1, 1], [], []>, transpose_lhs_hint = false} : vector<1250x128xf32>, vector<128x16xf32>, vector<1250x16xf32> -> vector<1250x16xf32>
    %slice3A_19 = vector.extract_strided_slice %get3A_2 {offsets = [0, 4, 0], sizes = [1250, 1, 128], strides = [1, 1, 1]} : vector<1250x8x128xf32> to vector<1250x1x128xf32>
    %squeeze3A_20 = vector.shape_cast %slice3A_19 : vector<1250x1x128xf32> to vector<1250x128xf32>
    %dot_general3A_21 = arith.constant dense<0.000000e+00> : vector<1250x16xf32>
    %dot_general3A_22 = tpu.matmul %squeeze3A_20, %get3A_5, %dot_general3A_21 {dimension_numbers = #tpu.dot_dimension_numbers<[1], [0], [0], [1], [0, 0, 1, 1], [], []>, transpose_lhs_hint = false} : vector<1250x128xf32>, vector<128x16xf32>, vector<1250x16xf32> -> vector<1250x16xf32>
    %slice3A_23 = vector.extract_strided_slice %get3A_2 {offsets = [0, 5, 0], sizes = [1250, 1, 128], strides = [1, 1, 1]} : vector<1250x8x128xf32> to vector<1250x1x128xf32>
    %squeeze3A_24 = vector.shape_cast %slice3A_23 : vector<1250x1x128xf32> to vector<1250x128xf32>
    %dot_general3A_25 = arith.constant dense<0.000000e+00> : vector<1250x16xf32>
    %dot_general3A_26 = tpu.matmul %squeeze3A_24, %get3A_5, %dot_general3A_25 {dimension_numbers = #tpu.dot_dimension_numbers<[1], [0], [0], [1], [0, 0, 1, 1], [], []>, transpose_lhs_hint = false} : vector<1250x128xf32>, vector<128x16xf32>, vector<1250x16xf32> -> vector<1250x16xf32>
    %slice3A_27 = vector.extract_strided_slice %get3A_2 {offsets = [0, 6, 0], sizes = [1250, 1, 128], strides = [1, 1, 1]} : vector<1250x8x128xf32> to vector<1250x1x128xf32>
    %squeeze3A_28 = vector.shape_cast %slice3A_27 : vector<1250x1x128xf32> to vector<1250x128xf32>
    %dot_general3A_29 = arith.constant dense<0.000000e+00> : vector<1250x16xf32>
    %dot_general3A_30 = tpu.matmul %squeeze3A_28, %get3A_5, %dot_general3A_29 {dimension_numbers = #tpu.dot_dimension_numbers<[1], [0], [0], [1], [0, 0, 1, 1], [], []>, transpose_lhs_hint = false} : vector<1250x128xf32>, vector<128x16xf32>, vector<1250x16xf32> -> vector<1250x16xf32>
    %slice3A_31 = vector.extract_strided_slice %get3A_2 {offsets = [0, 7, 0], sizes = [1250, 1, 128], strides = [1, 1, 1]} : vector<1250x8x128xf32> to vector<1250x1x128xf32>
    %squeeze3A_32 = vector.shape_cast %slice3A_31 : vector<1250x1x128xf32> to vector<1250x128xf32>
    %dot_general3A_33 = arith.constant dense<0.000000e+00> : vector<1250x16xf32>
    %dot_general3A_34 = tpu.matmul %squeeze3A_32, %get3A_5, %dot_general3A_33 {dimension_numbers = #tpu.dot_dimension_numbers<[1], [0], [0], [1], [0, 0, 1, 1], [], []>, transpose_lhs_hint = false} : vector<1250x128xf32>, vector<128x16xf32>, vector<1250x16xf32> -> vector<1250x16xf32>
    %concatenate3A = tpu.concatenate %dot_general3A_6, %dot_general3A_10, %dot_general3A_14, %dot_general3A_18, %dot_general3A_22, %dot_general3A_26, %dot_general3A_30, %dot_general3A_34 in 1 : vector<1250x16xf32>, vector<1250x16xf32>, vector<1250x16xf32>, vector<1250x16xf32>, vector<1250x16xf32>, vector<1250x16xf32>, vector<1250x16xf32>, vector<1250x16xf32> -> vector<1250x128xf32>
    %swap3A = arith.constant 0 : index
    %swap3A_35 = arith.constant 0 : index
    %swap3A_36 = vector.load %arg4[%swap3A, %swap3A_35] : memref<1250x128xf32, #tpu.memory_space<vmem>>, vector<1250x128xf32>
    tpu.vector_store %arg4[%swap3A, %swap3A_35], %concatenate3A {strides = array<i32>} : memref<1250x128xf32, #tpu.memory_space<vmem>>, vector<1250x128xf32>,
    %get3A_37 = arith.constant 0 : index
    %get3A_38 = arith.constant 0 : index
    %get3A_39 = vector.load %arg2[%get3A_37, %get3A_38] : memref<2x320000xi32, #tpu.memory_space<vmem>>, vector<1x320000xi32>
    %get3A_40 = vector.shape_cast %get3A_39 : vector<1x320000xi32> to vector<320000xi32>
    %get3A_41 = arith.constant 1 : index
    %get3A_42 = arith.constant 0 : index
    %get3A_43 = vector.load %arg2[%get3A_41, %get3A_42] : memref<2x320000xi32, #tpu.memory_space<vmem>>, vector<1x320000xi32>
    %get3A_44 = vector.shape_cast %get3A_43 : vector<1x320000xi32> to vector<320000xi32>
    %concatenate3A_45 = tpu.concatenate %get3A_40, %get3A_44 in 0 : vector<320000xi32>, vector<320000xi32> -> vector<640000xi32>
    %swap3A_46 = arith.constant 0 : index
    %swap3A_47 = vector.load %arg5[%swap3A_46] : memref<640000xi32, #tpu.memory_space<vmem>>, vector<640000xi32>
    tpu.vector_store %arg5[%swap3A_46], %concatenate3A_45 {strides = array<i32>} : memref<640000xi32, #tpu.memory_space<vmem>>, vector<640000xi32>,
    return
  }
  func.func @transform_0(%arg0: i32) -> (i32, i32, i32) {
    %c0_i32 = arith.constant 0 : i32
    %c0_i32_0 = arith.constant 0 : i32
    %c0_i32_1 = arith.constant 0 : i32
    return %arg0, %c0_i32, %c0_i32_0 : i32, i32, i32
  }
  func.func @transform_1(%arg0: i32) -> (i32, i32) {
    %c0_i32 = arith.constant 0 : i32
    %c0_i32_0 = arith.constant 0 : i32
    %c0_i32_1 = arith.constant 0 : i32
    return %c0_i32, %c0_i32_0 : i32, i32
  }
  func.func @transform_2(%arg0: i32) -> (i32, i32) {
    %c0_i32 = arith.constant 0 : i32
    %c0_i32_0 = arith.constant 0 : i32
    %c0_i32_1 = arith.constant 0 : i32
    return %c0_i32, %c0_i32_0 : i32, i32
  }
  func.func @transform_3(%arg0: i32) -> (i32, i32) {
    %c0_i32 = arith.constant 0 : i32
    %c0_i32_0 = arith.constant 0 : i32
    return %arg0, %c0_i32 : i32, i32
  }
  func.func @transform_4(%arg0: i32) -> i32 {
    %c0_i32 = arith.constant 0 : i32
    %c0_i32_0 = arith.constant 0 : i32
    return %c0_i32 : i32
  }
}

module attributes {stable_mosaic.version = 14 : i64} {
  func.func @body(%arg0: i32, %arg1: memref<1250x128xf32, #tpu.memory_space<vmem>>, %arg2: memref<2x1250x128xf32, #tpu.memory_space<vmem>>, %arg3: memref<1x128xf32, #tpu.memory_space<vmem>>, %arg4: memref<128x128xf32, #tpu.memory_space<vmem>>, %arg5: memref<1x128xf32, #tpu.memory_space<vmem>>, %arg6: memref<1250x128xf32, #tpu.memory_space<vmem>>) attributes {dimension_semantics = [#tpu.dimension_semantics<arbitrary>], iteration_bounds = array<i64: 1>, scalar_prefetch = 0 : i64, scratch_operands = 0 : i64, tpu.core_type = #tpu.core_type<tc>, window_params = [{transform_indices = @transform_0, window_bounds = array<i64: 1250, 128>}, {transform_indices = @transform_1, window_bounds = array<i64: 2, 1250, 128>}, {pipeline_mode = #tpu.pipeline_mode<synchronous>, transform_indices = @transform_2, window_bounds = array<i64: 1, 128>}, {pipeline_mode = #tpu.pipeline_mode<synchronous>, transform_indices = @transform_3, window_bounds = array<i64: 128, 128>}, {pipeline_mode = #tpu.pipeline_mode<synchronous>, transform_indices = @transform_4, window_bounds = array<i64: 1, 128>}, {transform_indices = @transform_5, window_bounds = array<i64: 1250, 128>}]} {
    %get3A = arith.constant 0 : index
    %get3A_0 = arith.constant 0 : index
    %get3A_1 = vector.load %arg1[%get3A, %get3A_0] : memref<1250x128xf32, #tpu.memory_space<vmem>>, vector<1250x128xf32>
    %get3A_2 = arith.constant 0 : index
    %get3A_3 = arith.constant 0 : index
    %get3A_4 = arith.constant 0 : index
    %get3A_5 = vector.load %arg2[%get3A_2, %get3A_3, %get3A_4] : memref<2x1250x128xf32, #tpu.memory_space<vmem>>, vector<1x1250x128xf32>
    %get3A_6 = vector.shape_cast %get3A_5 : vector<1x1250x128xf32> to vector<1250x128xf32>
    %add3A = arith.addf %get3A_1, %get3A_6 : vector<1250x128xf32>
    %get3A_7 = arith.constant 1 : index
    %get3A_8 = arith.constant 0 : index
    %get3A_9 = arith.constant 0 : index
    %get3A_10 = vector.load %arg2[%get3A_7, %get3A_8, %get3A_9] : memref<2x1250x128xf32, #tpu.memory_space<vmem>>, vector<1x1250x128xf32>
    %get3A_11 = vector.shape_cast %get3A_10 : vector<1x1250x128xf32> to vector<1250x128xf32>
    %add3A_12 = arith.addf %add3A, %get3A_11 : vector<1250x128xf32>
    %get3A_13 = arith.constant 0 : index
    %get3A_14 = arith.constant 0 : index
    %get3A_15 = vector.load %arg3[%get3A_13, %get3A_14] : memref<1x128xf32, #tpu.memory_space<vmem>>, vector<1x128xf32>
    %add3A_16 = vector.broadcast %get3A_15 : vector<1x128xf32> to vector<1250x128xf32>
    %add3A_17 = arith.addf %add3A_12, %add3A_16 : vector<1250x128xf32>
    %max3A = arith.constant 0.000000e+00 : f32
    %max3A_18 = vector.broadcast %max3A : f32 to vector<1250x128xf32>
    %max3A_19 = arith.maximumf %add3A_17, %max3A_18 : vector<1250x128xf32>
    %get3A_20 = arith.constant 0 : index
    %get3A_21 = arith.constant 0 : index
    %get3A_22 = vector.load %arg4[%get3A_20, %get3A_21] : memref<128x128xf32, #tpu.memory_space<vmem>>, vector<128x128xf32>
    %dot_general3A = arith.constant dense<0.000000e+00> : vector<1250x128xf32>
    %dot_general3A_23 = tpu.matmul %max3A_19, %get3A_22, %dot_general3A {dimension_numbers = #tpu.dot_dimension_numbers<[1], [0], [0], [1], [0, 0, 1, 1], [], []>, transpose_lhs_hint = false} : vector<1250x128xf32>, vector<128x128xf32>, vector<1250x128xf32> -> vector<1250x128xf32>
    %get3A_24 = arith.constant 0 : index
    %get3A_25 = arith.constant 0 : index
    %get3A_26 = vector.load %arg5[%get3A_24, %get3A_25] : memref<1x128xf32, #tpu.memory_space<vmem>>, vector<1x128xf32>
    %add3A_27 = vector.broadcast %get3A_26 : vector<1x128xf32> to vector<1250x128xf32>
    %add3A_28 = arith.addf %dot_general3A_23, %add3A_27 : vector<1250x128xf32>
    %max3A_29 = arith.constant 0.000000e+00 : f32
    %max3A_30 = vector.broadcast %max3A_29 : f32 to vector<1250x128xf32>
    %max3A_31 = arith.maximumf %add3A_28, %max3A_30 : vector<1250x128xf32>
    %swap3A = arith.constant 0 : index
    %swap3A_32 = arith.constant 0 : index
    %swap3A_33 = vector.load %arg6[%swap3A, %swap3A_32] : memref<1250x128xf32, #tpu.memory_space<vmem>>, vector<1250x128xf32>
    tpu.vector_store %arg6[%swap3A, %swap3A_32], %max3A_31 {strides = array<i32>} : memref<1250x128xf32, #tpu.memory_space<vmem>>, vector<1250x128xf32>,
    return
  }
  func.func @transform_0(%arg0: i32) -> (i32, i32) {
    %c0_i32 = arith.constant 0 : i32
    %c0_i32_0 = arith.constant 0 : i32
    return %arg0, %c0_i32 : i32, i32
  }
  func.func @transform_1(%arg0: i32) -> (i32, i32, i32) {
    %c0_i32 = arith.constant 0 : i32
    %c0_i32_0 = arith.constant 0 : i32
    %c0_i32_1 = arith.constant 0 : i32
    return %c0_i32, %arg0, %c0_i32_0 : i32, i32, i32
  }
  func.func @transform_2(%arg0: i32) -> (i32, i32) {
    %c0_i32 = arith.constant 0 : i32
    %c0_i32_0 = arith.constant 0 : i32
    %c0_i32_1 = arith.constant 0 : i32
    return %c0_i32, %c0_i32_0 : i32, i32
  }
  func.func @transform_3(%arg0: i32) -> (i32, i32) {
    %c0_i32 = arith.constant 0 : i32
    %c0_i32_0 = arith.constant 0 : i32
    %c0_i32_1 = arith.constant 0 : i32
    return %c0_i32, %c0_i32_0 : i32, i32
  }
  func.func @transform_4(%arg0: i32) -> (i32, i32) {
    %c0_i32 = arith.constant 0 : i32
    %c0_i32_0 = arith.constant 0 : i32
    %c0_i32_1 = arith.constant 0 : i32
    return %c0_i32, %c0_i32_0 : i32, i32
  }
  func.func @transform_5(%arg0: i32) -> (i32, i32) {
    %c0_i32 = arith.constant 0 : i32
    %c0_i32_0 = arith.constant 0 : i32
    return %arg0, %c0_i32 : i32, i32
  }
}

module attributes {stable_mosaic.version = 14 : i64} {
  func.func @body(%arg0: i32, %arg1: memref<1250x128xf32, #tpu.memory_space<vmem>>, %arg2: memref<2x1250x128xf32, #tpu.memory_space<vmem>>, %arg3: memref<128x128xf32, #tpu.memory_space<vmem>>, %arg4: memref<1x128xf32, #tpu.memory_space<vmem>>, %arg5: memref<128x1024xf32, #tpu.memory_space<vmem>>, %arg6: memref<1x1024xf32, #tpu.memory_space<vmem>>, %arg7: memref<1250x8x128xf32, #tpu.memory_space<vmem>>) attributes {dimension_semantics = [#tpu.dimension_semantics<arbitrary>], iteration_bounds = array<i64: 1>, scalar_prefetch = 0 : i64, scratch_operands = 0 : i64, tpu.core_type = #tpu.core_type<tc>, window_params = [{transform_indices = @transform_0, window_bounds = array<i64: 1250, 128>}, {transform_indices = @transform_1, window_bounds = array<i64: 2, 1250, 128>}, {pipeline_mode = #tpu.pipeline_mode<synchronous>, transform_indices = @transform_2, window_bounds = array<i64: 128, 128>}, {pipeline_mode = #tpu.pipeline_mode<synchronous>, transform_indices = @transform_3, window_bounds = array<i64: 1, 128>}, {pipeline_mode = #tpu.pipeline_mode<synchronous>, transform_indices = @transform_4, window_bounds = array<i64: 128, 1024>}, {pipeline_mode = #tpu.pipeline_mode<synchronous>, transform_indices = @transform_5, window_bounds = array<i64: 1, 1024>}, {transform_indices = @transform_6, window_bounds = array<i64: 1250, 8, 128>}]} {
    %get3A = arith.constant 0 : index
    %get3A_0 = arith.constant 0 : index
    %get3A_1 = vector.load %arg1[%get3A, %get3A_0] : memref<1250x128xf32, #tpu.memory_space<vmem>>, vector<1250x128xf32>
    %get3A_2 = arith.constant 0 : index
    %get3A_3 = arith.constant 0 : index
    %get3A_4 = arith.constant 0 : index
    %get3A_5 = vector.load %arg2[%get3A_2, %get3A_3, %get3A_4] : memref<2x1250x128xf32, #tpu.memory_space<vmem>>, vector<1x1250x128xf32>
    %get3A_6 = vector.shape_cast %get3A_5 : vector<1x1250x128xf32> to vector<1250x128xf32>
    %add3A = arith.addf %get3A_1, %get3A_6 : vector<1250x128xf32>
    %get3A_7 = arith.constant 1 : index
    %get3A_8 = arith.constant 0 : index
    %get3A_9 = arith.constant 0 : index
    %get3A_10 = vector.load %arg2[%get3A_7, %get3A_8, %get3A_9] : memref<2x1250x128xf32, #tpu.memory_space<vmem>>, vector<1x1250x128xf32>
    %get3A_11 = vector.shape_cast %get3A_10 : vector<1x1250x128xf32> to vector<1250x128xf32>
    %add3A_12 = arith.addf %add3A, %get3A_11 : vector<1250x128xf32>
    %get3A_13 = arith.constant 0 : index
    %get3A_14 = arith.constant 0 : index
    %get3A_15 = vector.load %arg3[%get3A_13, %get3A_14] : memref<128x128xf32, #tpu.memory_space<vmem>>, vector<128x128xf32>
    %dot_general3A = arith.constant dense<0.000000e+00> : vector<1250x128xf32>
    %dot_general3A_16 = tpu.matmul %add3A_12, %get3A_15, %dot_general3A {dimension_numbers = #tpu.dot_dimension_numbers<[1], [0], [0], [1], [0, 0, 1, 1], [], []>, transpose_lhs_hint = false} : vector<1250x128xf32>, vector<128x128xf32>, vector<1250x128xf32> -> vector<1250x128xf32>
    %get3A_17 = arith.constant 0 : index
    %get3A_18 = arith.constant 0 : index
    %get3A_19 = vector.load %arg4[%get3A_17, %get3A_18] : memref<1x128xf32, #tpu.memory_space<vmem>>, vector<1x128xf32>
    %add3A_20 = vector.broadcast %get3A_19 : vector<1x128xf32> to vector<1250x128xf32>
    %add3A_21 = arith.addf %dot_general3A_16, %add3A_20 : vector<1250x128xf32>
    %max3A = arith.constant 0.000000e+00 : f32
    %max3A_22 = vector.broadcast %max3A : f32 to vector<1250x128xf32>
    %max3A_23 = arith.maximumf %add3A_21, %max3A_22 : vector<1250x128xf32>
    %get3A_24 = arith.constant 0 : index
    %get3A_25 = arith.constant 0 : index
    %get3A_26 = vector.load %arg5[%get3A_24, %get3A_25] : memref<128x1024xf32, #tpu.memory_space<vmem>>, vector<128x1024xf32>
    %dot_general3A_27 = arith.constant dense<0.000000e+00> : vector<1250x1024xf32>
    %dot_general3A_28 = tpu.matmul %max3A_23, %get3A_26, %dot_general3A_27 {dimension_numbers = #tpu.dot_dimension_numbers<[1], [0], [0], [1], [0, 0, 1, 1], [], []>, transpose_lhs_hint = false} : vector<1250x128xf32>, vector<128x1024xf32>, vector<1250x1024xf32> -> vector<1250x1024xf32>
    %get3A_29 = arith.constant 0 : index
    %get3A_30 = arith.constant 0 : index
    %get3A_31 = vector.load %arg6[%get3A_29, %get3A_30] : memref<1x1024xf32, #tpu.memory_space<vmem>>, vector<1x1024xf32>
    %add3A_32 = vector.broadcast %get3A_31 : vector<1x1024xf32> to vector<1250x1024xf32>
    %add3A_33 = arith.addf %dot_general3A_28, %add3A_32 : vector<1250x1024xf32>
    %slice3A = vector.extract_strided_slice %add3A_33 {offsets = [0, 0], sizes = [1250, 128], strides = [1, 1]} : vector<1250x1024xf32> to vector<1250x128xf32>
    %reduce_max3A = arith.constant dense<0xFF800000> : vector<1250xf32>
    %reduce_max3A_34 = vector.multi_reduction <maximumf>, %slice3A, %reduce_max3A [1] : vector<1250x128xf32> to vector<1250xf32>
    %broadcast_in_dim3A = vector.shape_cast %reduce_max3A_34 : vector<1250xf32> to vector<1250x1xf32>
    %sub3A = vector.broadcast %broadcast_in_dim3A : vector<1250x1xf32> to vector<1250x128xf32>
    %sub3A_35 = arith.subf %slice3A, %sub3A : vector<1250x128xf32>
    %exp3A = math.exp %sub3A_35 : vector<1250x128xf32>
    %reduce_sum3A = arith.constant dense<0.000000e+00> : vector<1250xf32>
    %reduce_sum3A_36 = vector.multi_reduction <add>, %exp3A, %reduce_sum3A [1] : vector<1250x128xf32> to vector<1250xf32>
    %broadcast_in_dim3A_37 = vector.shape_cast %reduce_sum3A_36 : vector<1250xf32> to vector<1250x1xf32>
    %log3A = math.log %broadcast_in_dim3A_37 : vector<1250x1xf32>
    %add3A_38 = arith.addf %log3A, %broadcast_in_dim3A : vector<1250x1xf32>
    %sub3A_39 = vector.broadcast %add3A_38 : vector<1250x1xf32> to vector<1250x128xf32>
    %sub3A_40 = arith.subf %slice3A, %sub3A_39 : vector<1250x128xf32>
    %swap3A = arith.constant 0 : index
    %swap3A_41 = arith.constant 0 : index
    %swap3A_42 = arith.constant 0 : index
    %swap3A_43 = vector.load %arg7[%swap3A, %swap3A_41, %swap3A_42] : memref<1250x8x128xf32, #tpu.memory_space<vmem>>, vector<1250x1x128xf32>
    %swap3A_44 = vector.shape_cast %swap3A_43 : vector<1250x1x128xf32> to vector<1250x128xf32>
    %swap3A_45 = vector.shape_cast %sub3A_40 : vector<1250x128xf32> to vector<1250x1x128xf32>
    tpu.vector_store %arg7[%swap3A, %swap3A_41, %swap3A_42], %swap3A_45 {strides = array<i32>} : memref<1250x8x128xf32, #tpu.memory_space<vmem>>, vector<1250x1x128xf32>,
    %slice3A_46 = vector.extract_strided_slice %add3A_33 {offsets = [0, 128], sizes = [1250, 128], strides = [1, 1]} : vector<1250x1024xf32> to vector<1250x128xf32>
    %reduce_max3A_47 = arith.constant dense<0xFF800000> : vector<1250xf32>
    %reduce_max3A_48 = vector.multi_reduction <maximumf>, %slice3A_46, %reduce_max3A_47 [1] : vector<1250x128xf32> to vector<1250xf32>
    %broadcast_in_dim3A_49 = vector.shape_cast %reduce_max3A_48 : vector<1250xf32> to vector<1250x1xf32>
    %sub3A_50 = vector.broadcast %broadcast_in_dim3A_49 : vector<1250x1xf32> to vector<1250x128xf32>
    %sub3A_51 = arith.subf %slice3A_46, %sub3A_50 : vector<1250x128xf32>
    %exp3A_52 = math.exp %sub3A_51 : vector<1250x128xf32>
    %reduce_sum3A_53 = arith.constant dense<0.000000e+00> : vector<1250xf32>
    %reduce_sum3A_54 = vector.multi_reduction <add>, %exp3A_52, %reduce_sum3A_53 [1] : vector<1250x128xf32> to vector<1250xf32>
    %broadcast_in_dim3A_55 = vector.shape_cast %reduce_sum3A_54 : vector<1250xf32> to vector<1250x1xf32>
    %log3A_56 = math.log %broadcast_in_dim3A_55 : vector<1250x1xf32>
    %add3A_57 = arith.addf %log3A_56, %broadcast_in_dim3A_49 : vector<1250x1xf32>
    %sub3A_58 = vector.broadcast %add3A_57 : vector<1250x1xf32> to vector<1250x128xf32>
    %sub3A_59 = arith.subf %slice3A_46, %sub3A_58 : vector<1250x128xf32>
    %swap3A_60 = arith.constant 0 : index
    %swap3A_61 = arith.constant 1 : index
    %swap3A_62 = arith.constant 0 : index
    %swap3A_63 = vector.load %arg7[%swap3A_60, %swap3A_61, %swap3A_62] : memref<1250x8x128xf32, #tpu.memory_space<vmem>>, vector<1250x1x128xf32>
    %swap3A_64 = vector.shape_cast %swap3A_63 : vector<1250x1x128xf32> to vector<1250x128xf32>
    %swap3A_65 = vector.shape_cast %sub3A_59 : vector<1250x128xf32> to vector<1250x1x128xf32>
    tpu.vector_store %arg7[%swap3A_60, %swap3A_61, %swap3A_62], %swap3A_65 {strides = array<i32>} : memref<1250x8x128xf32, #tpu.memory_space<vmem>>, vector<1250x1x128xf32>,
    %slice3A_66 = vector.extract_strided_slice %add3A_33 {offsets = [0, 256], sizes = [1250, 128], strides = [1, 1]} : vector<1250x1024xf32> to vector<1250x128xf32>
    %reduce_max3A_67 = arith.constant dense<0xFF800000> : vector<1250xf32>
    %reduce_max3A_68 = vector.multi_reduction <maximumf>, %slice3A_66, %reduce_max3A_67 [1] : vector<1250x128xf32> to vector<1250xf32>
    %broadcast_in_dim3A_69 = vector.shape_cast %reduce_max3A_68 : vector<1250xf32> to vector<1250x1xf32>
    %sub3A_70 = vector.broadcast %broadcast_in_dim3A_69 : vector<1250x1xf32> to vector<1250x128xf32>
    %sub3A_71 = arith.subf %slice3A_66, %sub3A_70 : vector<1250x128xf32>
    %exp3A_72 = math.exp %sub3A_71 : vector<1250x128xf32>
    %reduce_sum3A_73 = arith.constant dense<0.000000e+00> : vector<1250xf32>
    %reduce_sum3A_74 = vector.multi_reduction <add>, %exp3A_72, %reduce_sum3A_73 [1] : vector<1250x128xf32> to vector<1250xf32>
    %broadcast_in_dim3A_75 = vector.shape_cast %reduce_sum3A_74 : vector<1250xf32> to vector<1250x1xf32>
    %log3A_76 = math.log %broadcast_in_dim3A_75 : vector<1250x1xf32>
    %add3A_77 = arith.addf %log3A_76, %broadcast_in_dim3A_69 : vector<1250x1xf32>
    %sub3A_78 = vector.broadcast %add3A_77 : vector<1250x1xf32> to vector<1250x128xf32>
    %sub3A_79 = arith.subf %slice3A_66, %sub3A_78 : vector<1250x128xf32>
    %swap3A_80 = arith.constant 0 : index
    %swap3A_81 = arith.constant 2 : index
    %swap3A_82 = arith.constant 0 : index
    %swap3A_83 = vector.load %arg7[%swap3A_80, %swap3A_81, %swap3A_82] : memref<1250x8x128xf32, #tpu.memory_space<vmem>>, vector<1250x1x128xf32>
    %swap3A_84 = vector.shape_cast %swap3A_83 : vector<1250x1x128xf32> to vector<1250x128xf32>
    %swap3A_85 = vector.shape_cast %sub3A_79 : vector<1250x128xf32> to vector<1250x1x128xf32>
    tpu.vector_store %arg7[%swap3A_80, %swap3A_81, %swap3A_82], %swap3A_85 {strides = array<i32>} : memref<1250x8x128xf32, #tpu.memory_space<vmem>>, vector<1250x1x128xf32>,
    %slice3A_86 = vector.extract_strided_slice %add3A_33 {offsets = [0, 384], sizes = [1250, 128], strides = [1, 1]} : vector<1250x1024xf32> to vector<1250x128xf32>
    %reduce_max3A_87 = arith.constant dense<0xFF800000> : vector<1250xf32>
    %reduce_max3A_88 = vector.multi_reduction <maximumf>, %slice3A_86, %reduce_max3A_87 [1] : vector<1250x128xf32> to vector<1250xf32>
    %broadcast_in_dim3A_89 = vector.shape_cast %reduce_max3A_88 : vector<1250xf32> to vector<1250x1xf32>
    %sub3A_90 = vector.broadcast %broadcast_in_dim3A_89 : vector<1250x1xf32> to vector<1250x128xf32>
    %sub3A_91 = arith.subf %slice3A_86, %sub3A_90 : vector<1250x128xf32>
    %exp3A_92 = math.exp %sub3A_91 : vector<1250x128xf32>
    %reduce_sum3A_93 = arith.constant dense<0.000000e+00> : vector<1250xf32>
    %reduce_sum3A_94 = vector.multi_reduction <add>, %exp3A_92, %reduce_sum3A_93 [1] : vector<1250x128xf32> to vector<1250xf32>
    %broadcast_in_dim3A_95 = vector.shape_cast %reduce_sum3A_94 : vector<1250xf32> to vector<1250x1xf32>
    %log3A_96 = math.log %broadcast_in_dim3A_95 : vector<1250x1xf32>
    %add3A_97 = arith.addf %log3A_96, %broadcast_in_dim3A_89 : vector<1250x1xf32>
    %sub3A_98 = vector.broadcast %add3A_97 : vector<1250x1xf32> to vector<1250x128xf32>
    %sub3A_99 = arith.subf %slice3A_86, %sub3A_98 : vector<1250x128xf32>
    %swap3A_100 = arith.constant 0 : index
    %swap3A_101 = arith.constant 3 : index
    %swap3A_102 = arith.constant 0 : index
    %swap3A_103 = vector.load %arg7[%swap3A_100, %swap3A_101, %swap3A_102] : memref<1250x8x128xf32, #tpu.memory_space<vmem>>, vector<1250x1x128xf32>
    %swap3A_104 = vector.shape_cast %swap3A_103 : vector<1250x1x128xf32> to vector<1250x128xf32>
    %swap3A_105 = vector.shape_cast %sub3A_99 : vector<1250x128xf32> to vector<1250x1x128xf32>
    tpu.vector_store %arg7[%swap3A_100, %swap3A_101, %swap3A_102], %swap3A_105 {strides = array<i32>} : memref<1250x8x128xf32, #tpu.memory_space<vmem>>, vector<1250x1x128xf32>,
    %slice3A_106 = vector.extract_strided_slice %add3A_33 {offsets = [0, 512], sizes = [1250, 128], strides = [1, 1]} : vector<1250x1024xf32> to vector<1250x128xf32>
    %reduce_max3A_107 = arith.constant dense<0xFF800000> : vector<1250xf32>
    %reduce_max3A_108 = vector.multi_reduction <maximumf>, %slice3A_106, %reduce_max3A_107 [1] : vector<1250x128xf32> to vector<1250xf32>
    %broadcast_in_dim3A_109 = vector.shape_cast %reduce_max3A_108 : vector<1250xf32> to vector<1250x1xf32>
    %sub3A_110 = vector.broadcast %broadcast_in_dim3A_109 : vector<1250x1xf32> to vector<1250x128xf32>
    %sub3A_111 = arith.subf %slice3A_106, %sub3A_110 : vector<1250x128xf32>
    %exp3A_112 = math.exp %sub3A_111 : vector<1250x128xf32>
    %reduce_sum3A_113 = arith.constant dense<0.000000e+00> : vector<1250xf32>
    %reduce_sum3A_114 = vector.multi_reduction <add>, %exp3A_112, %reduce_sum3A_113 [1] : vector<1250x128xf32> to vector<1250xf32>
    %broadcast_in_dim3A_115 = vector.shape_cast %reduce_sum3A_114 : vector<1250xf32> to vector<1250x1xf32>
    %log3A_116 = math.log %broadcast_in_dim3A_115 : vector<1250x1xf32>
    %add3A_117 = arith.addf %log3A_116, %broadcast_in_dim3A_109 : vector<1250x1xf32>
    %sub3A_118 = vector.broadcast %add3A_117 : vector<1250x1xf32> to vector<1250x128xf32>
    %sub3A_119 = arith.subf %slice3A_106, %sub3A_118 : vector<1250x128xf32>
    %swap3A_120 = arith.constant 0 : index
    %swap3A_121 = arith.constant 4 : index
    %swap3A_122 = arith.constant 0 : index
    %swap3A_123 = vector.load %arg7[%swap3A_120, %swap3A_121, %swap3A_122] : memref<1250x8x128xf32, #tpu.memory_space<vmem>>, vector<1250x1x128xf32>
    %swap3A_124 = vector.shape_cast %swap3A_123 : vector<1250x1x128xf32> to vector<1250x128xf32>
    %swap3A_125 = vector.shape_cast %sub3A_119 : vector<1250x128xf32> to vector<1250x1x128xf32>
    tpu.vector_store %arg7[%swap3A_120, %swap3A_121, %swap3A_122], %swap3A_125 {strides = array<i32>} : memref<1250x8x128xf32, #tpu.memory_space<vmem>>, vector<1250x1x128xf32>,
    %slice3A_126 = vector.extract_strided_slice %add3A_33 {offsets = [0, 640], sizes = [1250, 128], strides = [1, 1]} : vector<1250x1024xf32> to vector<1250x128xf32>
    %reduce_max3A_127 = arith.constant dense<0xFF800000> : vector<1250xf32>
    %reduce_max3A_128 = vector.multi_reduction <maximumf>, %slice3A_126, %reduce_max3A_127 [1] : vector<1250x128xf32> to vector<1250xf32>
    %broadcast_in_dim3A_129 = vector.shape_cast %reduce_max3A_128 : vector<1250xf32> to vector<1250x1xf32>
    %sub3A_130 = vector.broadcast %broadcast_in_dim3A_129 : vector<1250x1xf32> to vector<1250x128xf32>
    %sub3A_131 = arith.subf %slice3A_126, %sub3A_130 : vector<1250x128xf32>
    %exp3A_132 = math.exp %sub3A_131 : vector<1250x128xf32>
    %reduce_sum3A_133 = arith.constant dense<0.000000e+00> : vector<1250xf32>
    %reduce_sum3A_134 = vector.multi_reduction <add>, %exp3A_132, %reduce_sum3A_133 [1] : vector<1250x128xf32> to vector<1250xf32>
    %broadcast_in_dim3A_135 = vector.shape_cast %reduce_sum3A_134 : vector<1250xf32> to vector<1250x1xf32>
    %log3A_136 = math.log %broadcast_in_dim3A_135 : vector<1250x1xf32>
    %add3A_137 = arith.addf %log3A_136, %broadcast_in_dim3A_129 : vector<1250x1xf32>
    %sub3A_138 = vector.broadcast %add3A_137 : vector<1250x1xf32> to vector<1250x128xf32>
    %sub3A_139 = arith.subf %slice3A_126, %sub3A_138 : vector<1250x128xf32>
    %swap3A_140 = arith.constant 0 : index
    %swap3A_141 = arith.constant 5 : index
    %swap3A_142 = arith.constant 0 : index
    %swap3A_143 = vector.load %arg7[%swap3A_140, %swap3A_141, %swap3A_142] : memref<1250x8x128xf32, #tpu.memory_space<vmem>>, vector<1250x1x128xf32>
    %swap3A_144 = vector.shape_cast %swap3A_143 : vector<1250x1x128xf32> to vector<1250x128xf32>
    %swap3A_145 = vector.shape_cast %sub3A_139 : vector<1250x128xf32> to vector<1250x1x128xf32>
    tpu.vector_store %arg7[%swap3A_140, %swap3A_141, %swap3A_142], %swap3A_145 {strides = array<i32>} : memref<1250x8x128xf32, #tpu.memory_space<vmem>>, vector<1250x1x128xf32>,
    %slice3A_146 = vector.extract_strided_slice %add3A_33 {offsets = [0, 768], sizes = [1250, 128], strides = [1, 1]} : vector<1250x1024xf32> to vector<1250x128xf32>
    %reduce_max3A_147 = arith.constant dense<0xFF800000> : vector<1250xf32>
    %reduce_max3A_148 = vector.multi_reduction <maximumf>, %slice3A_146, %reduce_max3A_147 [1] : vector<1250x128xf32> to vector<1250xf32>
    %broadcast_in_dim3A_149 = vector.shape_cast %reduce_max3A_148 : vector<1250xf32> to vector<1250x1xf32>
    %sub3A_150 = vector.broadcast %broadcast_in_dim3A_149 : vector<1250x1xf32> to vector<1250x128xf32>
    %sub3A_151 = arith.subf %slice3A_146, %sub3A_150 : vector<1250x128xf32>
    %exp3A_152 = math.exp %sub3A_151 : vector<1250x128xf32>
    %reduce_sum3A_153 = arith.constant dense<0.000000e+00> : vector<1250xf32>
    %reduce_sum3A_154 = vector.multi_reduction <add>, %exp3A_152, %reduce_sum3A_153 [1] : vector<1250x128xf32> to vector<1250xf32>
    %broadcast_in_dim3A_155 = vector.shape_cast %reduce_sum3A_154 : vector<1250xf32> to vector<1250x1xf32>
    %log3A_156 = math.log %broadcast_in_dim3A_155 : vector<1250x1xf32>
    %add3A_157 = arith.addf %log3A_156, %broadcast_in_dim3A_149 : vector<1250x1xf32>
    %sub3A_158 = vector.broadcast %add3A_157 : vector<1250x1xf32> to vector<1250x128xf32>
    %sub3A_159 = arith.subf %slice3A_146, %sub3A_158 : vector<1250x128xf32>
    %swap3A_160 = arith.constant 0 : index
    %swap3A_161 = arith.constant 6 : index
    %swap3A_162 = arith.constant 0 : index
    %swap3A_163 = vector.load %arg7[%swap3A_160, %swap3A_161, %swap3A_162] : memref<1250x8x128xf32, #tpu.memory_space<vmem>>, vector<1250x1x128xf32>
    %swap3A_164 = vector.shape_cast %swap3A_163 : vector<1250x1x128xf32> to vector<1250x128xf32>
    %swap3A_165 = vector.shape_cast %sub3A_159 : vector<1250x128xf32> to vector<1250x1x128xf32>
    tpu.vector_store %arg7[%swap3A_160, %swap3A_161, %swap3A_162], %swap3A_165 {strides = array<i32>} : memref<1250x8x128xf32, #tpu.memory_space<vmem>>, vector<1250x1x128xf32>,
    %slice3A_166 = vector.extract_strided_slice %add3A_33 {offsets = [0, 896], sizes = [1250, 128], strides = [1, 1]} : vector<1250x1024xf32> to vector<1250x128xf32>
    %reduce_max3A_167 = arith.constant dense<0xFF800000> : vector<1250xf32>
    %reduce_max3A_168 = vector.multi_reduction <maximumf>, %slice3A_166, %reduce_max3A_167 [1] : vector<1250x128xf32> to vector<1250xf32>
    %broadcast_in_dim3A_169 = vector.shape_cast %reduce_max3A_168 : vector<1250xf32> to vector<1250x1xf32>
    %sub3A_170 = vector.broadcast %broadcast_in_dim3A_169 : vector<1250x1xf32> to vector<1250x128xf32>
    %sub3A_171 = arith.subf %slice3A_166, %sub3A_170 : vector<1250x128xf32>
    %exp3A_172 = math.exp %sub3A_171 : vector<1250x128xf32>
    %reduce_sum3A_173 = arith.constant dense<0.000000e+00> : vector<1250xf32>
    %reduce_sum3A_174 = vector.multi_reduction <add>, %exp3A_172, %reduce_sum3A_173 [1] : vector<1250x128xf32> to vector<1250xf32>
    %broadcast_in_dim3A_175 = vector.shape_cast %reduce_sum3A_174 : vector<1250xf32> to vector<1250x1xf32>
    %log3A_176 = math.log %broadcast_in_dim3A_175 : vector<1250x1xf32>
    %add3A_177 = arith.addf %log3A_176, %broadcast_in_dim3A_169 : vector<1250x1xf32>
    %sub3A_178 = vector.broadcast %add3A_177 : vector<1250x1xf32> to vector<1250x128xf32>
    %sub3A_179 = arith.subf %slice3A_166, %sub3A_178 : vector<1250x128xf32>
    %swap3A_180 = arith.constant 0 : index
    %swap3A_181 = arith.constant 7 : index
    %swap3A_182 = arith.constant 0 : index
    %swap3A_183 = vector.load %arg7[%swap3A_180, %swap3A_181, %swap3A_182] : memref<1250x8x128xf32, #tpu.memory_space<vmem>>, vector<1250x1x128xf32>
    %swap3A_184 = vector.shape_cast %swap3A_183 : vector<1250x1x128xf32> to vector<1250x128xf32>
    %swap3A_185 = vector.shape_cast %sub3A_179 : vector<1250x128xf32> to vector<1250x1x128xf32>
    tpu.vector_store %arg7[%swap3A_180, %swap3A_181, %swap3A_182], %swap3A_185 {strides = array<i32>} : memref<1250x8x128xf32, #tpu.memory_space<vmem>>, vector<1250x1x128xf32>,
    return
  }
  func.func @transform_0(%arg0: i32) -> (i32, i32) {
    %c0_i32 = arith.constant 0 : i32
    %c0_i32_0 = arith.constant 0 : i32
    return %arg0, %c0_i32 : i32, i32
  }
  func.func @transform_1(%arg0: i32) -> (i32, i32, i32) {
    %c0_i32 = arith.constant 0 : i32
    %c0_i32_0 = arith.constant 0 : i32
    %c0_i32_1 = arith.constant 0 : i32
    return %c0_i32, %arg0, %c0_i32_0 : i32, i32, i32
  }
  func.func @transform_2(%arg0: i32) -> (i32, i32) {
    %c0_i32 = arith.constant 0 : i32
    %c0_i32_0 = arith.constant 0 : i32
    %c0_i32_1 = arith.constant 0 : i32
    return %c0_i32, %c0_i32_0 : i32, i32
  }
  func.func @transform_3(%arg0: i32) -> (i32, i32) {
    %c0_i32 = arith.constant 0 : i32
    %c0_i32_0 = arith.constant 0 : i32
    %c0_i32_1 = arith.constant 0 : i32
    return %c0_i32, %c0_i32_0 : i32, i32
  }
  func.func @transform_4(%arg0: i32) -> (i32, i32) {
    %c0_i32 = arith.constant 0 : i32
    %c0_i32_0 = arith.constant 0 : i32
    %c0_i32_1 = arith.constant 0 : i32
    return %c0_i32, %c0_i32_0 : i32, i32
  }
  func.func @transform_5(%arg0: i32) -> (i32, i32) {
    %c0_i32 = arith.constant 0 : i32
    %c0_i32_0 = arith.constant 0 : i32
    %c0_i32_1 = arith.constant 0 : i32
    return %c0_i32, %c0_i32_0 : i32, i32
  }
  func.func @transform_6(%arg0: i32) -> (i32, i32, i32) {
    %c0_i32 = arith.constant 0 : i32
    %c0_i32_0 = arith.constant 0 : i32
    %c0_i32_1 = arith.constant 0 : i32
    return %arg0, %c0_i32, %c0_i32_0 : i32, i32, i32
  }
}

</mosaic_0001>

<sc_bundles>
// kernel: kernel.10.cloned.1.call-start
scs
__scs_entry_jumppad:
0x0: {  	(pc) =	sbr.rel $0x88, $3  }
0x1: {  	(tag) =	ssettag $0x0;
	lr =	simm.s32 $0x1  }
0x2: {  	[smem:$0x3F97] =	sst lr;
	_ =	strace $0xD0000000  }
0x3: {  	_ = 	snop  }
0x4: {  	_ = 	snop  }
0x5: {  	_ = 	snop  }
0x6: {  	_ = 	snop  }
0x7: {  	_ = 	snop  }
__scs_overlays_trampoline_lowered:
0x8: {  	[smem:$0x3FA6] =	sst s0  }
0x9: {  	[smem:$0x3FA7] =	sst s1  }
0xa: {  	[smem:$0x3FA8] =	sst s2  }
0xb: {  	[smem:$0x3FA9] =	sst s3  }
0xc: {  	[smem:$0x3FAA] =	sst s4  }
0xd: {  	[smem:$0x3FAB] =	sst s5  }
0xe: {  	[smem:$0x3FAC] =	sst s6  }
0xf: {  	[smem:$0x3FAD] =	sst s7  }
0x10: {  	[smem:$0x3FAE] =	sst s8  }
0x11: {  	[smem:$0x3FAF] =	sst s9;
	s0 =	simm.s32 @!p0 $0x0  }
0x12: {  	s1 =	sld [smem:$0x3F95];
	s0 =	simm.s32 @p0 $0x1  }
0x13: {  	[smem:$0x3FB0] =	sst s0;
	s0 =	simm.s32 @!p1 $0x0  }
0x14: {  	s2 =	sld [smem:$0x3F94];
	s0 =	simm.s32 @p1 $0x1  }
0x15: {  	[smem:$0x3FB1] =	sst s0;
	s0 =	simm.s32 @!p2 $0x0  }
0x16: {  	s3 =	sld [smem:$0x3FDB];
	s0 =	simm.s32 @p2 $0x1  }
0x17: {  	s4 =	simm.s32 $0x1BF5;
	[smem:$0x3FB3] =	sst s0  }
0x18: {  	s0 =	sld [smem:$0x3F96];
	_ =	swait.ge [sflag:s4], $0x0  }
0x19: {  	s7 =	sld [smem:$0x3F97]  }
0x1a: {  	s8 =	sadd.s32 $0xFFFFE003, lr  }
0x1b: {  	s9 =	sadd.s32 $0xFFFFFEF7, lr;
	s5 =	simm.s32 $0xFFFFFFFF;
	p2 =	slt.u32 s8, $0xFFFFF086  }
0x1c: {  	p1 =	slt.u32 s9, $0xF7A;
	s5 =	simm.s32 @!p2 $0x0  }
0x1d: {  	s5 =	simm.s32 @p1 $0x1;
	p0 =	seq.s32 s7, s2  }
0x1e: {  	s7 =	smul.u32 @!p0 $0xF7A, s2;
	p2 =	seq.s32 @!p0 s5, $0x0  }
0x1f: {  	s9 =	smul.u32 $0xF7A, s1;
	s8 =	simm.s32 @!p0 $0x1BF5;
	p2 =	por !p2, p0  }
0x20: {  	[sflag:s8] =	ssyncset.s32 @!p0 $0xFFFFF086;
	s6 =	sadd.s32 @!p0 s3, s7;
	s7 =	simm.s32 @!p0 $0x108  }
0x21: {  	s3 =	sadd.s32 s3, s9;
	s6 =	sadd.s32 @!p0 $0x88, s6;
	s7 =	simm.s32 @p2 $0x1082  }
0x22: {  	[simem:s7], [sflag:s8] =	dma.local @!p0 [hbm:s6], $0xF7A  }
0x23: {  	s9 =	sor.u32 $0xD0000000, s2;
	s6 =	simm.s32 $0x108;
	_ =	swait.ge @!p0 [sflag:s8], $0x0  }
0x24: {  	s3 =	sadd.s32 $0x88, s3;
	s6 =	simm.s32 @!p1 $0x1082;
	[sflag:s4] =	ssyncset.s32 $0xFFFFF086  }
0x25: {  	[simem:s6], [sflag:s4] =	dma.local [hbm:s3], $0xF7A  }
0x26: {  	[smem:$0x3F97] =	sst s1;
	(tag) =	ssettag s2;
	_ =	strace s9  }
0x27: {  	s1 =	sld [smem:$0x3FA7]  }
0x28: {  	s2 =	sld [smem:$0x3FA8]  }
0x29: {  	s4 =	sld [smem:$0x3FAA]  }
0x2a: {  	p0 =	seq.s32 s5, $0x0;
	s5 =	sld [smem:$0x3FAB]  }
0x2b: {  	s6 =	sld [smem:$0x3FAC]  }
0x2c: {  	s7 =	sld [smem:$0x3FAD]  }
0x2d: {  	s3 =	simm.s32 $0x108;
	s8 =	sld [smem:$0x3FAE]  }
0x2e: {  	s3 =	simm.s32 @!p0 $0x1082;
	s9 =	sld [smem:$0x3FAF]  }
0x2f: {  	lr =	sadd.s32 s0, s3;
	s0 =	sld [smem:$0x3FA6]  }
0x30: {  	s3 =	sld [smem:$0x3FA9]  }
0x31: {  	[smem:$0x3FB2] =	sst s10  }
0x32: {  	s10 =	sld [smem:$0x3FB0];
	_ =	sdelay $0x3  }
0x33: {  	p0 =	seq.s32 s10, $0x1;
	s10 =	sld [smem:$0x3FB2];
	_ =	sdelay $0x3  }
0x34: {  	[smem:$0x3FB2] =	sst s10  }
0x35: {  	s10 =	sld [smem:$0x3FB1];
	_ =	sdelay $0x3  }
0x36: {  	p1 =	seq.s32 s10, $0x1;
	s10 =	sld [smem:$0x3FB2];
	_ =	sdelay $0x3  }
0x37: {  	[smem:$0x3FB2] =	sst s10  }
0x38: {  	s10 =	sld [smem:$0x3FB3]  }
0x39: {  	_ = 	snop;
	(pc) =	sbr.ind lr, $3  }
0x3a: {  	_ = 	snop  }
0x3b: {  	_ = 	snop  }
0x3c: {  	p2 =	seq.s32 s10, $0x1;
	s10 =	sld [smem:$0x3FB2]  }
0x3d: {  	_ =	shalt  }
0x3e: {  	_ =	shalt  }
0x3f: {  	_ =	shalt  }
0x40: {  	_ =	shalt  }
0x41: {  	_ =	shalt  }
0x42: {  	_ =	shalt  }
0x43: {  	_ =	shalt  }
0x44: {  	_ =	shalt  }
0x45: {  	_ =	shalt  }
0x46: {  	_ =	shalt  }
0x47: {  	_ =	shalt  }
0x48: {  	_ =	shalt  }
0x49: {  	_ =	shalt  }
0x4a: {  	_ =	shalt  }
0x4b: {  	_ =	shalt  }
0x4c: {  	_ =	shalt  }
0x4d: {  	_ =	shalt  }
0x4e: {  	_ =	shalt  }
0x4f: {  	_ =	shalt  }
0x50: {  	_ =	shalt  }
0x51: {  	_ =	shalt  }
0x52: {  	_ =	shalt  }
0x53: {  	_ =	shalt  }
0x54: {  	_ =	shalt  }
0x55: {  	_ =	shalt  }
0x56: {  	_ =	shalt  }
0x57: {  	_ =	shalt  }
0x58: {  	_ =	shalt  }
0x59: {  	_ =	shalt  }
0x5a: {  	_ =	shalt  }
0x5b: {  	_ =	shalt  }
0x5c: {  	_ =	shalt  }
0x5d: {  	_ =	shalt  }
0x5e: {  	_ =	shalt  }
0x5f: {  	_ =	shalt  }
0x60: {  	_ =	shalt  }
0x61: {  	_ =	shalt  }
0x62: {  	_ =	shalt  }
0x63: {  	_ =	shalt  }
0x64: {  	_ =	shalt  }
0x65: {  	_ =	shalt  }
0x66: {  	_ =	shalt  }
0x67: {  	_ =	shalt  }
0x68: {  	_ =	shalt  }
0x69: {  	_ =	shalt  }
0x6a: {  	_ =	shalt  }
0x6b: {  	_ =	shalt  }
0x6c: {  	_ =	shalt  }
0x6d: {  	_ =	shalt  }
0x6e: {  	_ =	shalt  }
0x6f: {  	_ =	shalt  }
0x70: {  	_ =	shalt  }
0x71: {  	_ =	shalt  }
0x72: {  	_ =	shalt  }
0x73: {  	_ =	shalt  }
0x74: {  	_ =	shalt  }
0x75: {  	_ =	shalt  }
0x76: {  	_ =	shalt  }
0x77: {  	_ =	shalt  }
0x78: {  	_ =	shalt  }
0x79: {  	_ =	shalt  }
0x7a: {  	_ =	shalt  }
0x7b: {  	_ =	shalt  }
0x7c: {  	_ =	shalt  }
0x7d: {  	_ =	shalt  }
0x7e: {  	_ =	shalt  }
0x7f: {  	_ =	shalt  }
0x80: {  	_ =	shalt  }
0x81: {  	_ =	shalt  }
0x82: {  	_ =	shalt  }
0x83: {  	_ =	shalt  }
0x84: {  	_ =	shalt  }
0x85: {  	_ =	shalt  }
0x86: {  	_ =	shalt  }
0x87: {  	_ =	shalt  }
.Lfunc_end0:
.L_simem_size_0:
called_computation.1_lowered:
.L_overlay_start_0:
0x88: {  	s2 =	sld [smem:$0x3FD9]  }
0x89: {  	s3 =	sld [smem:$0x3FFE];
	_ =	sdelay $0x1  }
0x8a: {  	s1 =	srdreg.scid  }
0x8b: {  	s0 =	sand.u32 $0x1, s1  }
0x8c: {  	s17 =	sshll.u32 s0, $0xA;
	s2 =	sadd.s32 s3, s2  }
0x8d: {  	s2 =	sadd.s32 s2, s17  }
0x8e: {  	[smem:$0x3FBE] =	sst s2  }
0x8f: {  	_ = 	snop  }
0x90: {  	s2 =	sld [smem:$0x3FD0];
	(tm) =	ssettm $0x1  }
0x91: {  	s18 =	sld [smem:$0x3FFB];
	_ =	sdelay $0x3  }
0x92: {  	_ =	strace s18  }
0x93: {  	s3 =	sld [smem:$0x3FFC];
	_ =	sdelay $0x3  }
0x94: {  	_ =	strace s3  }
0x95: {  	s3 =	sld [smem:$0x3FFD];
	_ =	sdelay $0x3  }
0x96: {  	_ =	strace s3  }
0x97: {  	_ =	strace $0x8FFFFFFF  }
0x98: {  	s19 =	sld [smem:$0x3FDB];
	_ =	sdelay $0x1  }
0x99: {  	s4 =	simm.s32 $_scs_section_size  }
0x9a: {  	s5 =	simm.s32 $_size__tile_overlayer_lowered;
	s6 =	simm.s32 $_tile_overlayer_lowered  }
0x9b: {  	s22 =	simm.s32 $0x1BFF;
	s21 =	sshll.u32 s6, $0x1;
	s3 =	sadd.s32 s4, s19  }
0x9c: {  	s7 =	simm.s32 $0x0;
	s20 =	sshll.u32 s5, $0x1;
	s5 =	sadd.s32 s21, s3  }
0x9d: {  	[timem:s7], [sflag:s22] =	dma.local [hbm:s5], s20  }
0x9e: {  	_ =	swait.ge [sflag:s22], s20  }
0x9f: {  	s4 =	ssub.s32 $0x0, s20;
	[sflag:s22] =	ssyncset.done $0x0  }
0xa0: {  	[sflag:s22] =	ssyncadd.s32 s4;
	_ =	sdelay $0x1  }
0xa1: {  	s23 =	simm.s32 $0x1B8B  }
0xa2: {  	_ =	swait.ge [sflag:s23], $0x1  }
0xa3: {  	[sflag:s23] =	ssyncset.done $0x0  }
0xa4: {  	s25 =	simm.s32 $0x1B8E;
	s24 =	sld [smem:$0x3FFE];
	[sflag:s23] =	ssyncadd.s32 $0xFFFFFFFF  }
0xa5: {  	s26 =	simm.s32 $execute0_lowered;
	[smem:$0x3FD2] =	sst s25  }
0xa6: {  	s5 =	sshll.u32 s26, $0x1;
	_ =	strace $0x80000049;
	[dreg:$0x1] =	wrdreg $0xFFFFFFFF  }
0xa7: {  	s28 =	simm.s32 $_size_execute0_lowered;
	s3 =	sadd.s32 s3, s5;
	[dreg:$0x0] =	wrdreg $0x0  }
0xa8: {  	s5 =	sshll.u32 s28, $0x1;
	[dreg:$0x2] =	wrdreg s3  }
0xa9: {  	[dreg:$0x3] =	wrdreg s5  }
0xaa: {  	[dreg:$0x4] =	wrdreg $0xC0  }
0xab: {  	_ =	task [dreg:s7], $0x5FFFF  }
0xac: {  	[dreg:$0x1] =	wrdreg $0xFFFFFFFF  }
0xad: {  	[dreg:$0x0] =	wrdreg $0x60  }
0xae: {  	[dreg:$0x2] =	wrdreg s24  }
0xaf: {  	[dreg:$0x3] =	wrdreg s2  }
0xb0: {  	[dreg:$0x4] =	wrdreg $0x148200  }
0xb1: {  	[dreg:$0x5] =	wrdreg $0x9  }
0xb2: {  	_ =	task.clear_ibuf [dreg:s7], $0x6FFFF;
	_ =	strace $0x90000049  }
0xb3: {  	s29 =	simm.s32 $0x9;
	_ =	strace $0x8000004B  }
0xb4: {  	_ =	swait.ge [sflag:s29], $0x1  }
0xb5: {  	[sflag:s29] =	ssyncadd.s32 $0xFFFFFFFF  }
0xb6: {  	_ =	strace $0x9000004B  }
0xb7: {  	_ =	sfence  }
0xb8: {  	s30 =	sld [smem:$0x0];
	_ =	sdelay $0x2  }
0xb9: {  	s31 =	sshll.u32 s1, $0xD;
	s1 =	sshrl.u32 s1, $0x2  }
0xba: {  	s3 =	sand.u32 $0x4000, s31;
	s1 =	sadd.s32 s1, s30  }
0xbb: {  	s0 =	sor.u32 s3, s0;
	s1 =	sshll.u32 s1, $0x11  }
0xbc: {  	s0 =	sor.u32 s1, s0  }
0xbd: {  	s0 =	sadd.s32 $0x8F2B, s0  }
0xbe: {  	[sflag:s0] =	ssyncadd.remote.s32 $0x1  }
0xbf: {  	_ =	sfence.sel $0xFFFF  }
0xc0: {  	[dreg:$0x0] =	wrdreg $0xFFFFFFFF;
	(pc) =	sbr.abs _section_cstart, $3  }
0xc1: {  	[dreg:$0x1] =	wrdreg $0xFFFFFFFF  }
0xc2: {  	_ =	task.clear_ibuf [dreg:s7], $0x2FFFF;
	_ =	strace $0x9FFFFFFF  }
0xc3: {  	(tm) =	ssettm $0x7FFFFFFF  }
tec
execute0_lowered:
.L_overlay_start_1:
0x0: {  	(tag) =	ssettag $0x1  }
0x1: {  	s1 =	srdreg.scid;
	s0 =	stileid.u32  }
0x2: {  	s29 =	sand.u32 $0x1, s1;
	s20 =	sshll.u32 s0, $0x1  }
0x3: {  	s28 =	rddreg [dreg:$0x0];
	s1 =	sor.u32 s29, s20  }
0x4: {  	s4 =	rddreg [dreg:$0x1];
	s5 =	smul.u32 $0x2710, s1  }
0x5: {  	s2 =	rddreg [dreg:$0x2];
	s3 =	simm.s32 $0x0  }
0x6: {  	[smem:$0x7FF] =	sst s3;
	s6 =	sadd.s32 $0x7800, s28;
	s5 =	sshrl.u32 s5, $0x3  }
0x7: {  	_ =	strace $0x8000004A;
	[dreg:$0x4] =	wrdreg s6;
	s4 =	sadd.s32 s4, s5  }
0x8: {  	s19 =	rddreg [dreg:$0x4];
	s5 =	sadd.s32 $0x9C40, s4  }
0x9: {  	[tilespmem:s3], [sflag:$0x5] =	stream.linear.gather [hbm4b:s4+s3], $0x7D0, $0x38;
	[tilespmem:$0x16F30] =	vst v63  }
0xa: {  	s21 =	sadd.s32 $0xFA, s4;
	[dreg:$0x5] =	wrdreg s5  }
0xb: {  	s22 =	sadd.s32 $0x9D3A, s4;
	[dreg:$0x6] =	wrdreg s21  }
0xc: {  	s23 =	sadd.s32 $0x1F4, s4;
	[dreg:$0x7] =	wrdreg s22  }
0xd: {  	s24 =	sadd.s32 $0x9E34, s4;
	[dreg:$0x8] =	wrdreg s23  }
0xe: {  	s25 =	sadd.s32 $0x2EE, s4;
	[dreg:$0x9] =	wrdreg s24  }
0xf: {  	s26 =	sadd.s32 $0x9F2E, s4;
	[dreg:$0xa] =	wrdreg s25  }
0x10: {  	[dreg:$0xb] =	wrdreg s26  }
0x11: {  	s5 =	simm.s32 $0x2710;
	s31 =	rddreg [dreg:$0x5]  }
0x12: {  	[tilespmem:s5], [sflag:$0x5] =	stream.linear.gather [hbm4b:s31+s3], $0x7D0, $0x38;
	[tilespmem:$0x16F30] =	vst v63  }
0x13: {  	s10 =	simm.s32 $0x36B0;
	s6 =	simm.s32 $0x7D0;
	s7 =	rddreg [dreg:$0x6]  }
0x14: {  	[tilespmem:s6], [sflag:$0x5] =	stream.linear.gather [hbm4b:s7+s3], $0x7D0, $0x38;
	[tilespmem:$0x16F30] =	vst v63  }
0x15: {  	s13 =	smul.u32 $0xFA00, s0;
	s8 =	rddreg [dreg:$0x7];
	s7 =	simm.s32 $0x2EE0  }
0x16: {  	[tilespmem:s7], [sflag:$0x5] =	stream.linear.gather [hbm4b:s8+s3], $0x7D0, $0x38;
	[tilespmem:$0x16F30] =	vst v63  }
0x17: {  	p0 =	sgt.u32 s0, $0x9;
	s9 =	rddreg [dreg:$0x8];
	s8 =	simm.s32 $0xFA0  }
0x18: {  	[tilespmem:s8], [sflag:$0x5] =	stream.linear.gather [hbm4b:s9+s3], $0x7D0, $0x38;
	[tilespmem:$0x16F30] =	vst v63  }
0x19: {  	s18 =	sshll.u32 @!p0 s0, $0x6;
	s15 =	sshrl.u32 s13, $0x2;
	s11 =	rddreg [dreg:$0x9]  }
0x1a: {  	[tilespmem:s10], [sflag:$0x5] =	stream.linear.gather [hbm4b:s11+s3], $0x7D0, $0x38;
	[tilespmem:$0x16F30] =	vst v63  }
0x1b: {  	s13 =	simm.s32 $0x3E80;
	s12 =	rddreg [dreg:$0xa];
	s11 =	simm.s32 $0x1770  }
0x1c: {  	[tilespmem:s11], [sflag:$0x5] =	stream.linear.gather [hbm4b:s12+s3], $0x7D0, $0x38;
	[tilespmem:$0x16F30] =	vst v63  }
0x1d: {  	s18 =	sor.u32 @!p0 $0x1C06, s18;
	s16 =	sadd.s32 s15, s2;
	s14 =	rddreg [dreg:$0xb]  }
0x1e: {  	[tilespmem:s13], [sflag:$0x5] =	stream.linear.gather [hbm4b:s14+s3], $0x7D0, $0x38;
	[tilespmem:$0x16F30] =	vst v63  }
0x1f: {  	s15 =	simm.s32 $0x4650;
	s9 =	sadd.s32 $0x3E8, s4;
	s14 =	simm.s32 $0x1F40  }
0x20: {  	[tilespmem:s14], [sflag:$0x5] =	stream.linear.gather [hbm4b:s9+s3], $0x7D0, $0x38;
	[tilespmem:$0x16F30] =	vst v63  }
0x21: {  	s17 =	sshrl.u32 @!p0 s16, $0x3;
	s16 =	simm.s32 @!p0 $0x6;
	s12 =	sadd.s32 $0xA028, s4  }
0x22: {  	[tilespmem:s15], [sflag:$0x5] =	stream.linear.gather [hbm4b:s12+s3], $0x7D0, $0x38;
	[tilespmem:$0x16F30] =	vst v63  }
0x23: {  	[spmem:s17], [sflag:s18] =	dma.local @!p0 [hbm:s19], $0x7D0  }
0x24: {  	_ =	swait.ge @!p0 [sflag:s16], $0x7D0  }
0x25: {  	[sflag:s16] =	ssyncset.done @!p0 $0x0  }
0x26: {  	s19 =	simm.s32 $0x5;
	[sflag:s16] =	ssyncadd.s32 @!p0 $0xFFFFF830  }
0x27: {  	_ =	swait.ge [sflag:s19], $0x7D0  }
0x28: {  	[sflag:s19] =	ssyncset.done $0x0  }
0x29: {  	[sflag:s19] =	ssyncadd.s32 $0xFFFFF830  }
0x2a: {  	_ =	swait.ge [sflag:s19], $0x7D0  }
0x2b: {  	[sflag:s19] =	ssyncset.done $0x0  }
0x2c: {  	[sflag:s19] =	ssyncadd.s32 $0xFFFFF830  }
0x2d: {  	_ =	swait.ge [sflag:s19], $0x7D0  }
0x2e: {  	[sflag:s19] =	ssyncset.done $0x0  }
0x2f: {  	[sflag:s19] =	ssyncadd.s32 $0xFFFFF830  }
0x30: {  	_ =	swait.ge [sflag:s19], $0x7D0  }
0x31: {  	[sflag:s19] =	ssyncset.done $0x0  }
0x32: {  	[sflag:s19] =	ssyncadd.s32 $0xFFFFF830  }
0x33: {  	_ =	swait.ge [sflag:s19], $0x7D0  }
0x34: {  	[sflag:s19] =	ssyncset.done $0x0  }
0x35: {  	[sflag:s19] =	ssyncadd.s32 $0xFFFFF830  }
0x36: {  	_ =	swait.ge [sflag:s19], $0x7D0  }
0x37: {  	[sflag:s19] =	ssyncset.done $0x0  }
0x38: {  	[sflag:s19] =	ssyncadd.s32 $0xFFFFF830  }
0x39: {  	_ =	swait.ge [sflag:s19], $0x7D0  }
0x3a: {  	[sflag:s19] =	ssyncset.done $0x0  }
0x3b: {  	[sflag:s19] =	ssyncadd.s32 $0xFFFFF830  }
0x3c: {  	_ =	swait.ge [sflag:s19], $0x7D0  }
0x3d: {  	[sflag:s19] =	ssyncset.done $0x0  }
0x3e: {  	[sflag:s19] =	ssyncadd.s32 $0xFFFFF830  }
0x3f: {  	_ =	swait.ge [sflag:s19], $0x7D0  }
0x40: {  	[sflag:s19] =	ssyncset.done $0x0  }
0x41: {  	[sflag:s19] =	ssyncadd.s32 $0xFFFFF830  }
0x42: {  	_ =	swait.ge [sflag:s19], $0x7D0  }
0x43: {  	[sflag:s19] =	ssyncset.done $0x0  }
0x44: {  	s20 =	sadd.s32 $0x2800, s28;
	[sflag:s19] =	ssyncadd.s32 $0xFFFFF830  }
0x45: {  	s21 =	simm.s32 $0x4E20;
	s22 =	simm.s32 $0x1;
	[bflag:$0x0] =	sbarrier.arrive $0xFFFF  }
0x46: {  	[tilespmem:s21], [sflag:$0x1] =	stream.indirect.gather [hbm4b:s20+s6], $0x10, s3, s6, $0xb8;
	[tilespmem:$0x16F30] =	vst v63  }
0x47: {  	_ =	swait.ge [sflag:s22], $0x7D00  }
0x48: {  	[sflag:s22] =	ssyncset.done $0x0  }
0x49: {  	[sflag:s22] =	ssyncadd.s32 $0xFFFF8300  }
0x4a: {  	[spmem:s2] =	stream.indirect.scatter.add.f32 [tilespmem:s21], [sflag:$0x3], $0x10, s5, s6, $0xb8;
	[tilespmem:$0x16F30] =	vst v63  }
0x4b: {  	s23 =	simm.s32 $0xCB20;
	s24 =	simm.s32 $0x2  }
0x4c: {  	[tilespmem:s23], [sflag:$0x2] =	stream.indirect.gather [hbm4b:s20+s6], $0x10, s6, s6, $0xb8;
	[tilespmem:$0x16F30] =	vst v63  }
0x4d: {  	_ =	swait.ge [sflag:s24], $0x7D00  }
0x4e: {  	[sflag:s24] =	ssyncset.done $0x0  }
0x4f: {  	s25 =	simm.s32 $0x3;
	[sflag:s24] =	ssyncadd.s32 $0xFFFF8300  }
0x50: {  	[spmem:s2] =	stream.indirect.scatter.add.f32 [tilespmem:s23], [sflag:$0x4], $0x10, s7, s6, $0xb8;
	[tilespmem:$0x16F30] =	vst v63  }
0x51: {  	_ =	swait.ge [sflag:s25], $0x7D00  }
0x52: {  	[sflag:s25] =	ssyncset.done $0x0  }
0x53: {  	[sflag:s25] =	ssyncadd.s32 $0xFFFF8300  }
0x54: {  	[tilespmem:s21], [sflag:$0x1] =	stream.indirect.gather [hbm4b:s20+s6], $0x10, s8, s6, $0xb8;
	[tilespmem:$0x16F30] =	vst v63  }
0x55: {  	_ =	swait.ge [sflag:s22], $0x7D00  }
0x56: {  	[sflag:s22] =	ssyncset.done $0x0  }
0x57: {  	s26 =	simm.s32 $0x4;
	[sflag:s22] =	ssyncadd.s32 $0xFFFF8300  }
0x58: {  	[spmem:s2] =	stream.indirect.scatter.add.f32 [tilespmem:s21], [sflag:$0x3], $0x10, s10, s6, $0xb8;
	[tilespmem:$0x16F30] =	vst v63  }
0x59: {  	_ =	swait.ge [sflag:s26], $0x7D00  }
0x5a: {  	[sflag:s26] =	ssyncset.done $0x0  }
0x5b: {  	[sflag:s26] =	ssyncadd.s32 $0xFFFF8300  }
0x5c: {  	[tilespmem:s23], [sflag:$0x2] =	stream.indirect.gather [hbm4b:s20+s6], $0x10, s11, s6, $0xb8;
	[tilespmem:$0x16F30] =	vst v63  }
0x5d: {  	_ =	swait.ge [sflag:s24], $0x7D00  }
0x5e: {  	[sflag:s24] =	ssyncset.done $0x0  }
0x5f: {  	[sflag:s24] =	ssyncadd.s32 $0xFFFF8300  }
0x60: {  	[spmem:s2] =	stream.indirect.scatter.add.f32 [tilespmem:s23], [sflag:$0x4], $0x10, s13, s6, $0xb8;
	[tilespmem:$0x16F30] =	vst v63  }
0x61: {  	_ =	swait.ge [sflag:s25], $0x7D00  }
0x62: {  	s30 =	smul.u32 $0x27100, s29;
	[sflag:s25] =	ssyncset.done $0x0  }
0x63: {  	s31 =	smul.u32 $0x3E80, s0;
	[sflag:s25] =	ssyncadd.s32 $0xFFFF8300  }
0x64: {  	[tilespmem:s21], [sflag:$0x1] =	stream.indirect.gather [hbm4b:s20+s6], $0x10, s14, s6, $0xb8;
	[tilespmem:$0x16F30] =	vst v63  }
0x65: {  	s30 =	sadd.s32 s31, s30;
	_ =	swait.ge [sflag:s22], $0x7D00  }
0x66: {  	s29 =	ssub.s32 $0x2, s29;
	s30 =	sshrl.u32 s30, $0x3;
	[sflag:s22] =	ssyncset.done $0x0  }
0x67: {  	s28 =	sadd.s32 s30, s28;
	s30 =	sshrl.u32 s29, $0x1;
	[sflag:s22] =	ssyncadd.s32 $0xFFFF8300  }
0x68: {  	[spmem:s2] =	stream.indirect.scatter.add.f32 [tilespmem:s21], [sflag:$0x3], $0x10, s15, s6, $0xb8;
	[tilespmem:$0x16F30] =	vst v63  }
0x69: {  	s29 =	ssub.s32 s29, s30;
	_ =	swait.ge [sflag:s25], $0x7D00  }
0x6a: {  	s30 =	sadd.s32 s31, s2;
	s1 =	smax.u32 s29, $0x1;
	[sflag:s25] =	ssyncset.done $0x0  }
0x6b: {  	s29 =	sshrl.u32 @!p0 s30, $0x3;
	s30 =	sadd.s32 $0xFFFFFFFF, s1;
	[sflag:s25] =	ssyncadd.s32 $0xFFFF8300  }
0x6c: {  	p1 =	sne.s32 s30, $0x0;
	_ =	swait.ge [sflag:s26], $0x7D00  }
.Ltmp0:
0x6d: {  	[sflag:s26] =	ssyncset.done $0x0;
	(pc) =	sbr.rel @!p1 .LBB2_2-.Ltmp0, $4  }
0x6e: {  	[sflag:s26] =	ssyncadd.s32 $0xFFFF8300  }
0x6f: {  	s28 =	sadd.s32 $0x8000, s28;
	[bflag:$0x0] =	sbarrier.arrive $0xFFFF  }
0x70: {  	[hbm:s28], [sflag:s18] =	dma.local @!p0 [spmem:s29], $0x7D0  }
0x71: {  	_ =	swait.ge @!p0 [sflag:s16], $0x7D0  }
.LBB2_1:
0x72: {  	[sflag:s16] =	ssyncset.done @!p0 $0x0  }
0x73: {  	[sflag:s16] =	ssyncadd.s32 @!p0 $0xFFFFF830  }
0x74: {  	[tilespmem:s3], [sflag:$0x5] =	stream.linear.gather [hbm4b:s4+s3], $0x7D0, $0x38;
	[tilespmem:$0x16F30] =	vst v63  }
0x75: {  	s31 =	rddreg [dreg:$0x5]  }
0x76: {  	[tilespmem:s5], [sflag:$0x5] =	stream.linear.gather [hbm4b:s31+s3], $0x7D0, $0x38;
	[tilespmem:$0x16F30] =	vst v63  }
0x77: {  	s1 =	rddreg [dreg:$0x6]  }
0x78: {  	[tilespmem:s6], [sflag:$0x5] =	stream.linear.gather [hbm4b:s1+s3], $0x7D0, $0x38;
	[tilespmem:$0x16F30] =	vst v63  }
0x79: {  	s31 =	rddreg [dreg:$0x7]  }
0x7a: {  	[tilespmem:s7], [sflag:$0x5] =	stream.linear.gather [hbm4b:s31+s3], $0x7D0, $0x38;
	[tilespmem:$0x16F30] =	vst v63  }
0x7b: {  	s1 =	rddreg [dreg:$0x8]  }
0x7c: {  	[tilespmem:s8], [sflag:$0x5] =	stream.linear.gather [hbm4b:s1+s3], $0x7D0, $0x38;
	[tilespmem:$0x16F30] =	vst v63  }
0x7d: {  	s31 =	rddreg [dreg:$0x9]  }
0x7e: {  	[tilespmem:s10], [sflag:$0x5] =	stream.linear.gather [hbm4b:s31+s3], $0x7D0, $0x38;
	[tilespmem:$0x16F30] =	vst v63  }
0x7f: {  	s1 =	rddreg [dreg:$0xa]  }
0x80: {  	[tilespmem:s11], [sflag:$0x5] =	stream.linear.gather [hbm4b:s1+s3], $0x7D0, $0x38;
	[tilespmem:$0x16F30] =	vst v63  }
0x81: {  	s31 =	rddreg [dreg:$0xb]  }
0x82: {  	[tilespmem:s13], [sflag:$0x5] =	stream.linear.gather [hbm4b:s31+s3], $0x7D0, $0x38;
	[tilespmem:$0x16F30] =	vst v63  }
0x83: {  	_ = 	snop  }
0x84: {  	[tilespmem:s14], [sflag:$0x5] =	stream.linear.gather [hbm4b:s9+s3], $0x7D0, $0x38;
	[tilespmem:$0x16F30] =	vst v63  }
0x85: {  	s1 =	rddreg [dreg:$0x4]  }
0x86: {  	[tilespmem:s15], [sflag:$0x5] =	stream.linear.gather [hbm4b:s12+s3], $0x7D0, $0x38;
	[tilespmem:$0x16F30] =	vst v63  }
0x87: {  	[spmem:s17], [sflag:s18] =	dma.local @!p0 [hbm:s1], $0x7D0  }
0x88: {  	_ =	swait.ge @!p0 [sflag:s16], $0x7D0  }
0x89: {  	[sflag:s16] =	ssyncset.done @!p0 $0x0  }
0x8a: {  	[sflag:s16] =	ssyncadd.s32 @!p0 $0xFFFFF830  }
0x8b: {  	_ =	swait.ge [sflag:s19], $0x7D0  }
0x8c: {  	[sflag:s19] =	ssyncset.done $0x0  }
0x8d: {  	[sflag:s19] =	ssyncadd.s32 $0xFFFFF830  }
0x8e: {  	_ =	swait.ge [sflag:s19], $0x7D0  }
0x8f: {  	[sflag:s19] =	ssyncset.done $0x0  }
0x90: {  	[sflag:s19] =	ssyncadd.s32 $0xFFFFF830  }
0x91: {  	_ =	swait.ge [sflag:s19], $0x7D0  }
0x92: {  	[sflag:s19] =	ssyncset.done $0x0  }
0x93: {  	[sflag:s19] =	ssyncadd.s32 $0xFFFFF830  }
0x94: {  	_ =	swait.ge [sflag:s19], $0x7D0  }
0x95: {  	[sflag:s19] =	ssyncset.done $0x0  }
0x96: {  	[sflag:s19] =	ssyncadd.s32 $0xFFFFF830  }
0x97: {  	_ =	swait.ge [sflag:s19], $0x7D0  }
0x98: {  	[sflag:s19] =	ssyncset.done $0x0  }
0x99: {  	[sflag:s19] =	ssyncadd.s32 $0xFFFFF830  }
0x9a: {  	_ =	swait.ge [sflag:s19], $0x7D0  }
0x9b: {  	[sflag:s19] =	ssyncset.done $0x0  }
0x9c: {  	[sflag:s19] =	ssyncadd.s32 $0xFFFFF830  }
0x9d: {  	_ =	swait.ge [sflag:s19], $0x7D0  }
0x9e: {  	[sflag:s19] =	ssyncset.done $0x0  }
0x9f: {  	[sflag:s19] =	ssyncadd.s32 $0xFFFFF830  }
0xa0: {  	_ =	swait.ge [sflag:s19], $0x7D0  }
0xa1: {  	[sflag:s19] =	ssyncset.done $0x0  }
0xa2: {  	[sflag:s19] =	ssyncadd.s32 $0xFFFFF830  }
0xa3: {  	_ =	swait.ge [sflag:s19], $0x7D0  }
0xa4: {  	[sflag:s19] =	ssyncset.done $0x0  }
0xa5: {  	[sflag:s19] =	ssyncadd.s32 $0xFFFFF830  }
0xa6: {  	_ =	swait.ge [sflag:s19], $0x7D0  }
0xa7: {  	[sflag:s19] =	ssyncset.done $0x0  }
0xa8: {  	[sflag:s19] =	ssyncadd.s32 $0xFFFFF830  }
0xa9: {  	[bflag:$0x0] =	sbarrier.arrive $0xFFFF  }
0xaa: {  	[tilespmem:s21], [sflag:$0x1] =	stream.indirect.gather [hbm4b:s20+s6], $0x10, s3, s6, $0xb8;
	[tilespmem:$0x16F30] =	vst v63  }
0xab: {  	_ =	swait.ge [sflag:s22], $0x7D00  }
0xac: {  	[sflag:s22] =	ssyncset.done $0x0  }
0xad: {  	[sflag:s22] =	ssyncadd.s32 $0xFFFF8300  }
0xae: {  	[spmem:s2] =	stream.indirect.scatter.add.f32 [tilespmem:s21], [sflag:$0x3], $0x10, s5, s6, $0xb8;
	[tilespmem:$0x16F30] =	vst v63  }
0xaf: {  	_ = 	snop  }
0xb0: {  	[tilespmem:s23], [sflag:$0x2] =	stream.indirect.gather [hbm4b:s20+s6], $0x10, s6, s6, $0xb8;
	[tilespmem:$0x16F30] =	vst v63  }
0xb1: {  	_ =	swait.ge [sflag:s24], $0x7D00  }
0xb2: {  	[sflag:s24] =	ssyncset.done $0x0  }
0xb3: {  	[sflag:s24] =	ssyncadd.s32 $0xFFFF8300  }
0xb4: {  	[spmem:s2] =	stream.indirect.scatter.add.f32 [tilespmem:s23], [sflag:$0x4], $0x10, s7, s6, $0xb8;
	[tilespmem:$0x16F30] =	vst v63  }
0xb5: {  	_ =	swait.ge [sflag:s25], $0x7D00  }
0xb6: {  	[sflag:s25] =	ssyncset.done $0x0  }
0xb7: {  	[sflag:s25] =	ssyncadd.s32 $0xFFFF8300  }
0xb8: {  	[tilespmem:s21], [sflag:$0x1] =	stream.indirect.gather [hbm4b:s20+s6], $0x10, s8, s6, $0xb8;
	[tilespmem:$0x16F30] =	vst v63  }
0xb9: {  	_ =	swait.ge [sflag:s22], $0x7D00  }
0xba: {  	[sflag:s22] =	ssyncset.done $0x0  }
0xbb: {  	[sflag:s22] =	ssyncadd.s32 $0xFFFF8300  }
0xbc: {  	[spmem:s2] =	stream.indirect.scatter.add.f32 [tilespmem:s21], [sflag:$0x3], $0x10, s10, s6, $0xb8;
	[tilespmem:$0x16F30] =	vst v63  }
0xbd: {  	_ =	swait.ge [sflag:s26], $0x7D00  }
0xbe: {  	[sflag:s26] =	ssyncset.done $0x0  }
0xbf: {  	[sflag:s26] =	ssyncadd.s32 $0xFFFF8300  }
0xc0: {  	[tilespmem:s23], [sflag:$0x2] =	stream.indirect.gather [hbm4b:s20+s6], $0x10, s11, s6, $0xb8;
	[tilespmem:$0x16F30] =	vst v63  }
0xc1: {  	_ =	swait.ge [sflag:s24], $0x7D00  }
0xc2: {  	[sflag:s24] =	ssyncset.done $0x0  }
0xc3: {  	[sflag:s24] =	ssyncadd.s32 $0xFFFF8300  }
0xc4: {  	[spmem:s2] =	stream.indirect.scatter.add.f32 [tilespmem:s23], [sflag:$0x4], $0x10, s13, s6, $0xb8;
	[tilespmem:$0x16F30] =	vst v63  }
0xc5: {  	_ =	swait.ge [sflag:s25], $0x7D00  }
0xc6: {  	[sflag:s25] =	ssyncset.done $0x0  }
0xc7: {  	[sflag:s25] =	ssyncadd.s32 $0xFFFF8300  }
0xc8: {  	[tilespmem:s21], [sflag:$0x1] =	stream.indirect.gather [hbm4b:s20+s6], $0x10, s14, s6, $0xb8;
	[tilespmem:$0x16F30] =	vst v63  }
0xc9: {  	_ =	swait.ge [sflag:s22], $0x7D00  }
0xca: {  	[sflag:s22] =	ssyncset.done $0x0  }
0xcb: {  	[sflag:s22] =	ssyncadd.s32 $0xFFFF8300  }
0xcc: {  	[spmem:s2] =	stream.indirect.scatter.add.f32 [tilespmem:s21], [sflag:$0x3], $0x10, s15, s6, $0xb8;
	[tilespmem:$0x16F30] =	vst v63  }
0xcd: {  	_ =	swait.ge [sflag:s25], $0x7D00  }
0xce: {  	[sflag:s25] =	ssyncset.done $0x0  }
0xcf: {  	s30 =	sadd.s32 $0xFFFFFFFF, s30;
	[sflag:s25] =	ssyncadd.s32 $0xFFFF8300  }
0xd0: {  	p1 =	sne.s32 s30, $0x0;
	_ =	swait.ge [sflag:s26], $0x7D00  }
.Ltmp1:
0xd1: {  	[sflag:s26] =	ssyncset.done $0x0;
	(pc) =	sbr.rel @p1 .LBB2_1-.Ltmp1, $4  }
0xd2: {  	[sflag:s26] =	ssyncadd.s32 $0xFFFF8300  }
0xd3: {  	[bflag:$0x0] =	sbarrier.arrive $0xFFFF  }
0xd4: {  	[hbm:s28], [sflag:s18] =	dma.local @!p0 [spmem:s29], $0x7D0  }
0xd5: {  	_ =	swait.ge @!p0 [sflag:s16], $0x7D0  }
.LBB2_2:
0xd6: {  	[sflag:s16] =	ssyncset.done @!p0 $0x0  }
0xd7: {  	[sflag:s16] =	ssyncadd.s32 @!p0 $0xFFFFF830  }
0xd8: {  	_ =	sfence.sel $0x180000  }
0xd9: {  	[bflag:$0x0] =	sbarrier.arrive $0xFFFF  }
0xda: {  	_ =	strace $0x9000004A  }
0xdb: {  	[bflag:$0x2] =	sbarrier.arrive $0xFFFF  }
0xdc: {  	p0 =	sne.s32 s0, $0x0;
	s0 =	rddreg [dreg:$0x3]  }
0xdd: {  	s0 =	sadd.s32 @!p0 $0x100000, s0  }
0xde: {  	[sflag:s0] =	ssyncadd.tile.s32 @!p0 $0x1;
	_ =	shalt  }
.Lfunc_end2:
_tile_overlayer_lowered:
.L_overlay_start_2:
0xdf: {  	(tag) =	ssettag $0x2  }
0xe0: {  	s0 =	rddreg [dreg:$0x0];
	s2 =	stileid.u32  }
0xe1: {  	s1 =	rddreg [dreg:$0x1];
	p0 =	sne.s32 s2, $0x0  }
0xe2: {  	s3 =	rddreg [dreg:$0x2];
	[bflag:$0x3] =	sbarrier.arrive $0xFFFF;
	s2 =	simm.s32 @!p0 $0x1C06  }
0xe3: {  	[timem:s3], [sflag:s2] =	dma.local @!p0 [hbm:s0], s1  }
0xe4: {  	s0 =	simm.s32 @!p0 $0x6  }
0xe5: {  	_ =	swait.ge @!p0 [sflag:s0], s1  }
0xe6: {  	s1 =	ssub.s32 @!p0 $0x0, s1;
	[sflag:s0] =	ssyncset.done @!p0 $0x0  }
0xe7: {  	[sflag:s0] =	ssyncadd.s32 @!p0 s1  }
0xe8: {  	[bflag:$0x3] =	sbarrier.arrive $0xFFFF  }
0xe9: {  	_ =	shalt  }

// kernel: kernel.7.cloned.1.call-start
scs
__scs_entry_jumppad:
0x0: {  	(pc) =	sbr.rel $0x88, $3  }
0x1: {  	(tag) =	ssettag $0x0;
	lr =	simm.s32 $0x1  }
0x2: {  	[smem:$0x3F97] =	sst lr;
	_ =	strace $0xD0000000  }
0x3: {  	_ = 	snop  }
0x4: {  	_ = 	snop  }
0x5: {  	_ = 	snop  }
0x6: {  	_ = 	snop  }
0x7: {  	_ = 	snop  }
__scs_overlays_trampoline_lowered:
0x8: {  	[smem:$0x3FA6] =	sst s0  }
0x9: {  	[smem:$0x3FA7] =	sst s1  }
0xa: {  	[smem:$0x3FA8] =	sst s2  }
0xb: {  	[smem:$0x3FA9] =	sst s3  }
0xc: {  	[smem:$0x3FAA] =	sst s4  }
0xd: {  	[smem:$0x3FAB] =	sst s5  }
0xe: {  	[smem:$0x3FAC] =	sst s6  }
0xf: {  	[smem:$0x3FAD] =	sst s7  }
0x10: {  	[smem:$0x3FAE] =	sst s8  }
0x11: {  	[smem:$0x3FAF] =	sst s9;
	s0 =	simm.s32 @!p0 $0x0  }
0x12: {  	s1 =	sld [smem:$0x3F95];
	s0 =	simm.s32 @p0 $0x1  }
0x13: {  	[smem:$0x3FB0] =	sst s0;
	s0 =	simm.s32 @!p1 $0x0  }
0x14: {  	s2 =	sld [smem:$0x3F94];
	s0 =	simm.s32 @p1 $0x1  }
0x15: {  	[smem:$0x3FB1] =	sst s0;
	s0 =	simm.s32 @!p2 $0x0  }
0x16: {  	s3 =	sld [smem:$0x3FDB];
	s0 =	simm.s32 @p2 $0x1  }
0x17: {  	s4 =	simm.s32 $0x1BF5;
	[smem:$0x3FB3] =	sst s0  }
0x18: {  	s0 =	sld [smem:$0x3F96];
	_ =	swait.ge [sflag:s4], $0x0  }
0x19: {  	s7 =	sld [smem:$0x3F97]  }
0x1a: {  	s8 =	sadd.s32 $0xFFFFE003, lr  }
0x1b: {  	s9 =	sadd.s32 $0xFFFFFEF7, lr;
	s5 =	simm.s32 $0xFFFFFFFF;
	p2 =	slt.u32 s8, $0xFFFFF086  }
0x1c: {  	p1 =	slt.u32 s9, $0xF7A;
	s5 =	simm.s32 @!p2 $0x0  }
0x1d: {  	s5 =	simm.s32 @p1 $0x1;
	p0 =	seq.s32 s7, s2  }
0x1e: {  	s7 =	smul.u32 @!p0 $0xF7A, s2;
	p2 =	seq.s32 @!p0 s5, $0x0  }
0x1f: {  	s9 =	smul.u32 $0xF7A, s1;
	s8 =	simm.s32 @!p0 $0x1BF5;
	p2 =	por !p2, p0  }
0x20: {  	[sflag:s8] =	ssyncset.s32 @!p0 $0xFFFFF086;
	s6 =	sadd.s32 @!p0 s3, s7;
	s7 =	simm.s32 @!p0 $0x108  }
0x21: {  	s3 =	sadd.s32 s3, s9;
	s6 =	sadd.s32 @!p0 $0x88, s6;
	s7 =	simm.s32 @p2 $0x1082  }
0x22: {  	[simem:s7], [sflag:s8] =	dma.local @!p0 [hbm:s6], $0xF7A  }
0x23: {  	s9 =	sor.u32 $0xD0000000, s2;
	s6 =	simm.s32 $0x108;
	_ =	swait.ge @!p0 [sflag:s8], $0x0  }
0x24: {  	s3 =	sadd.s32 $0x88, s3;
	s6 =	simm.s32 @!p1 $0x1082;
	[sflag:s4] =	ssyncset.s32 $0xFFFFF086  }
0x25: {  	[simem:s6], [sflag:s4] =	dma.local [hbm:s3], $0xF7A  }
0x26: {  	[smem:$0x3F97] =	sst s1;
	(tag) =	ssettag s2;
	_ =	strace s9  }
0x27: {  	s1 =	sld [smem:$0x3FA7]  }
0x28: {  	s2 =	sld [smem:$0x3FA8]  }
0x29: {  	s4 =	sld [smem:$0x3FAA]  }
0x2a: {  	p0 =	seq.s32 s5, $0x0;
	s5 =	sld [smem:$0x3FAB]  }
0x2b: {  	s6 =	sld [smem:$0x3FAC]  }
0x2c: {  	s7 =	sld [smem:$0x3FAD]  }
0x2d: {  	s3 =	simm.s32 $0x108;
	s8 =	sld [smem:$0x3FAE]  }
0x2e: {  	s3 =	simm.s32 @!p0 $0x1082;
	s9 =	sld [smem:$0x3FAF]  }
0x2f: {  	lr =	sadd.s32 s0, s3;
	s0 =	sld [smem:$0x3FA6]  }
0x30: {  	s3 =	sld [smem:$0x3FA9]  }
0x31: {  	[smem:$0x3FB2] =	sst s10  }
0x32: {  	s10 =	sld [smem:$0x3FB0];
	_ =	sdelay $0x3  }
0x33: {  	p0 =	seq.s32 s10, $0x1;
	s10 =	sld [smem:$0x3FB2];
	_ =	sdelay $0x3  }
0x34: {  	[smem:$0x3FB2] =	sst s10  }
0x35: {  	s10 =	sld [smem:$0x3FB1];
	_ =	sdelay $0x3  }
0x36: {  	p1 =	seq.s32 s10, $0x1;
	s10 =	sld [smem:$0x3FB2];
	_ =	sdelay $0x3  }
0x37: {  	[smem:$0x3FB2] =	sst s10  }
0x38: {  	s10 =	sld [smem:$0x3FB3]  }
0x39: {  	_ = 	snop;
	(pc) =	sbr.ind lr, $3  }
0x3a: {  	_ = 	snop  }
0x3b: {  	_ = 	snop  }
0x3c: {  	p2 =	seq.s32 s10, $0x1;
	s10 =	sld [smem:$0x3FB2]  }
0x3d: {  	_ =	shalt  }
0x3e: {  	_ =	shalt  }
0x3f: {  	_ =	shalt  }
0x40: {  	_ =	shalt  }
0x41: {  	_ =	shalt  }
0x42: {  	_ =	shalt  }
0x43: {  	_ =	shalt  }
0x44: {  	_ =	shalt  }
0x45: {  	_ =	shalt  }
0x46: {  	_ =	shalt  }
0x47: {  	_ =	shalt  }
0x48: {  	_ =	shalt  }
0x49: {  	_ =	shalt  }
0x4a: {  	_ =	shalt  }
0x4b: {  	_ =	shalt  }
0x4c: {  	_ =	shalt  }
0x4d: {  	_ =	shalt  }
0x4e: {  	_ =	shalt  }
0x4f: {  	_ =	shalt  }
0x50: {  	_ =	shalt  }
0x51: {  	_ =	shalt  }
0x52: {  	_ =	shalt  }
0x53: {  	_ =	shalt  }
0x54: {  	_ =	shalt  }
0x55: {  	_ =	shalt  }
0x56: {  	_ =	shalt  }
0x57: {  	_ =	shalt  }
0x58: {  	_ =	shalt  }
0x59: {  	_ =	shalt  }
0x5a: {  	_ =	shalt  }
0x5b: {  	_ =	shalt  }
0x5c: {  	_ =	shalt  }
0x5d: {  	_ =	shalt  }
0x5e: {  	_ =	shalt  }
0x5f: {  	_ =	shalt  }
0x60: {  	_ =	shalt  }
0x61: {  	_ =	shalt  }
0x62: {  	_ =	shalt  }
0x63: {  	_ =	shalt  }
0x64: {  	_ =	shalt  }
0x65: {  	_ =	shalt  }
0x66: {  	_ =	shalt  }
0x67: {  	_ =	shalt  }
0x68: {  	_ =	shalt  }
0x69: {  	_ =	shalt  }
0x6a: {  	_ =	shalt  }
0x6b: {  	_ =	shalt  }
0x6c: {  	_ =	shalt  }
0x6d: {  	_ =	shalt  }
0x6e: {  	_ =	shalt  }
0x6f: {  	_ =	shalt  }
0x70: {  	_ =	shalt  }
0x71: {  	_ =	shalt  }
0x72: {  	_ =	shalt  }
0x73: {  	_ =	shalt  }
0x74: {  	_ =	shalt  }
0x75: {  	_ =	shalt  }
0x76: {  	_ =	shalt  }
0x77: {  	_ =	shalt  }
0x78: {  	_ =	shalt  }
0x79: {  	_ =	shalt  }
0x7a: {  	_ =	shalt  }
0x7b: {  	_ =	shalt  }
0x7c: {  	_ =	shalt  }
0x7d: {  	_ =	shalt  }
0x7e: {  	_ =	shalt  }
0x7f: {  	_ =	shalt  }
0x80: {  	_ =	shalt  }
0x81: {  	_ =	shalt  }
0x82: {  	_ =	shalt  }
0x83: {  	_ =	shalt  }
0x84: {  	_ =	shalt  }
0x85: {  	_ =	shalt  }
0x86: {  	_ =	shalt  }
0x87: {  	_ =	shalt  }
.Lfunc_end0:
.L_simem_size_0:
called_computation_lowered:
.L_overlay_start_0:
0x88: {  	s2 =	sld [smem:$0x3FD9]  }
0x89: {  	s3 =	sld [smem:$0x3FFE];
	_ =	sdelay $0x1  }
0x8a: {  	s1 =	srdreg.scid  }
0x8b: {  	s0 =	sand.u32 $0x1, s1  }
0x8c: {  	s17 =	sshll.u32 s0, $0xA;
	s2 =	sadd.s32 s3, s2  }
0x8d: {  	s2 =	sadd.s32 s2, s17  }
0x8e: {  	[smem:$0x3FBE] =	sst s2  }
0x8f: {  	_ = 	snop  }
0x90: {  	s2 =	sld [smem:$0x3FD0];
	(tm) =	ssettm $0x1  }
0x91: {  	s18 =	sld [smem:$0x3FFB];
	_ =	sdelay $0x3  }
0x92: {  	_ =	strace s18  }
0x93: {  	s3 =	sld [smem:$0x3FFC];
	_ =	sdelay $0x3  }
0x94: {  	_ =	strace s3  }
0x95: {  	s3 =	sld [smem:$0x3FFD];
	_ =	sdelay $0x3  }
0x96: {  	_ =	strace s3  }
0x97: {  	_ =	strace $0x8FFFFFFF  }
0x98: {  	s19 =	sld [smem:$0x3FDB];
	_ =	sdelay $0x1  }
0x99: {  	s4 =	simm.s32 $_scs_section_size  }
0x9a: {  	s5 =	simm.s32 $_size__tile_overlayer_lowered;
	s6 =	simm.s32 $_tile_overlayer_lowered  }
0x9b: {  	s22 =	simm.s32 $0x1BFF;
	s21 =	sshll.u32 s6, $0x1;
	s3 =	sadd.s32 s4, s19  }
0x9c: {  	s7 =	simm.s32 $0x0;
	s20 =	sshll.u32 s5, $0x1;
	s5 =	sadd.s32 s21, s3  }
0x9d: {  	[timem:s7], [sflag:s22] =	dma.local [hbm:s5], s20  }
0x9e: {  	_ =	swait.ge [sflag:s22], s20  }
0x9f: {  	s4 =	ssub.s32 $0x0, s20;
	[sflag:s22] =	ssyncset.done $0x0  }
0xa0: {  	[sflag:s22] =	ssyncadd.s32 s4;
	_ =	sdelay $0x1  }
0xa1: {  	s23 =	simm.s32 $0x1B8B  }
0xa2: {  	_ =	swait.ge [sflag:s23], $0x1  }
0xa3: {  	[sflag:s23] =	ssyncset.done $0x0  }
0xa4: {  	s25 =	simm.s32 $0x1B8E;
	s24 =	sld [smem:$0x3FFE];
	[sflag:s23] =	ssyncadd.s32 $0xFFFFFFFF  }
0xa5: {  	s26 =	simm.s32 $execute0_lowered;
	[smem:$0x3FD2] =	sst s25  }
0xa6: {  	s5 =	sshll.u32 s26, $0x1;
	_ =	strace $0x80000046;
	[dreg:$0x1] =	wrdreg $0xFFFFFFFF  }
0xa7: {  	s28 =	simm.s32 $_size_execute0_lowered;
	s3 =	sadd.s32 s3, s5;
	[dreg:$0x0] =	wrdreg $0x0  }
0xa8: {  	s5 =	sshll.u32 s28, $0x1;
	[dreg:$0x2] =	wrdreg s3  }
0xa9: {  	[dreg:$0x3] =	wrdreg s5  }
0xaa: {  	[dreg:$0x4] =	wrdreg $0xC0  }
0xab: {  	_ =	task [dreg:s7], $0x5FFFF  }
0xac: {  	[dreg:$0x1] =	wrdreg $0xFFFFFFFF  }
0xad: {  	[dreg:$0x0] =	wrdreg $0x60  }
0xae: {  	[dreg:$0x2] =	wrdreg s24  }
0xaf: {  	[dreg:$0x3] =	wrdreg s2  }
0xb0: {  	[dreg:$0x4] =	wrdreg $0x148200  }
0xb1: {  	[dreg:$0x5] =	wrdreg $0x9  }
0xb2: {  	_ =	task.clear_ibuf [dreg:s7], $0x6FFFF;
	_ =	strace $0x90000046  }
0xb3: {  	s29 =	simm.s32 $0x9;
	_ =	strace $0x80000048  }
0xb4: {  	_ =	swait.ge [sflag:s29], $0x1  }
0xb5: {  	[sflag:s29] =	ssyncadd.s32 $0xFFFFFFFF  }
0xb6: {  	_ =	strace $0x90000048  }
0xb7: {  	_ =	sfence  }
0xb8: {  	s30 =	sld [smem:$0x0];
	_ =	sdelay $0x2  }
0xb9: {  	s31 =	sshll.u32 s1, $0xD;
	s1 =	sshrl.u32 s1, $0x2  }
0xba: {  	s3 =	sand.u32 $0x4000, s31;
	s1 =	sadd.s32 s1, s30  }
0xbb: {  	s0 =	sor.u32 s3, s0;
	s1 =	sshll.u32 s1, $0x11  }
0xbc: {  	s0 =	sor.u32 s1, s0  }
0xbd: {  	s0 =	sadd.s32 $0x8F2B, s0  }
0xbe: {  	[sflag:s0] =	ssyncadd.remote.s32 $0x1  }
0xbf: {  	_ =	sfence.sel $0xFFFF  }
0xc0: {  	[dreg:$0x0] =	wrdreg $0xFFFFFFFF;
	(pc) =	sbr.abs _section_cstart, $3  }
0xc1: {  	[dreg:$0x1] =	wrdreg $0xFFFFFFFF  }
0xc2: {  	_ =	task.clear_ibuf [dreg:s7], $0x2FFFF;
	_ =	strace $0x9FFFFFFF  }
0xc3: {  	(tm) =	ssettm $0x7FFFFFFF  }
tec
execute0_lowered:
.L_overlay_start_1:
0x0: {  	(tag) =	ssettag $0x1  }
0x1: {  	s1 =	srdreg.scid;
	s0 =	stileid.u32  }
0x2: {  	s29 =	sand.u32 $0x1, s1;
	s20 =	sshll.u32 s0, $0x1  }
0x3: {  	s28 =	rddreg [dreg:$0x0];
	s1 =	sor.u32 s29, s20  }
0x4: {  	s4 =	rddreg [dreg:$0x1];
	s5 =	smul.u32 $0x2710, s1  }
0x5: {  	s2 =	rddreg [dreg:$0x2];
	s3 =	simm.s32 $0x0  }
0x6: {  	[smem:$0x7FF] =	sst s3;
	s6 =	sadd.s32 $0x7800, s28;
	s5 =	sshrl.u32 s5, $0x3  }
0x7: {  	_ =	strace $0x80000047;
	[dreg:$0x4] =	wrdreg s6;
	s4 =	sadd.s32 s4, s5  }
0x8: {  	s19 =	rddreg [dreg:$0x4];
	s5 =	sadd.s32 $0x9C40, s4  }
0x9: {  	[tilespmem:s3], [sflag:$0x5] =	stream.linear.gather [hbm4b:s4+s3], $0x7D0, $0x38;
	[tilespmem:$0x16F30] =	vst v63  }
0xa: {  	s21 =	sadd.s32 $0xFA, s4;
	[dreg:$0x5] =	wrdreg s5  }
0xb: {  	s22 =	sadd.s32 $0x9D3A, s4;
	[dreg:$0x6] =	wrdreg s21  }
0xc: {  	s23 =	sadd.s32 $0x1F4, s4;
	[dreg:$0x7] =	wrdreg s22  }
0xd: {  	s24 =	sadd.s32 $0x9E34, s4;
	[dreg:$0x8] =	wrdreg s23  }
0xe: {  	s25 =	sadd.s32 $0x2EE, s4;
	[dreg:$0x9] =	wrdreg s24  }
0xf: {  	s26 =	sadd.s32 $0x9F2E, s4;
	[dreg:$0xa] =	wrdreg s25  }
0x10: {  	[dreg:$0xb] =	wrdreg s26  }
0x11: {  	s5 =	simm.s32 $0x2710;
	s31 =	rddreg [dreg:$0x5]  }
0x12: {  	[tilespmem:s5], [sflag:$0x5] =	stream.linear.gather [hbm4b:s31+s3], $0x7D0, $0x38;
	[tilespmem:$0x16F30] =	vst v63  }
0x13: {  	s10 =	simm.s32 $0x36B0;
	s6 =	simm.s32 $0x7D0;
	s7 =	rddreg [dreg:$0x6]  }
0x14: {  	[tilespmem:s6], [sflag:$0x5] =	stream.linear.gather [hbm4b:s7+s3], $0x7D0, $0x38;
	[tilespmem:$0x16F30] =	vst v63  }
0x15: {  	s13 =	smul.u32 $0xFA00, s0;
	s8 =	rddreg [dreg:$0x7];
	s7 =	simm.s32 $0x2EE0  }
0x16: {  	[tilespmem:s7], [sflag:$0x5] =	stream.linear.gather [hbm4b:s8+s3], $0x7D0, $0x38;
	[tilespmem:$0x16F30] =	vst v63  }
0x17: {  	p0 =	sgt.u32 s0, $0x9;
	s9 =	rddreg [dreg:$0x8];
	s8 =	simm.s32 $0xFA0  }
0x18: {  	[tilespmem:s8], [sflag:$0x5] =	stream.linear.gather [hbm4b:s9+s3], $0x7D0, $0x38;
	[tilespmem:$0x16F30] =	vst v63  }
0x19: {  	s18 =	sshll.u32 @!p0 s0, $0x6;
	s15 =	sshrl.u32 s13, $0x2;
	s11 =	rddreg [dreg:$0x9]  }
0x1a: {  	[tilespmem:s10], [sflag:$0x5] =	stream.linear.gather [hbm4b:s11+s3], $0x7D0, $0x38;
	[tilespmem:$0x16F30] =	vst v63  }
0x1b: {  	s13 =	simm.s32 $0x3E80;
	s12 =	rddreg [dreg:$0xa];
	s11 =	simm.s32 $0x1770  }
0x1c: {  	[tilespmem:s11], [sflag:$0x5] =	stream.linear.gather [hbm4b:s12+s3], $0x7D0, $0x38;
	[tilespmem:$0x16F30] =	vst v63  }
0x1d: {  	s18 =	sor.u32 @!p0 $0x1C06, s18;
	s16 =	sadd.s32 s15, s2;
	s14 =	rddreg [dreg:$0xb]  }
0x1e: {  	[tilespmem:s13], [sflag:$0x5] =	stream.linear.gather [hbm4b:s14+s3], $0x7D0, $0x38;
	[tilespmem:$0x16F30] =	vst v63  }
0x1f: {  	s15 =	simm.s32 $0x4650;
	s9 =	sadd.s32 $0x3E8, s4;
	s14 =	simm.s32 $0x1F40  }
0x20: {  	[tilespmem:s14], [sflag:$0x5] =	stream.linear.gather [hbm4b:s9+s3], $0x7D0, $0x38;
	[tilespmem:$0x16F30] =	vst v63  }
0x21: {  	s17 =	sshrl.u32 @!p0 s16, $0x3;
	s16 =	simm.s32 @!p0 $0x6;
	s12 =	sadd.s32 $0xA028, s4  }
0x22: {  	[tilespmem:s15], [sflag:$0x5] =	stream.linear.gather [hbm4b:s12+s3], $0x7D0, $0x38;
	[tilespmem:$0x16F30] =	vst v63  }
0x23: {  	[spmem:s17], [sflag:s18] =	dma.local @!p0 [hbm:s19], $0x7D0  }
0x24: {  	_ =	swait.ge @!p0 [sflag:s16], $0x7D0  }
0x25: {  	[sflag:s16] =	ssyncset.done @!p0 $0x0  }
0x26: {  	s19 =	simm.s32 $0x5;
	[sflag:s16] =	ssyncadd.s32 @!p0 $0xFFFFF830  }
0x27: {  	_ =	swait.ge [sflag:s19], $0x7D0  }
0x28: {  	[sflag:s19] =	ssyncset.done $0x0  }
0x29: {  	[sflag:s19] =	ssyncadd.s32 $0xFFFFF830  }
0x2a: {  	_ =	swait.ge [sflag:s19], $0x7D0  }
0x2b: {  	[sflag:s19] =	ssyncset.done $0x0  }
0x2c: {  	[sflag:s19] =	ssyncadd.s32 $0xFFFFF830  }
0x2d: {  	_ =	swait.ge [sflag:s19], $0x7D0  }
0x2e: {  	[sflag:s19] =	ssyncset.done $0x0  }
0x2f: {  	[sflag:s19] =	ssyncadd.s32 $0xFFFFF830  }
0x30: {  	_ =	swait.ge [sflag:s19], $0x7D0  }
0x31: {  	[sflag:s19] =	ssyncset.done $0x0  }
0x32: {  	[sflag:s19] =	ssyncadd.s32 $0xFFFFF830  }
0x33: {  	_ =	swait.ge [sflag:s19], $0x7D0  }
0x34: {  	[sflag:s19] =	ssyncset.done $0x0  }
0x35: {  	[sflag:s19] =	ssyncadd.s32 $0xFFFFF830  }
0x36: {  	_ =	swait.ge [sflag:s19], $0x7D0  }
0x37: {  	[sflag:s19] =	ssyncset.done $0x0  }
0x38: {  	[sflag:s19] =	ssyncadd.s32 $0xFFFFF830  }
0x39: {  	_ =	swait.ge [sflag:s19], $0x7D0  }
0x3a: {  	[sflag:s19] =	ssyncset.done $0x0  }
0x3b: {  	[sflag:s19] =	ssyncadd.s32 $0xFFFFF830  }
0x3c: {  	_ =	swait.ge [sflag:s19], $0x7D0  }
0x3d: {  	[sflag:s19] =	ssyncset.done $0x0  }
0x3e: {  	[sflag:s19] =	ssyncadd.s32 $0xFFFFF830  }
0x3f: {  	_ =	swait.ge [sflag:s19], $0x7D0  }
0x40: {  	[sflag:s19] =	ssyncset.done $0x0  }
0x41: {  	[sflag:s19] =	ssyncadd.s32 $0xFFFFF830  }
0x42: {  	_ =	swait.ge [sflag:s19], $0x7D0  }
0x43: {  	[sflag:s19] =	ssyncset.done $0x0  }
0x44: {  	s20 =	sadd.s32 $0x2800, s28;
	[sflag:s19] =	ssyncadd.s32 $0xFFFFF830  }
0x45: {  	s21 =	simm.s32 $0x4E20;
	s22 =	simm.s32 $0x1;
	[bflag:$0x0] =	sbarrier.arrive $0xFFFF  }
0x46: {  	[tilespmem:s21], [sflag:$0x1] =	stream.indirect.gather [hbm4b:s20+s6], $0x10, s3, s6, $0xb8;
	[tilespmem:$0x16F30] =	vst v63  }
0x47: {  	_ =	swait.ge [sflag:s22], $0x7D00  }
0x48: {  	[sflag:s22] =	ssyncset.done $0x0  }
0x49: {  	[sflag:s22] =	ssyncadd.s32 $0xFFFF8300  }
0x4a: {  	[spmem:s2] =	stream.indirect.scatter.add.f32 [tilespmem:s21], [sflag:$0x3], $0x10, s5, s6, $0xb8;
	[tilespmem:$0x16F30] =	vst v63  }
0x4b: {  	s23 =	simm.s32 $0xCB20;
	s24 =	simm.s32 $0x2  }
0x4c: {  	[tilespmem:s23], [sflag:$0x2] =	stream.indirect.gather [hbm4b:s20+s6], $0x10, s6, s6, $0xb8;
	[tilespmem:$0x16F30] =	vst v63  }
0x4d: {  	_ =	swait.ge [sflag:s24], $0x7D00  }
0x4e: {  	[sflag:s24] =	ssyncset.done $0x0  }
0x4f: {  	s25 =	simm.s32 $0x3;
	[sflag:s24] =	ssyncadd.s32 $0xFFFF8300  }
0x50: {  	[spmem:s2] =	stream.indirect.scatter.add.f32 [tilespmem:s23], [sflag:$0x4], $0x10, s7, s6, $0xb8;
	[tilespmem:$0x16F30] =	vst v63  }
0x51: {  	_ =	swait.ge [sflag:s25], $0x7D00  }
0x52: {  	[sflag:s25] =	ssyncset.done $0x0  }
0x53: {  	[sflag:s25] =	ssyncadd.s32 $0xFFFF8300  }
0x54: {  	[tilespmem:s21], [sflag:$0x1] =	stream.indirect.gather [hbm4b:s20+s6], $0x10, s8, s6, $0xb8;
	[tilespmem:$0x16F30] =	vst v63  }
0x55: {  	_ =	swait.ge [sflag:s22], $0x7D00  }
0x56: {  	[sflag:s22] =	ssyncset.done $0x0  }
0x57: {  	s26 =	simm.s32 $0x4;
	[sflag:s22] =	ssyncadd.s32 $0xFFFF8300  }
0x58: {  	[spmem:s2] =	stream.indirect.scatter.add.f32 [tilespmem:s21], [sflag:$0x3], $0x10, s10, s6, $0xb8;
	[tilespmem:$0x16F30] =	vst v63  }
0x59: {  	_ =	swait.ge [sflag:s26], $0x7D00  }
0x5a: {  	[sflag:s26] =	ssyncset.done $0x0  }
0x5b: {  	[sflag:s26] =	ssyncadd.s32 $0xFFFF8300  }
0x5c: {  	[tilespmem:s23], [sflag:$0x2] =	stream.indirect.gather [hbm4b:s20+s6], $0x10, s11, s6, $0xb8;
	[tilespmem:$0x16F30] =	vst v63  }
0x5d: {  	_ =	swait.ge [sflag:s24], $0x7D00  }
0x5e: {  	[sflag:s24] =	ssyncset.done $0x0  }
0x5f: {  	[sflag:s24] =	ssyncadd.s32 $0xFFFF8300  }
0x60: {  	[spmem:s2] =	stream.indirect.scatter.add.f32 [tilespmem:s23], [sflag:$0x4], $0x10, s13, s6, $0xb8;
	[tilespmem:$0x16F30] =	vst v63  }
0x61: {  	_ =	swait.ge [sflag:s25], $0x7D00  }
0x62: {  	s30 =	smul.u32 $0x27100, s29;
	[sflag:s25] =	ssyncset.done $0x0  }
0x63: {  	s31 =	smul.u32 $0x3E80, s0;
	[sflag:s25] =	ssyncadd.s32 $0xFFFF8300  }
0x64: {  	[tilespmem:s21], [sflag:$0x1] =	stream.indirect.gather [hbm4b:s20+s6], $0x10, s14, s6, $0xb8;
	[tilespmem:$0x16F30] =	vst v63  }
0x65: {  	s30 =	sadd.s32 s31, s30;
	_ =	swait.ge [sflag:s22], $0x7D00  }
0x66: {  	s29 =	ssub.s32 $0x2, s29;
	s30 =	sshrl.u32 s30, $0x3;
	[sflag:s22] =	ssyncset.done $0x0  }
0x67: {  	s28 =	sadd.s32 s30, s28;
	s30 =	sshrl.u32 s29, $0x1;
	[sflag:s22] =	ssyncadd.s32 $0xFFFF8300  }
0x68: {  	[spmem:s2] =	stream.indirect.scatter.add.f32 [tilespmem:s21], [sflag:$0x3], $0x10, s15, s6, $0xb8;
	[tilespmem:$0x16F30] =	vst v63  }
0x69: {  	s29 =	ssub.s32 s29, s30;
	_ =	swait.ge [sflag:s25], $0x7D00  }
0x6a: {  	s30 =	sadd.s32 s31, s2;
	s1 =	smax.u32 s29, $0x1;
	[sflag:s25] =	ssyncset.done $0x0  }
0x6b: {  	s29 =	sshrl.u32 @!p0 s30, $0x3;
	s30 =	sadd.s32 $0xFFFFFFFF, s1;
	[sflag:s25] =	ssyncadd.s32 $0xFFFF8300  }
0x6c: {  	p1 =	sne.s32 s30, $0x0;
	_ =	swait.ge [sflag:s26], $0x7D00  }
.Ltmp0:
0x6d: {  	[sflag:s26] =	ssyncset.done $0x0;
	(pc) =	sbr.rel @!p1 .LBB2_2-.Ltmp0, $4  }
0x6e: {  	[sflag:s26] =	ssyncadd.s32 $0xFFFF8300  }
0x6f: {  	s28 =	sadd.s32 $0x8000, s28;
	[bflag:$0x0] =	sbarrier.arrive $0xFFFF  }
0x70: {  	[hbm:s28], [sflag:s18] =	dma.local @!p0 [spmem:s29], $0x7D0  }
0x71: {  	_ =	swait.ge @!p0 [sflag:s16], $0x7D0  }
.LBB2_1:
0x72: {  	[sflag:s16] =	ssyncset.done @!p0 $0x0  }
0x73: {  	[sflag:s16] =	ssyncadd.s32 @!p0 $0xFFFFF830  }
0x74: {  	[tilespmem:s3], [sflag:$0x5] =	stream.linear.gather [hbm4b:s4+s3], $0x7D0, $0x38;
	[tilespmem:$0x16F30] =	vst v63  }
0x75: {  	s31 =	rddreg [dreg:$0x5]  }
0x76: {  	[tilespmem:s5], [sflag:$0x5] =	stream.linear.gather [hbm4b:s31+s3], $0x7D0, $0x38;
	[tilespmem:$0x16F30] =	vst v63  }
0x77: {  	s1 =	rddreg [dreg:$0x6]  }
0x78: {  	[tilespmem:s6], [sflag:$0x5] =	stream.linear.gather [hbm4b:s1+s3], $0x7D0, $0x38;
	[tilespmem:$0x16F30] =	vst v63  }
0x79: {  	s31 =	rddreg [dreg:$0x7]  }
0x7a: {  	[tilespmem:s7], [sflag:$0x5] =	stream.linear.gather [hbm4b:s31+s3], $0x7D0, $0x38;
	[tilespmem:$0x16F30] =	vst v63  }
0x7b: {  	s1 =	rddreg [dreg:$0x8]  }
0x7c: {  	[tilespmem:s8], [sflag:$0x5] =	stream.linear.gather [hbm4b:s1+s3], $0x7D0, $0x38;
	[tilespmem:$0x16F30] =	vst v63  }
0x7d: {  	s31 =	rddreg [dreg:$0x9]  }
0x7e: {  	[tilespmem:s10], [sflag:$0x5] =	stream.linear.gather [hbm4b:s31+s3], $0x7D0, $0x38;
	[tilespmem:$0x16F30] =	vst v63  }
0x7f: {  	s1 =	rddreg [dreg:$0xa]  }
0x80: {  	[tilespmem:s11], [sflag:$0x5] =	stream.linear.gather [hbm4b:s1+s3], $0x7D0, $0x38;
	[tilespmem:$0x16F30] =	vst v63  }
0x81: {  	s31 =	rddreg [dreg:$0xb]  }
0x82: {  	[tilespmem:s13], [sflag:$0x5] =	stream.linear.gather [hbm4b:s31+s3], $0x7D0, $0x38;
	[tilespmem:$0x16F30] =	vst v63  }
0x83: {  	_ = 	snop  }
0x84: {  	[tilespmem:s14], [sflag:$0x5] =	stream.linear.gather [hbm4b:s9+s3], $0x7D0, $0x38;
	[tilespmem:$0x16F30] =	vst v63  }
0x85: {  	s1 =	rddreg [dreg:$0x4]  }
0x86: {  	[tilespmem:s15], [sflag:$0x5] =	stream.linear.gather [hbm4b:s12+s3], $0x7D0, $0x38;
	[tilespmem:$0x16F30] =	vst v63  }
0x87: {  	[spmem:s17], [sflag:s18] =	dma.local @!p0 [hbm:s1], $0x7D0  }
0x88: {  	_ =	swait.ge @!p0 [sflag:s16], $0x7D0  }
0x89: {  	[sflag:s16] =	ssyncset.done @!p0 $0x0  }
0x8a: {  	[sflag:s16] =	ssyncadd.s32 @!p0 $0xFFFFF830  }
0x8b: {  	_ =	swait.ge [sflag:s19], $0x7D0  }
0x8c: {  	[sflag:s19] =	ssyncset.done $0x0  }
0x8d: {  	[sflag:s19] =	ssyncadd.s32 $0xFFFFF830  }
0x8e: {  	_ =	swait.ge [sflag:s19], $0x7D0  }
0x8f: {  	[sflag:s19] =	ssyncset.done $0x0  }
0x90: {  	[sflag:s19] =	ssyncadd.s32 $0xFFFFF830  }
0x91: {  	_ =	swait.ge [sflag:s19], $0x7D0  }
0x92: {  	[sflag:s19] =	ssyncset.done $0x0  }
0x93: {  	[sflag:s19] =	ssyncadd.s32 $0xFFFFF830  }
0x94: {  	_ =	swait.ge [sflag:s19], $0x7D0  }
0x95: {  	[sflag:s19] =	ssyncset.done $0x0  }
0x96: {  	[sflag:s19] =	ssyncadd.s32 $0xFFFFF830  }
0x97: {  	_ =	swait.ge [sflag:s19], $0x7D0  }
0x98: {  	[sflag:s19] =	ssyncset.done $0x0  }
0x99: {  	[sflag:s19] =	ssyncadd.s32 $0xFFFFF830  }
0x9a: {  	_ =	swait.ge [sflag:s19], $0x7D0  }
0x9b: {  	[sflag:s19] =	ssyncset.done $0x0  }
0x9c: {  	[sflag:s19] =	ssyncadd.s32 $0xFFFFF830  }
0x9d: {  	_ =	swait.ge [sflag:s19], $0x7D0  }
0x9e: {  	[sflag:s19] =	ssyncset.done $0x0  }
0x9f: {  	[sflag:s19] =	ssyncadd.s32 $0xFFFFF830  }
0xa0: {  	_ =	swait.ge [sflag:s19], $0x7D0  }
0xa1: {  	[sflag:s19] =	ssyncset.done $0x0  }
0xa2: {  	[sflag:s19] =	ssyncadd.s32 $0xFFFFF830  }
0xa3: {  	_ =	swait.ge [sflag:s19], $0x7D0  }
0xa4: {  	[sflag:s19] =	ssyncset.done $0x0  }
0xa5: {  	[sflag:s19] =	ssyncadd.s32 $0xFFFFF830  }
0xa6: {  	_ =	swait.ge [sflag:s19], $0x7D0  }
0xa7: {  	[sflag:s19] =	ssyncset.done $0x0  }
0xa8: {  	[sflag:s19] =	ssyncadd.s32 $0xFFFFF830  }
0xa9: {  	[bflag:$0x0] =	sbarrier.arrive $0xFFFF  }
0xaa: {  	[tilespmem:s21], [sflag:$0x1] =	stream.indirect.gather [hbm4b:s20+s6], $0x10, s3, s6, $0xb8;
	[tilespmem:$0x16F30] =	vst v63  }
0xab: {  	_ =	swait.ge [sflag:s22], $0x7D00  }
0xac: {  	[sflag:s22] =	ssyncset.done $0x0  }
0xad: {  	[sflag:s22] =	ssyncadd.s32 $0xFFFF8300  }
0xae: {  	[spmem:s2] =	stream.indirect.scatter.add.f32 [tilespmem:s21], [sflag:$0x3], $0x10, s5, s6, $0xb8;
	[tilespmem:$0x16F30] =	vst v63  }
0xaf: {  	_ = 	snop  }
0xb0: {  	[tilespmem:s23], [sflag:$0x2] =	stream.indirect.gather [hbm4b:s20+s6], $0x10, s6, s6, $0xb8;
	[tilespmem:$0x16F30] =	vst v63  }
0xb1: {  	_ =	swait.ge [sflag:s24], $0x7D00  }
0xb2: {  	[sflag:s24] =	ssyncset.done $0x0  }
0xb3: {  	[sflag:s24] =	ssyncadd.s32 $0xFFFF8300  }
0xb4: {  	[spmem:s2] =	stream.indirect.scatter.add.f32 [tilespmem:s23], [sflag:$0x4], $0x10, s7, s6, $0xb8;
	[tilespmem:$0x16F30] =	vst v63  }
0xb5: {  	_ =	swait.ge [sflag:s25], $0x7D00  }
0xb6: {  	[sflag:s25] =	ssyncset.done $0x0  }
0xb7: {  	[sflag:s25] =	ssyncadd.s32 $0xFFFF8300  }
0xb8: {  	[tilespmem:s21], [sflag:$0x1] =	stream.indirect.gather [hbm4b:s20+s6], $0x10, s8, s6, $0xb8;
	[tilespmem:$0x16F30] =	vst v63  }
0xb9: {  	_ =	swait.ge [sflag:s22], $0x7D00  }
0xba: {  	[sflag:s22] =	ssyncset.done $0x0  }
0xbb: {  	[sflag:s22] =	ssyncadd.s32 $0xFFFF8300  }
0xbc: {  	[spmem:s2] =	stream.indirect.scatter.add.f32 [tilespmem:s21], [sflag:$0x3], $0x10, s10, s6, $0xb8;
	[tilespmem:$0x16F30] =	vst v63  }
0xbd: {  	_ =	swait.ge [sflag:s26], $0x7D00  }
0xbe: {  	[sflag:s26] =	ssyncset.done $0x0  }
0xbf: {  	[sflag:s26] =	ssyncadd.s32 $0xFFFF8300  }
0xc0: {  	[tilespmem:s23], [sflag:$0x2] =	stream.indirect.gather [hbm4b:s20+s6], $0x10, s11, s6, $0xb8;
	[tilespmem:$0x16F30] =	vst v63  }
0xc1: {  	_ =	swait.ge [sflag:s24], $0x7D00  }
0xc2: {  	[sflag:s24] =	ssyncset.done $0x0  }
0xc3: {  	[sflag:s24] =	ssyncadd.s32 $0xFFFF8300  }
0xc4: {  	[spmem:s2] =	stream.indirect.scatter.add.f32 [tilespmem:s23], [sflag:$0x4], $0x10, s13, s6, $0xb8;
	[tilespmem:$0x16F30] =	vst v63  }
0xc5: {  	_ =	swait.ge [sflag:s25], $0x7D00  }
0xc6: {  	[sflag:s25] =	ssyncset.done $0x0  }
0xc7: {  	[sflag:s25] =	ssyncadd.s32 $0xFFFF8300  }
0xc8: {  	[tilespmem:s21], [sflag:$0x1] =	stream.indirect.gather [hbm4b:s20+s6], $0x10, s14, s6, $0xb8;
	[tilespmem:$0x16F30] =	vst v63  }
0xc9: {  	_ =	swait.ge [sflag:s22], $0x7D00  }
0xca: {  	[sflag:s22] =	ssyncset.done $0x0  }
0xcb: {  	[sflag:s22] =	ssyncadd.s32 $0xFFFF8300  }
0xcc: {  	[spmem:s2] =	stream.indirect.scatter.add.f32 [tilespmem:s21], [sflag:$0x3], $0x10, s15, s6, $0xb8;
	[tilespmem:$0x16F30] =	vst v63  }
0xcd: {  	_ =	swait.ge [sflag:s25], $0x7D00  }
0xce: {  	[sflag:s25] =	ssyncset.done $0x0  }
0xcf: {  	s30 =	sadd.s32 $0xFFFFFFFF, s30;
	[sflag:s25] =	ssyncadd.s32 $0xFFFF8300  }
0xd0: {  	p1 =	sne.s32 s30, $0x0;
	_ =	swait.ge [sflag:s26], $0x7D00  }
.Ltmp1:
0xd1: {  	[sflag:s26] =	ssyncset.done $0x0;
	(pc) =	sbr.rel @p1 .LBB2_1-.Ltmp1, $4  }
0xd2: {  	[sflag:s26] =	ssyncadd.s32 $0xFFFF8300  }
0xd3: {  	[bflag:$0x0] =	sbarrier.arrive $0xFFFF  }
0xd4: {  	[hbm:s28], [sflag:s18] =	dma.local @!p0 [spmem:s29], $0x7D0  }
0xd5: {  	_ =	swait.ge @!p0 [sflag:s16], $0x7D0  }
.LBB2_2:
0xd6: {  	[sflag:s16] =	ssyncset.done @!p0 $0x0  }
0xd7: {  	[sflag:s16] =	ssyncadd.s32 @!p0 $0xFFFFF830  }
0xd8: {  	_ =	sfence.sel $0x180000  }
0xd9: {  	[bflag:$0x0] =	sbarrier.arrive $0xFFFF  }
0xda: {  	_ =	strace $0x90000047  }
0xdb: {  	[bflag:$0x2] =	sbarrier.arrive $0xFFFF  }
0xdc: {  	p0 =	sne.s32 s0, $0x0;
	s0 =	rddreg [dreg:$0x3]  }
0xdd: {  	s0 =	sadd.s32 @!p0 $0x100000, s0  }
0xde: {  	[sflag:s0] =	ssyncadd.tile.s32 @!p0 $0x1;
	_ =	shalt  }
.Lfunc_end2:
_tile_overlayer_lowered:
.L_overlay_start_2:
0xdf: {  	(tag) =	ssettag $0x2  }
0xe0: {  	s0 =	rddreg [dreg:$0x0];
	s2 =	stileid.u32  }
0xe1: {  	s1 =	rddreg [dreg:$0x1];
	p0 =	sne.s32 s2, $0x0  }
0xe2: {  	s3 =	rddreg [dreg:$0x2];
	[bflag:$0x3] =	sbarrier.arrive $0xFFFF;
	s2 =	simm.s32 @!p0 $0x1C06  }
0xe3: {  	[timem:s3], [sflag:s2] =	dma.local @!p0 [hbm:s0], s1  }
0xe4: {  	s0 =	simm.s32 @!p0 $0x6  }
0xe5: {  	_ =	swait.ge @!p0 [sflag:s0], s1  }
0xe6: {  	s1 =	ssub.s32 @!p0 $0x0, s1;
	[sflag:s0] =	ssyncset.done @!p0 $0x0  }
0xe7: {  	[sflag:s0] =	ssyncadd.s32 @!p0 s1  }
0xe8: {  	[bflag:$0x3] =	sbarrier.arrive $0xFFFF  }
0xe9: {  	_ =	shalt  }

</sc_bundles>
